<compile_context>
chip_gen: v7x
topology: tpu7x:2x2x1
jax: 0.10.2.dev20260603
libtpu: 0.0.44.dev20260713+nightly
codegen_flags: <defaults>
</compile_context>

<pallas_src>
import jax
import jax.numpy as jnp
from jax import lax
from jax.experimental import pallas as pl
from jax.experimental.pallas import tpu as pltpu
from jax.experimental.pallas import tpu_sc as plsc

N = 10000
D = 128
E = 320000

NC = 2
NS = 16
NW = NC * NS
CH = 128
NPAD = 10240
RPT = NPAD // NS
ECH = 2560
EPAD = ECH * CH
CPT = ECH // NW

NB = 4
NG = CPT // NB
GS = 8
NGRP = CPT // GS

_f32 = jnp.float32


def _widx(cid, sid):
    return cid * NS + sid


def _zero16():
    return jnp.zeros((16,), _f32)


def _deg_body(dst_hbm, out_hbm, dstv, ones_v, zb_v, acc_sp):
    cid = lax.axis_index("c")
    sid = lax.axis_index("s")
    wid = _widx(cid, sid)
    z16 = _zero16()
    o16 = jnp.ones((16,), _f32)
    for i in range(CH // 16):
        ones_v[pl.ds(i * 16, 16)] = o16
        zb_v[pl.ds(i * 16, 16)] = z16
    for k in range(RPT // CH):
        pltpu.sync_copy(zb_v, acc_sp.at[pl.ds(sid * RPT + k * CH, CH)])
    pltpu.sync_copy(dst_hbm.at[pl.ds(wid * CPT, CPT)], dstv)
    plsc.subcore_barrier()

    def chunk(j, c):
        pltpu.sync_copy(ones_v, acc_sp.at[dstv.at[j]], add=True)
        return c

    lax.fori_loop(0, CPT, chunk, 0)
    plsc.subcore_barrier()
    pltpu.sync_copy(acc_sp.at[pl.ds(sid * RPT, RPT)],
                    out_hbm.at[cid, pl.ds(sid * RPT, RPT)])


def _row_body(y_hbm, src_hbm, dst_hbm, out_hbm,
              sidx0, sidx1, didx0, didx1, r0, r1,
              gs0, gs1, is0, is1, acc_sp):
    bufs = (r0, r1)
    gsem = (gs0, gs1)
    sidx = (sidx0, sidx1)
    didx = (didx0, didx1)
    isem = (is0, is1)
    cid = lax.axis_index("c")
    sid = lax.axis_index("s")
    wid = _widx(cid, sid)
    z16 = _zero16()

    def zrow(r, c):
        for l in range(D // 16):
            r0[r, pl.ds(l * 16, 16)] = z16
        return c

    lax.fori_loop(0, CH, zrow, 0)
    for k in range(RPT // CH):
        pltpu.sync_copy(r0, acc_sp.at[pl.ds(sid * RPT + k * CH, CH)])
    plsc.subcore_barrier()

    ebase = wid * CPT
    pltpu.sync_copy(src_hbm.at[pl.ds(ebase, GS)], sidx0)
    pltpu.sync_copy(dst_hbm.at[pl.ds(ebase, GS)], didx0)
    pltpu.async_copy(src_hbm.at[pl.ds(ebase + GS, GS)], sidx1, is1)
    pltpu.async_copy(dst_hbm.at[pl.ds(ebase + GS, GS)], didx1, is1)
    pltpu.async_copy(y_hbm.at[sidx0.at[0]], r0, gs0)
    pltpu.async_copy(y_hbm.at[sidx0.at[1]], r1, gs1)

    def _wait_idx(p):
        pltpu.make_async_copy(src_hbm.at[pl.ds(0, GS)], sidx[p], isem[p]).wait()
        pltpu.make_async_copy(dst_hbm.at[pl.ds(0, GS)], didx[p], isem[p]).wait()

    def pair(q, c):
        for par in range(2):
            g = 2 * q + par
            pn = 1 - par
            for b8 in range(GS):
                bp = b8 % 2
                pltpu.make_async_copy(y_hbm.at[sidx[par].at[0]],
                                      bufs[bp], gsem[bp]).wait()
                pltpu.sync_copy(bufs[bp], acc_sp.at[didx[par].at[b8]], add=True)
                if b8 < GS - 2:
                    pltpu.async_copy(y_hbm.at[sidx[par].at[b8 + 2]],
                                     bufs[bp], gsem[bp])
                else:
                    if b8 == GS - 2:
                        @pl.when(g < NGRP - 1)
                        def _():
                            _wait_idx(pn)

                    @pl.when(g < NGRP - 1)
                    def _():
                        pltpu.async_copy(y_hbm.at[sidx[pn].at[b8 - (GS - 2)]],
                                         bufs[bp], gsem[bp])

            @pl.when(g + 2 < NGRP)
            def _():
                off = ebase + (g + 2) * GS
                pltpu.async_copy(src_hbm.at[pl.ds(off, GS)], sidx[par],
                                 isem[par])
                pltpu.async_copy(dst_hbm.at[pl.ds(off, GS)], didx[par],
                                 isem[par])

        return c

    lax.fori_loop(0, NGRP // 2, pair, 0)
    plsc.subcore_barrier()
    pltpu.sync_copy(acc_sp.at[pl.ds(sid * RPT, RPT)],
                    out_hbm.at[cid, pl.ds(sid * RPT, RPT)])


def _sca_body(t_hbm, src_hbm, dst_hbm, out_hbm, srcv, dstv,
              v0, v1, v2, v3, g0, g1, g2, g3, t_sp, acc_sp):
    bufs = (v0, v1, v2, v3)
    sems = (g0, g1, g2, g3)
    cid = lax.axis_index("c")
    sid = lax.axis_index("s")
    wid = _widx(cid, sid)
    z16 = _zero16()
    for i in range(CH // 16):
        v0[pl.ds(i * 16, 16)] = z16
    for k in range(RPT // CH):
        pltpu.sync_copy(v0, acc_sp.at[pl.ds(sid * RPT + k * CH, CH)])

    @pl.when(sid == 0)
    def _():
        pltpu.sync_copy(t_hbm, t_sp)

    pltpu.sync_copy(src_hbm.at[pl.ds(wid * CPT, CPT)], srcv)
    pltpu.sync_copy(dst_hbm.at[pl.ds(wid * CPT, CPT)], dstv)
    plsc.subcore_barrier()

    for b in range(NB):
        pltpu.async_copy(t_sp.at[srcv.at[b]], bufs[b], sems[b])

    def group(m, c):
        for b in range(NB):
            j = m * NB + b
            pltpu.make_async_copy(t_sp.at[srcv.at[0]], bufs[b], sems[b]).wait()
            pltpu.sync_copy(bufs[b], acc_sp.at[dstv.at[j]], add=True)

            @pl.when(m < NG - 1)
            def _():
                pltpu.async_copy(t_sp.at[srcv.at[j + NB]], bufs[b], sems[b])

        return c

    lax.fori_loop(0, NG, group, 0)
    plsc.subcore_barrier()
    pltpu.sync_copy(acc_sp.at[pl.ds(sid * RPT, RPT)],
                    out_hbm.at[cid, pl.ds(sid * RPT, RPT)])


BLK = 5000
GRD = N // BLK


def _tc1_body(x_ref, w1_ref, d0_ref, d1_ref, ydup_ref, dis_ref):
    deg = d0_ref[...] + d1_ref[...] + 1.0
    dis = lax.rsqrt(deg)
    xw = jnp.dot(x_ref[...], w1_ref[...], preferred_element_type=_f32)
    y = xw * dis
    ydup_ref[0] = y
    ydup_ref[1] = y
    dis_ref[...] = dis


def _sigmoid(u):
    return 1.0 / (1.0 + jnp.exp(-u))


def _tc2_body(a0_ref, a1_ref, y_ref, dis_ref, b1_ref, w2_ref, t_ref):
    dis = dis_ref[...]
    z = a0_ref[...] + a1_ref[...] + y_ref[...]
    x1 = _sigmoid(dis * z + b1_ref[...][None, :])
    tcol = jnp.dot(x1, w2_ref[...], preferred_element_type=_f32)
    t_ref[...] = tcol * dis


def _tc3_body(q0_ref, q1_ref, t_ref, dis_ref, b2_ref, o_ref):
    dis = dis_ref[...]
    g = dis * (q0_ref[...] + q1_ref[...] + t_ref[...]) + b2_ref[...]
    o_ref[...] = _sigmoid(g)


def _col_spec(i):
    return pl.BlockSpec((BLK, 1), lambda i: (i, 0))


def kernel(x, pos_edge_index, edge_attr, W1, b1, W2, b2):
    del edge_attr
    src = pos_edge_index[0]
    dst = pos_edge_index[1]
    npad = EPAD - E
    srcp = jnp.concatenate([src, jnp.zeros((npad,), jnp.int32)]).reshape(ECH, CH)
    pad_rows = N + jnp.arange(npad, dtype=jnp.int32) % (NPAD - N)
    dstp = jnp.concatenate([dst, pad_rows]).reshape(ECH, CH)
    srcp2 = srcp + jnp.where(
        jnp.arange(ECH, dtype=jnp.int32)[:, None] >= ECH // 2,
        jnp.int32(N), jnp.int32(0))

    mesh = plsc.VectorSubcoreMesh(core_axis_name="c", subcore_axis_name="s",
                                  num_cores=NC, num_subcores=NS)

    deg_parts = pl.kernel(
        _deg_body,
        out_type=jax.ShapeDtypeStruct((NC, NPAD), _f32),
        mesh=mesh,
        scratch_types=[
            pltpu.VMEM((CPT, CH), jnp.int32),
            pltpu.VMEM((CH,), _f32),
            pltpu.VMEM((CH,), _f32),
            pltpu.VMEM_SHARED((NPAD,), _f32),
        ],
    )(dstp)

    d0 = deg_parts[0, :N, None]
    d1 = deg_parts[1, :N, None]

    ydup, dis = pl.pallas_call(
        _tc1_body,
        grid=(GRD,),
        in_specs=[
            pl.BlockSpec((BLK, D), lambda i: (i, 0)),
            pl.BlockSpec((D, D), lambda i: (0, 0)),
            _col_spec(0),
            _col_spec(0),
        ],
        out_specs=[
            pl.BlockSpec((2, BLK, D), lambda i: (0, i, 0)),
            _col_spec(0),
        ],
        out_shape=[
            jax.ShapeDtypeStruct((2, N, D), _f32),
            jax.ShapeDtypeStruct((N, 1), _f32),
        ],
    )(x, W1, d0, d1)

    y2x = jnp.reshape(ydup, (2 * N, D))

    acc_parts = pl.kernel(
        _row_body,
        out_type=jax.ShapeDtypeStruct((NC, NPAD, D), _f32),
        mesh=mesh,
        scratch_types=[
            pltpu.VMEM((GS, CH), jnp.int32),
            pltpu.VMEM((GS, CH), jnp.int32),
            pltpu.VMEM((GS, CH), jnp.int32),
            pltpu.VMEM((GS, CH), jnp.int32),
            pltpu.VMEM((CH, D), _f32),
            pltpu.VMEM((CH, D), _f32),
            pltpu.SemaphoreType.DMA,
            pltpu.SemaphoreType.DMA,
            pltpu.SemaphoreType.DMA,
            pltpu.SemaphoreType.DMA,
            pltpu.VMEM_SHARED((NPAD, D), _f32),
        ],
    )(y2x, srcp2, dstp)

    t = pl.pallas_call(
        _tc2_body,
        grid=(GRD,),
        in_specs=[
            pl.BlockSpec((BLK, D), lambda i: (i, 0)),
            pl.BlockSpec((BLK, D), lambda i: (i, 0)),
            pl.BlockSpec((BLK, D), lambda i: (i, 0)),
            _col_spec(0),
            pl.BlockSpec((D,), lambda i: (0,)),
            pl.BlockSpec((D, 1), lambda i: (0, 0)),
        ],
        out_specs=_col_spec(0),
        out_shape=jax.ShapeDtypeStruct((N, 1), _f32),
    )(acc_parts[0, :N], acc_parts[1, :N], y2x[:N], dis, b1, W2)

    q_parts = pl.kernel(
        _sca_body,
        out_type=jax.ShapeDtypeStruct((NC, NPAD), _f32),
        mesh=mesh,
        scratch_types=[
            pltpu.VMEM((CPT, CH), jnp.int32),
            pltpu.VMEM((CPT, CH), jnp.int32),
            pltpu.VMEM((CH,), _f32),
            pltpu.VMEM((CH,), _f32),
            pltpu.VMEM((CH,), _f32),
            pltpu.VMEM((CH,), _f32),
            pltpu.SemaphoreType.DMA,
            pltpu.SemaphoreType.DMA,
            pltpu.SemaphoreType.DMA,
            pltpu.SemaphoreType.DMA,
            pltpu.VMEM_SHARED((N,), _f32),
            pltpu.VMEM_SHARED((NPAD,), _f32),
        ],
    )(jnp.reshape(t, (N,)), srcp, dstp)

    out = pl.pallas_call(
        _tc3_body,
        grid=(GRD,),
        in_specs=[
            _col_spec(0),
            _col_spec(0),
            _col_spec(0),
            _col_spec(0),
            pl.BlockSpec((1, 1), lambda i: (0, 0)),
        ],
        out_specs=_col_spec(0),
        out_shape=jax.ShapeDtypeStruct((N, 1), _f32),
    )(q_parts[0, :N, None], q_parts[1, :N, None], t, dis, b2[:, None])

    return out

# --- scband reference (transcript-rebuilt; emitter-appended) ---
"""Pipeline reference for scband-discriminator-90950227460154 (READ-ONLY COPY).

The authoritative reference and input builder live on the scoring server;
editing this copy changes nothing except your own understanding.
"""

import jax, jax.numpy as jnp
import numpy as np

N = 10000
E = 320000
D = 128


def setup_inputs(seed: int = 0) -> dict:
    key = jax.random.key(seed)
    ks = jax.random.split(key, 8)
    x = jax.random.normal(ks[0], (N, D), dtype=jnp.float32)
    pos_edge_index = jax.random.randint(ks[1], (2, E), 0, N, dtype=jnp.int32)
    edge_attr = jax.random.normal(ks[2], (E, 4), dtype=jnp.float32)
    W1 = jax.random.normal(ks[3], (D, D), dtype=jnp.float32) * (1.0 / np.sqrt(D))
    b1 = jnp.zeros((D,), dtype=jnp.float32)
    W2 = jax.random.normal(ks[4], (D, 1), dtype=jnp.float32) * (1.0 / np.sqrt(D))
    b2 = jnp.zeros((1,), dtype=jnp.float32)
    return {"x": x, "pos_edge_index": pos_edge_index, "edge_attr": edge_attr,
            "W1": W1, "b1": b1, "W2": W2, "b2": b2}


def _gcn_conv(x, edge_index, W, b):
    # PyG GCNConv: add self-loops, symmetric normalization D^-1/2 (A+I) D^-1/2, then X W + b
    src = edge_index[0]
    dst = edge_index[1]
    loop = jnp.arange(N, dtype=src.dtype)
    src = jnp.concatenate([src, loop])
    dst = jnp.concatenate([dst, loop])
    deg = jnp.zeros((N,), dtype=jnp.float32).at[dst].add(1.0)
    deg_inv_sqrt = jnp.where(deg > 0, 1.0 / jnp.sqrt(deg), 0.0)
    norm = deg_inv_sqrt[src] * deg_inv_sqrt[dst]
    xw = x @ W
    msg = xw[src] * norm[:, None]
    out = jnp.zeros((N, W.shape[1]), dtype=jnp.float32).at[dst].add(msg)
    return out + b


def reference(x, pos_edge_index, edge_attr, W1, b1, W2, b2):
    # edge_attr is unpacked by the original forward but never used
    x = jnp.squeeze(x)
    x1 = jax.nn.sigmoid(_gcn_conv(x, pos_edge_index, W1, b1))
    # F.dropout treated as identity (eval-mode determinism)
    x2 = jax.nn.sigmoid(_gcn_conv(x1, pos_edge_index, W2, b2))
    return x2

if __name__ == "__main__":
    import jax
    _d = setup_inputs()
    print(jax.jit(kernel)(*tuple(_d.values())))

</pallas_src>

<mosaic_0001>
#map = affine_map<(d0, d1) -> (0, 0)>
module attributes {stable_mosaic.version = 14 : i64} {
  func.func @_deg_body(%arg0: i32, %arg1: i32, %arg2: memref<2560x128xi32, #tpu.memory_space<hbm>>, %arg3: memref<2x10240xf32, #tpu.memory_space<hbm>>, %arg4: memref<80x128xi32, #tpu.memory_space<vmem>>, %arg5: memref<128xf32, #tpu.memory_space<vmem>>, %arg6: memref<128xf32, #tpu.memory_space<vmem>>, %arg7: memref<10240xf32, #tpu.memory_space<vmem_shared>>) attributes {dimension_semantics = [#tpu.dimension_semantics<core_parallel>, #tpu.dimension_semantics<subcore_parallel>], iteration_bounds = array<i64: 2, 16>, scalar_prefetch = 0 : i64, scratch_operands = 4 : i64, tpu.core_type = #tpu.core_type<sc_vector_subcore>, window_params = [{transform_indices = #map}, {transform_indices = #map}]} {
    %mul3A = arith.constant 16 : i32
    %mul3A_0 = arith.muli %arg0, %mul3A : i32
    %add3A = arith.addi %mul3A_0, %arg1 : i32
    %broadcast_in_dim3A = arith.constant 0.000000e+00 : f32
    %broadcast_in_dim3A_1 = vector.broadcast %broadcast_in_dim3A : f32 to vector<16xf32>
    %broadcast_in_dim3A_2 = arith.constant 1.000000e+00 : f32
    %broadcast_in_dim3A_3 = vector.broadcast %broadcast_in_dim3A_2 : f32 to vector<16xf32>
    %swap3A = arith.constant 0 : index
    %swap3A_4 = tpu.vector_load %arg5[%swap3A] {strides = array<i32>} : memref<128xf32, #tpu.memory_space<vmem>>, vector<16xf32>,
    %swap3A_5 = vector.shape_cast %swap3A_4 : vector<16xf32> to vector<16xf32>
    %swap3A_6 = vector.shape_cast %broadcast_in_dim3A_3 : vector<16xf32> to vector<16xf32>
    tpu.vector_store %arg5[%swap3A], %swap3A_6 {strides = array<i32>} : memref<128xf32, #tpu.memory_space<vmem>>, vector<16xf32>,
    %swap3A_7 = arith.constant 0 : index
    %swap3A_8 = tpu.vector_load %arg6[%swap3A_7] {strides = array<i32>} : memref<128xf32, #tpu.memory_space<vmem>>, vector<16xf32>,
    %swap3A_9 = vector.shape_cast %swap3A_8 : vector<16xf32> to vector<16xf32>
    %swap3A_10 = vector.shape_cast %broadcast_in_dim3A_1 : vector<16xf32> to vector<16xf32>
    tpu.vector_store %arg6[%swap3A_7], %swap3A_10 {strides = array<i32>} : memref<128xf32, #tpu.memory_space<vmem>>, vector<16xf32>,
    %swap3A_11 = arith.constant 16 : index
    %swap3A_12 = tpu.vector_load %arg5[%swap3A_11] {strides = array<i32>} : memref<128xf32, #tpu.memory_space<vmem>>, vector<16xf32>,
    %swap3A_13 = vector.shape_cast %swap3A_12 : vector<16xf32> to vector<16xf32>
    %swap3A_14 = vector.shape_cast %broadcast_in_dim3A_3 : vector<16xf32> to vector<16xf32>
    tpu.vector_store %arg5[%swap3A_11], %swap3A_14 {strides = array<i32>} : memref<128xf32, #tpu.memory_space<vmem>>, vector<16xf32>,
    %swap3A_15 = arith.constant 16 : index
    %swap3A_16 = tpu.vector_load %arg6[%swap3A_15] {strides = array<i32>} : memref<128xf32, #tpu.memory_space<vmem>>, vector<16xf32>,
    %swap3A_17 = vector.shape_cast %swap3A_16 : vector<16xf32> to vector<16xf32>
    %swap3A_18 = vector.shape_cast %broadcast_in_dim3A_1 : vector<16xf32> to vector<16xf32>
    tpu.vector_store %arg6[%swap3A_15], %swap3A_18 {strides = array<i32>} : memref<128xf32, #tpu.memory_space<vmem>>, vector<16xf32>,
    %swap3A_19 = arith.constant 32 : index
    %swap3A_20 = tpu.vector_load %arg5[%swap3A_19] {strides = array<i32>} : memref<128xf32, #tpu.memory_space<vmem>>, vector<16xf32>,
    %swap3A_21 = vector.shape_cast %swap3A_20 : vector<16xf32> to vector<16xf32>
    %swap3A_22 = vector.shape_cast %broadcast_in_dim3A_3 : vector<16xf32> to vector<16xf32>
    tpu.vector_store %arg5[%swap3A_19], %swap3A_22 {strides = array<i32>} : memref<128xf32, #tpu.memory_space<vmem>>, vector<16xf32>,
    %swap3A_23 = arith.constant 32 : index
    %swap3A_24 = tpu.vector_load %arg6[%swap3A_23] {strides = array<i32>} : memref<128xf32, #tpu.memory_space<vmem>>, vector<16xf32>,
    %swap3A_25 = vector.shape_cast %swap3A_24 : vector<16xf32> to vector<16xf32>
    %swap3A_26 = vector.shape_cast %broadcast_in_dim3A_1 : vector<16xf32> to vector<16xf32>
    tpu.vector_store %arg6[%swap3A_23], %swap3A_26 {strides = array<i32>} : memref<128xf32, #tpu.memory_space<vmem>>, vector<16xf32>,
    %swap3A_27 = arith.constant 48 : index
    %swap3A_28 = tpu.vector_load %arg5[%swap3A_27] {strides = array<i32>} : memref<128xf32, #tpu.memory_space<vmem>>, vector<16xf32>,
    %swap3A_29 = vector.shape_cast %swap3A_28 : vector<16xf32> to vector<16xf32>
    %swap3A_30 = vector.shape_cast %broadcast_in_dim3A_3 : vector<16xf32> to vector<16xf32>
    tpu.vector_store %arg5[%swap3A_27], %swap3A_30 {strides = array<i32>} : memref<128xf32, #tpu.memory_space<vmem>>, vector<16xf32>,
    %swap3A_31 = arith.constant 48 : index
    %swap3A_32 = tpu.vector_load %arg6[%swap3A_31] {strides = array<i32>} : memref<128xf32, #tpu.memory_space<vmem>>, vector<16xf32>,
    %swap3A_33 = vector.shape_cast %swap3A_32 : vector<16xf32> to vector<16xf32>
    %swap3A_34 = vector.shape_cast %broadcast_in_dim3A_1 : vector<16xf32> to vector<16xf32>
    tpu.vector_store %arg6[%swap3A_31], %swap3A_34 {strides = array<i32>} : memref<128xf32, #tpu.memory_space<vmem>>, vector<16xf32>,
    %swap3A_35 = arith.constant 64 : index
    %swap3A_36 = tpu.vector_load %arg5[%swap3A_35] {strides = array<i32>} : memref<128xf32, #tpu.memory_space<vmem>>, vector<16xf32>,
    %swap3A_37 = vector.shape_cast %swap3A_36 : vector<16xf32> to vector<16xf32>
    %swap3A_38 = vector.shape_cast %broadcast_in_dim3A_3 : vector<16xf32> to vector<16xf32>
    tpu.vector_store %arg5[%swap3A_35], %swap3A_38 {strides = array<i32>} : memref<128xf32, #tpu.memory_space<vmem>>, vector<16xf32>,
    %swap3A_39 = arith.constant 64 : index
    %swap3A_40 = tpu.vector_load %arg6[%swap3A_39] {strides = array<i32>} : memref<128xf32, #tpu.memory_space<vmem>>, vector<16xf32>,
    %swap3A_41 = vector.shape_cast %swap3A_40 : vector<16xf32> to vector<16xf32>
    %swap3A_42 = vector.shape_cast %broadcast_in_dim3A_1 : vector<16xf32> to vector<16xf32>
    tpu.vector_store %arg6[%swap3A_39], %swap3A_42 {strides = array<i32>} : memref<128xf32, #tpu.memory_space<vmem>>, vector<16xf32>,
    %swap3A_43 = arith.constant 80 : index
    %swap3A_44 = tpu.vector_load %arg5[%swap3A_43] {strides = array<i32>} : memref<128xf32, #tpu.memory_space<vmem>>, vector<16xf32>,
    %swap3A_45 = vector.shape_cast %swap3A_44 : vector<16xf32> to vector<16xf32>
    %swap3A_46 = vector.shape_cast %broadcast_in_dim3A_3 : vector<16xf32> to vector<16xf32>
    tpu.vector_store %arg5[%swap3A_43], %swap3A_46 {strides = array<i32>} : memref<128xf32, #tpu.memory_space<vmem>>, vector<16xf32>,
    %swap3A_47 = arith.constant 80 : index
    %swap3A_48 = tpu.vector_load %arg6[%swap3A_47] {strides = array<i32>} : memref<128xf32, #tpu.memory_space<vmem>>, vector<16xf32>,
    %swap3A_49 = vector.shape_cast %swap3A_48 : vector<16xf32> to vector<16xf32>
    %swap3A_50 = vector.shape_cast %broadcast_in_dim3A_1 : vector<16xf32> to vector<16xf32>
    tpu.vector_store %arg6[%swap3A_47], %swap3A_50 {strides = array<i32>} : memref<128xf32, #tpu.memory_space<vmem>>, vector<16xf32>,
    %swap3A_51 = arith.constant 96 : index
    %swap3A_52 = tpu.vector_load %arg5[%swap3A_51] {strides = array<i32>} : memref<128xf32, #tpu.memory_space<vmem>>, vector<16xf32>,
    %swap3A_53 = vector.shape_cast %swap3A_52 : vector<16xf32> to vector<16xf32>
    %swap3A_54 = vector.shape_cast %broadcast_in_dim3A_3 : vector<16xf32> to vector<16xf32>
    tpu.vector_store %arg5[%swap3A_51], %swap3A_54 {strides = array<i32>} : memref<128xf32, #tpu.memory_space<vmem>>, vector<16xf32>,
    %swap3A_55 = arith.constant 96 : index
    %swap3A_56 = tpu.vector_load %arg6[%swap3A_55] {strides = array<i32>} : memref<128xf32, #tpu.memory_space<vmem>>, vector<16xf32>,
    %swap3A_57 = vector.shape_cast %swap3A_56 : vector<16xf32> to vector<16xf32>
    %swap3A_58 = vector.shape_cast %broadcast_in_dim3A_1 : vector<16xf32> to vector<16xf32>
    tpu.vector_store %arg6[%swap3A_55], %swap3A_58 {strides = array<i32>} : memref<128xf32, #tpu.memory_space<vmem>>, vector<16xf32>,
    %swap3A_59 = arith.constant 112 : index
    %swap3A_60 = tpu.vector_load %arg5[%swap3A_59] {strides = array<i32>} : memref<128xf32, #tpu.memory_space<vmem>>, vector<16xf32>,
    %swap3A_61 = vector.shape_cast %swap3A_60 : vector<16xf32> to vector<16xf32>
    %swap3A_62 = vector.shape_cast %broadcast_in_dim3A_3 : vector<16xf32> to vector<16xf32>
    tpu.vector_store %arg5[%swap3A_59], %swap3A_62 {strides = array<i32>} : memref<128xf32, #tpu.memory_space<vmem>>, vector<16xf32>,
    %swap3A_63 = arith.constant 112 : index
    %swap3A_64 = tpu.vector_load %arg6[%swap3A_63] {strides = array<i32>} : memref<128xf32, #tpu.memory_space<vmem>>, vector<16xf32>,
    %swap3A_65 = vector.shape_cast %swap3A_64 : vector<16xf32> to vector<16xf32>
    %swap3A_66 = vector.shape_cast %broadcast_in_dim3A_1 : vector<16xf32> to vector<16xf32>
    tpu.vector_store %arg6[%swap3A_63], %swap3A_66 {strides = array<i32>} : memref<128xf32, #tpu.memory_space<vmem>>, vector<16xf32>,
    %mul3A_67 = arith.constant 640 : i32
    %mul3A_68 = arith.muli %arg1, %mul3A_67 : i32
    %add3A_69 = arith.constant 0 : i32
    %add3A_70 = arith.addi %mul3A_68, %add3A_69 : i32
    "tpu.region"() ({
      %run_scoped3A = tpu.sem_alloc : memref<!tpu.dma_semaphore, #tpu.memory_space<semaphore_mem>>
      %dma_start3A = tpu.memref_slice %arg7[%add3A_70] : memref<10240xf32, #tpu.memory_space<vmem_shared>> -> memref<128xf32, #tpu.memory_space<vmem_shared>>
      %dma_start3A_99 = tpu.memref_slice %arg7[%add3A_70] : memref<10240xf32, #tpu.memory_space<vmem_shared>> -> memref<128xf32, #tpu.memory_space<vmem_shared>>
      tpu.enqueue_dma source(%arg6 : memref<128xf32, #tpu.memory_space<vmem>>) target(%dma_start3A_99 : memref<128xf32, #tpu.memory_space<vmem_shared>>) target_semaphore(%run_scoped3A : memref<!tpu.dma_semaphore, #tpu.memory_space<semaphore_mem>>)
      %dma_wait3A = tpu.memref_slice %arg7[%add3A_70] : memref<10240xf32, #tpu.memory_space<vmem_shared>> -> memref<128xf32, #tpu.memory_space<vmem_shared>>
      %dma_wait3A_100 = tpu.memref_slice %arg7[%add3A_70] : memref<10240xf32, #tpu.memory_space<vmem_shared>> -> memref<128xf32, #tpu.memory_space<vmem_shared>>
      tpu.wait_dma2 semaphore(%run_scoped3A : memref<!tpu.dma_semaphore, #tpu.memory_space<semaphore_mem>>) src(%arg6 : memref<128xf32, #tpu.memory_space<vmem>>) dst(%dma_wait3A_100 : memref<128xf32, #tpu.memory_space<vmem_shared>>)
      tpu.yield
    }) : () -> ()
    %mul3A_71 = arith.constant 640 : i32
    %mul3A_72 = arith.muli %arg1, %mul3A_71 : i32
    %add3A_73 = arith.constant 128 : i32
    %add3A_74 = arith.addi %mul3A_72, %add3A_73 : i32
    "tpu.region"() ({
      %run_scoped3A = tpu.sem_alloc : memref<!tpu.dma_semaphore, #tpu.memory_space<semaphore_mem>>
      %dma_start3A = tpu.memref_slice %arg7[%add3A_74] : memref<10240xf32, #tpu.memory_space<vmem_shared>> -> memref<128xf32, #tpu.memory_space<vmem_shared>>
      %dma_start3A_99 = tpu.memref_slice %arg7[%add3A_74] : memref<10240xf32, #tpu.memory_space<vmem_shared>> -> memref<128xf32, #tpu.memory_space<vmem_shared>>
      tpu.enqueue_dma source(%arg6 : memref<128xf32, #tpu.memory_space<vmem>>) target(%dma_start3A_99 : memref<128xf32, #tpu.memory_space<vmem_shared>>) target_semaphore(%run_scoped3A : memref<!tpu.dma_semaphore, #tpu.memory_space<semaphore_mem>>)
      %dma_wait3A = tpu.memref_slice %arg7[%add3A_74] : memref<10240xf32, #tpu.memory_space<vmem_shared>> -> memref<128xf32, #tpu.memory_space<vmem_shared>>
      %dma_wait3A_100 = tpu.memref_slice %arg7[%add3A_74] : memref<10240xf32, #tpu.memory_space<vmem_shared>> -> memref<128xf32, #tpu.memory_space<vmem_shared>>
      tpu.wait_dma2 semaphore(%run_scoped3A : memref<!tpu.dma_semaphore, #tpu.memory_space<semaphore_mem>>) src(%arg6 : memref<128xf32, #tpu.memory_space<vmem>>) dst(%dma_wait3A_100 : memref<128xf32, #tpu.memory_space<vmem_shared>>)
      tpu.yield
    }) : () -> ()
    %mul3A_75 = arith.constant 640 : i32
    %mul3A_76 = arith.muli %arg1, %mul3A_75 : i32
    %add3A_77 = arith.constant 256 : i32
    %add3A_78 = arith.addi %mul3A_76, %add3A_77 : i32
    "tpu.region"() ({
      %run_scoped3A = tpu.sem_alloc : memref<!tpu.dma_semaphore, #tpu.memory_space<semaphore_mem>>
      %dma_start3A = tpu.memref_slice %arg7[%add3A_78] : memref<10240xf32, #tpu.memory_space<vmem_shared>> -> memref<128xf32, #tpu.memory_space<vmem_shared>>
      %dma_start3A_99 = tpu.memref_slice %arg7[%add3A_78] : memref<10240xf32, #tpu.memory_space<vmem_shared>> -> memref<128xf32, #tpu.memory_space<vmem_shared>>
      tpu.enqueue_dma source(%arg6 : memref<128xf32, #tpu.memory_space<vmem>>) target(%dma_start3A_99 : memref<128xf32, #tpu.memory_space<vmem_shared>>) target_semaphore(%run_scoped3A : memref<!tpu.dma_semaphore, #tpu.memory_space<semaphore_mem>>)
      %dma_wait3A = tpu.memref_slice %arg7[%add3A_78] : memref<10240xf32, #tpu.memory_space<vmem_shared>> -> memref<128xf32, #tpu.memory_space<vmem_shared>>
      %dma_wait3A_100 = tpu.memref_slice %arg7[%add3A_78] : memref<10240xf32, #tpu.memory_space<vmem_shared>> -> memref<128xf32, #tpu.memory_space<vmem_shared>>
      tpu.wait_dma2 semaphore(%run_scoped3A : memref<!tpu.dma_semaphore, #tpu.memory_space<semaphore_mem>>) src(%arg6 : memref<128xf32, #tpu.memory_space<vmem>>) dst(%dma_wait3A_100 : memref<128xf32, #tpu.memory_space<vmem_shared>>)
      tpu.yield
    }) : () -> ()
    %mul3A_79 = arith.constant 640 : i32
    %mul3A_80 = arith.muli %arg1, %mul3A_79 : i32
    %add3A_81 = arith.constant 384 : i32
    %add3A_82 = arith.addi %mul3A_80, %add3A_81 : i32
    "tpu.region"() ({
      %run_scoped3A = tpu.sem_alloc : memref<!tpu.dma_semaphore, #tpu.memory_space<semaphore_mem>>
      %dma_start3A = tpu.memref_slice %arg7[%add3A_82] : memref<10240xf32, #tpu.memory_space<vmem_shared>> -> memref<128xf32, #tpu.memory_space<vmem_shared>>
      %dma_start3A_99 = tpu.memref_slice %arg7[%add3A_82] : memref<10240xf32, #tpu.memory_space<vmem_shared>> -> memref<128xf32, #tpu.memory_space<vmem_shared>>
      tpu.enqueue_dma source(%arg6 : memref<128xf32, #tpu.memory_space<vmem>>) target(%dma_start3A_99 : memref<128xf32, #tpu.memory_space<vmem_shared>>) target_semaphore(%run_scoped3A : memref<!tpu.dma_semaphore, #tpu.memory_space<semaphore_mem>>)
      %dma_wait3A = tpu.memref_slice %arg7[%add3A_82] : memref<10240xf32, #tpu.memory_space<vmem_shared>> -> memref<128xf32, #tpu.memory_space<vmem_shared>>
      %dma_wait3A_100 = tpu.memref_slice %arg7[%add3A_82] : memref<10240xf32, #tpu.memory_space<vmem_shared>> -> memref<128xf32, #tpu.memory_space<vmem_shared>>
      tpu.wait_dma2 semaphore(%run_scoped3A : memref<!tpu.dma_semaphore, #tpu.memory_space<semaphore_mem>>) src(%arg6 : memref<128xf32, #tpu.memory_space<vmem>>) dst(%dma_wait3A_100 : memref<128xf32, #tpu.memory_space<vmem_shared>>)
      tpu.yield
    }) : () -> ()
    %mul3A_83 = arith.constant 640 : i32
    %mul3A_84 = arith.muli %arg1, %mul3A_83 : i32
    %add3A_85 = arith.constant 512 : i32
    %add3A_86 = arith.addi %mul3A_84, %add3A_85 : i32
    "tpu.region"() ({
      %run_scoped3A = tpu.sem_alloc : memref<!tpu.dma_semaphore, #tpu.memory_space<semaphore_mem>>
      %dma_start3A = tpu.memref_slice %arg7[%add3A_86] : memref<10240xf32, #tpu.memory_space<vmem_shared>> -> memref<128xf32, #tpu.memory_space<vmem_shared>>
      %dma_start3A_99 = tpu.memref_slice %arg7[%add3A_86] : memref<10240xf32, #tpu.memory_space<vmem_shared>> -> memref<128xf32, #tpu.memory_space<vmem_shared>>
      tpu.enqueue_dma source(%arg6 : memref<128xf32, #tpu.memory_space<vmem>>) target(%dma_start3A_99 : memref<128xf32, #tpu.memory_space<vmem_shared>>) target_semaphore(%run_scoped3A : memref<!tpu.dma_semaphore, #tpu.memory_space<semaphore_mem>>)
      %dma_wait3A = tpu.memref_slice %arg7[%add3A_86] : memref<10240xf32, #tpu.memory_space<vmem_shared>> -> memref<128xf32, #tpu.memory_space<vmem_shared>>
      %dma_wait3A_100 = tpu.memref_slice %arg7[%add3A_86] : memref<10240xf32, #tpu.memory_space<vmem_shared>> -> memref<128xf32, #tpu.memory_space<vmem_shared>>
      tpu.wait_dma2 semaphore(%run_scoped3A : memref<!tpu.dma_semaphore, #tpu.memory_space<semaphore_mem>>) src(%arg6 : memref<128xf32, #tpu.memory_space<vmem>>) dst(%dma_wait3A_100 : memref<128xf32, #tpu.memory_space<vmem_shared>>)
      tpu.yield
    }) : () -> ()
    %mul3A_87 = arith.constant 80 : i32
    %mul3A_88 = arith.muli %add3A, %mul3A_87 : i32
    "tpu.region"() ({
      %run_scoped3A = tpu.sem_alloc : memref<!tpu.dma_semaphore, #tpu.memory_space<semaphore_mem>>
      %dma_start3A = arith.constant 0 : i32
      %dma_start3A_99 = tpu.memref_slice %arg2[%mul3A_88, %dma_start3A] : memref<2560x128xi32, #tpu.memory_space<hbm>> -> memref<80x128xi32, #tpu.memory_space<hbm>>
      %dma_start3A_100 = arith.constant 0 : i32
      %dma_start3A_101 = tpu.memref_slice %arg2[%mul3A_88, %dma_start3A_100] : memref<2560x128xi32, #tpu.memory_space<hbm>> -> memref<80x128xi32, #tpu.memory_space<hbm>>
      tpu.enqueue_dma source(%dma_start3A_101 : memref<80x128xi32, #tpu.memory_space<hbm>>) target(%arg4 : memref<80x128xi32, #tpu.memory_space<vmem>>) target_semaphore(%run_scoped3A : memref<!tpu.dma_semaphore, #tpu.memory_space<semaphore_mem>>)
      %dma_wait3A = arith.constant 0 : i32
      %dma_wait3A_102 = tpu.memref_slice %arg2[%mul3A_88, %dma_wait3A] : memref<2560x128xi32, #tpu.memory_space<hbm>> -> memref<80x128xi32, #tpu.memory_space<hbm>>
      %dma_wait3A_103 = arith.constant 0 : i32
      %dma_wait3A_104 = tpu.memref_slice %arg2[%mul3A_88, %dma_wait3A_103] : memref<2560x128xi32, #tpu.memory_space<hbm>> -> memref<80x128xi32, #tpu.memory_space<hbm>>
      tpu.wait_dma2 semaphore(%run_scoped3A : memref<!tpu.dma_semaphore, #tpu.memory_space<semaphore_mem>>) src(%dma_wait3A_104 : memref<80x128xi32, #tpu.memory_space<hbm>>) dst(%arg4 : memref<80x128xi32, #tpu.memory_space<vmem>>)
      tpu.yield
    }) : () -> ()
    %barrier3A = arith.constant 0 : index
    tpu.barrier barrier_id(%barrier3A)
    %scan3A = arith.constant 0 : i32
    %scan3A_89 = arith.constant 0 : i32
    %scan3A_90 = arith.constant 80 : i32
    %scan3A_91 = arith.addi %scan3A_89, %scan3A_90 : i32
    %scan3A_92 = arith.constant 1 : i32
    scf.for %scan3A_99 = %scan3A_89 to %scan3A_91 step %scan3A_92  : i32 {
      "tpu.region"() ({
        %run_scoped3A = tpu.sem_alloc : memref<!tpu.dma_semaphore, #tpu.memory_space<semaphore_mem>>
        %dma_start3A = arith.constant 0 : i32
        %dma_start3A_100 = tpu.memref_slice %arg4[%scan3A_99, %dma_start3A] : memref<80x128xi32, #tpu.memory_space<vmem>> -> memref<1x128xi32, #tpu.memory_space<vmem>>
        %dma_start3A_101 = tpu.memref_squeeze %dma_start3A_100 : memref<1x128xi32, #tpu.memory_space<vmem>> -> memref<128xi32, #tpu.memory_space<vmem>>
        %dma_start3A_102 = arith.constant 0 : i32
        %dma_start3A_103 = tpu.memref_slice %arg7[%dma_start3A_102] : memref<10240xf32, #tpu.memory_space<vmem_shared>> -> memref<10240xf32, #tpu.memory_space<vmem_shared>>
        tpu.enqueue_indirect_dma source(%arg5 : memref<128xf32, #tpu.memory_space<vmem>>) target(%dma_start3A_103 : memref<10240xf32, #tpu.memory_space<vmem_shared>>) offsets(%dma_start3A_101 : memref<128xi32, #tpu.memory_space<vmem>>) semaphore(%run_scoped3A : memref<!tpu.dma_semaphore, #tpu.memory_space<semaphore_mem>>) {add = true}
        %dma_wait3A = arith.constant 0 : i32
        %dma_wait3A_104 = tpu.memref_slice %arg4[%scan3A_99, %dma_wait3A] : memref<80x128xi32, #tpu.memory_space<vmem>> -> memref<1x128xi32, #tpu.memory_space<vmem>>
        %dma_wait3A_105 = tpu.memref_squeeze %dma_wait3A_104 : memref<1x128xi32, #tpu.memory_space<vmem>> -> memref<128xi32, #tpu.memory_space<vmem>>
        %dma_wait3A_106 = arith.constant 0 : i32
        %dma_wait3A_107 = tpu.memref_slice %arg7[%dma_wait3A_106] : memref<10240xf32, #tpu.memory_space<vmem_shared>> -> memref<10240xf32, #tpu.memory_space<vmem_shared>>
        tpu.wait_indirect_dma semaphore(%run_scoped3A : memref<!tpu.dma_semaphore, #tpu.memory_space<semaphore_mem>>) src(%arg5 : memref<128xf32, #tpu.memory_space<vmem>>) dst(%dma_wait3A_107 : memref<10240xf32, #tpu.memory_space<vmem_shared>>)
        tpu.yield
      }) : () -> ()
    }
    %scan3A_93 = arith.constant 80 : i32
    %barrier3A_94 = arith.constant 0 : index
    tpu.barrier barrier_id(%barrier3A_94)
    %mul3A_95 = arith.constant 640 : i32
    %mul3A_96 = arith.muli %arg1, %mul3A_95 : i32
    %mul3A_97 = arith.constant 640 : i32
    %mul3A_98 = arith.muli %arg1, %mul3A_97 : i32
    "tpu.region"() ({
      %run_scoped3A = tpu.sem_alloc : memref<!tpu.dma_semaphore, #tpu.memory_space<semaphore_mem>>
      %dma_start3A = tpu.memref_slice %arg3[%arg0, %mul3A_98] : memref<2x10240xf32, #tpu.memory_space<hbm>> -> memref<1x640xf32, #tpu.memory_space<hbm>>
      %dma_start3A_99 = tpu.memref_squeeze %dma_start3A : memref<1x640xf32, #tpu.memory_space<hbm>> -> memref<640xf32, #tpu.memory_space<hbm>>
      %dma_start3A_100 = tpu.memref_slice %arg7[%mul3A_96] : memref<10240xf32, #tpu.memory_space<vmem_shared>> -> memref<640xf32, #tpu.memory_space<vmem_shared>>
      tpu.enqueue_dma source(%dma_start3A_100 : memref<640xf32, #tpu.memory_space<vmem_shared>>) target(%dma_start3A_99 : memref<640xf32, #tpu.memory_space<hbm>>) target_semaphore(%run_scoped3A : memref<!tpu.dma_semaphore, #tpu.memory_space<semaphore_mem>>)
      %dma_wait3A = tpu.memref_slice %arg3[%arg0, %mul3A_98] : memref<2x10240xf32, #tpu.memory_space<hbm>> -> memref<1x640xf32, #tpu.memory_space<hbm>>
      %dma_wait3A_101 = tpu.memref_squeeze %dma_wait3A : memref<1x640xf32, #tpu.memory_space<hbm>> -> memref<640xf32, #tpu.memory_space<hbm>>
      %dma_wait3A_102 = tpu.memref_slice %arg7[%mul3A_96] : memref<10240xf32, #tpu.memory_space<vmem_shared>> -> memref<640xf32, #tpu.memory_space<vmem_shared>>
      tpu.wait_dma2 semaphore(%run_scoped3A : memref<!tpu.dma_semaphore, #tpu.memory_space<semaphore_mem>>) src(%dma_wait3A_102 : memref<640xf32, #tpu.memory_space<vmem_shared>>) dst(%dma_wait3A_101 : memref<640xf32, #tpu.memory_space<hbm>>)
      tpu.yield
    }) : () -> ()
    return
  }
}

#map = affine_map<(d0, d1) -> (0, 0)>
#map1 = affine_map<(d0, d1) -> (0, 0, 0)>
module attributes {stable_mosaic.version = 14 : i64} {
  func.func @_row_body(%arg0: i32, %arg1: i32, %arg2: memref<20000x128xf32, #tpu.memory_space<hbm>>, %arg3: memref<2560x128xi32, #tpu.memory_space<hbm>>, %arg4: memref<2560x128xi32, #tpu.memory_space<hbm>>, %arg5: memref<2x10240x128xf32, #tpu.memory_space<hbm>>, %arg6: memref<8x128xi32, #tpu.memory_space<vmem>>, %arg7: memref<8x128xi32, #tpu.memory_space<vmem>>, %arg8: memref<8x128xi32, #tpu.memory_space<vmem>>, %arg9: memref<8x128xi32, #tpu.memory_space<vmem>>, %arg10: memref<128x128xf32, #tpu.memory_space<vmem>>, %arg11: memref<128x128xf32, #tpu.memory_space<vmem>>, %arg12: memref<!tpu.dma_semaphore, #tpu.memory_space<semaphore_mem>>, %arg13: memref<!tpu.dma_semaphore, #tpu.memory_space<semaphore_mem>>, %arg14: memref<!tpu.dma_semaphore, #tpu.memory_space<semaphore_mem>>, %arg15: memref<!tpu.dma_semaphore, #tpu.memory_space<semaphore_mem>>, %arg16: memref<10240x128xf32, #tpu.memory_space<vmem_shared>>) attributes {dimension_semantics = [#tpu.dimension_semantics<core_parallel>, #tpu.dimension_semantics<subcore_parallel>], iteration_bounds = array<i64: 2, 16>, scalar_prefetch = 0 : i64, scratch_operands = 11 : i64, tpu.core_type = #tpu.core_type<sc_vector_subcore>, window_params = [{transform_indices = #map}, {transform_indices = #map}, {transform_indices = #map}, {transform_indices = #map1}]} {
    %mul3A = arith.constant 16 : i32
    %mul3A_0 = arith.muli %arg0, %mul3A : i32
    %add3A = arith.addi %mul3A_0, %arg1 : i32
    %broadcast_in_dim3A = arith.constant 0.000000e+00 : f32
    %broadcast_in_dim3A_1 = vector.broadcast %broadcast_in_dim3A : f32 to vector<16xf32>
    %scan3A = arith.constant 0 : i32
    %scan3A_2 = arith.constant 0 : i32
    %scan3A_3 = arith.constant 128 : i32
    %scan3A_4 = arith.addi %scan3A_2, %scan3A_3 : i32
    %scan3A_5 = arith.constant 1 : i32
    scf.for %scan3A_65 = %scan3A_2 to %scan3A_4 step %scan3A_5  : i32 {
      %swap3A = arith.index_cast %scan3A_65 : i32 to index
      %swap3A_66 = arith.constant 0 : index
      %swap3A_67 = tpu.vector_load %arg10[%swap3A, %swap3A_66] {strides = array<i32>} : memref<128x128xf32, #tpu.memory_space<vmem>>, vector<1x16xf32>,
      %swap3A_68 = vector.shape_cast %swap3A_67 : vector<1x16xf32> to vector<16xf32>
      %swap3A_69 = vector.shape_cast %broadcast_in_dim3A_1 : vector<16xf32> to vector<1x16xf32>
      tpu.vector_store %arg10[%swap3A, %swap3A_66], %swap3A_69 {strides = array<i32>} : memref<128x128xf32, #tpu.memory_space<vmem>>, vector<1x16xf32>,
      %swap3A_70 = arith.index_cast %scan3A_65 : i32 to index
      %swap3A_71 = arith.constant 16 : index
      %swap3A_72 = tpu.vector_load %arg10[%swap3A_70, %swap3A_71] {strides = array<i32>} : memref<128x128xf32, #tpu.memory_space<vmem>>, vector<1x16xf32>,
      %swap3A_73 = vector.shape_cast %swap3A_72 : vector<1x16xf32> to vector<16xf32>
      %swap3A_74 = vector.shape_cast %broadcast_in_dim3A_1 : vector<16xf32> to vector<1x16xf32>
      tpu.vector_store %arg10[%swap3A_70, %swap3A_71], %swap3A_74 {strides = array<i32>} : memref<128x128xf32, #tpu.memory_space<vmem>>, vector<1x16xf32>,
      %swap3A_75 = arith.index_cast %scan3A_65 : i32 to index
      %swap3A_76 = arith.constant 32 : index
      %swap3A_77 = tpu.vector_load %arg10[%swap3A_75, %swap3A_76] {strides = array<i32>} : memref<128x128xf32, #tpu.memory_space<vmem>>, vector<1x16xf32>,
      %swap3A_78 = vector.shape_cast %swap3A_77 : vector<1x16xf32> to vector<16xf32>
      %swap3A_79 = vector.shape_cast %broadcast_in_dim3A_1 : vector<16xf32> to vector<1x16xf32>
      tpu.vector_store %arg10[%swap3A_75, %swap3A_76], %swap3A_79 {strides = array<i32>} : memref<128x128xf32, #tpu.memory_space<vmem>>, vector<1x16xf32>,
      %swap3A_80 = arith.index_cast %scan3A_65 : i32 to index
      %swap3A_81 = arith.constant 48 : index
      %swap3A_82 = tpu.vector_load %arg10[%swap3A_80, %swap3A_81] {strides = array<i32>} : memref<128x128xf32, #tpu.memory_space<vmem>>, vector<1x16xf32>,
      %swap3A_83 = vector.shape_cast %swap3A_82 : vector<1x16xf32> to vector<16xf32>
      %swap3A_84 = vector.shape_cast %broadcast_in_dim3A_1 : vector<16xf32> to vector<1x16xf32>
      tpu.vector_store %arg10[%swap3A_80, %swap3A_81], %swap3A_84 {strides = array<i32>} : memref<128x128xf32, #tpu.memory_space<vmem>>, vector<1x16xf32>,
      %swap3A_85 = arith.index_cast %scan3A_65 : i32 to index
      %swap3A_86 = arith.constant 64 : index
      %swap3A_87 = tpu.vector_load %arg10[%swap3A_85, %swap3A_86] {strides = array<i32>} : memref<128x128xf32, #tpu.memory_space<vmem>>, vector<1x16xf32>,
      %swap3A_88 = vector.shape_cast %swap3A_87 : vector<1x16xf32> to vector<16xf32>
      %swap3A_89 = vector.shape_cast %broadcast_in_dim3A_1 : vector<16xf32> to vector<1x16xf32>
      tpu.vector_store %arg10[%swap3A_85, %swap3A_86], %swap3A_89 {strides = array<i32>} : memref<128x128xf32, #tpu.memory_space<vmem>>, vector<1x16xf32>,
      %swap3A_90 = arith.index_cast %scan3A_65 : i32 to index
      %swap3A_91 = arith.constant 80 : index
      %swap3A_92 = tpu.vector_load %arg10[%swap3A_90, %swap3A_91] {strides = array<i32>} : memref<128x128xf32, #tpu.memory_space<vmem>>, vector<1x16xf32>,
      %swap3A_93 = vector.shape_cast %swap3A_92 : vector<1x16xf32> to vector<16xf32>
      %swap3A_94 = vector.shape_cast %broadcast_in_dim3A_1 : vector<16xf32> to vector<1x16xf32>
      tpu.vector_store %arg10[%swap3A_90, %swap3A_91], %swap3A_94 {strides = array<i32>} : memref<128x128xf32, #tpu.memory_space<vmem>>, vector<1x16xf32>,
      %swap3A_95 = arith.index_cast %scan3A_65 : i32 to index
      %swap3A_96 = arith.constant 96 : index
      %swap3A_97 = tpu.vector_load %arg10[%swap3A_95, %swap3A_96] {strides = array<i32>} : memref<128x128xf32, #tpu.memory_space<vmem>>, vector<1x16xf32>,
      %swap3A_98 = vector.shape_cast %swap3A_97 : vector<1x16xf32> to vector<16xf32>
      %swap3A_99 = vector.shape_cast %broadcast_in_dim3A_1 : vector<16xf32> to vector<1x16xf32>
      tpu.vector_store %arg10[%swap3A_95, %swap3A_96], %swap3A_99 {strides = array<i32>} : memref<128x128xf32, #tpu.memory_space<vmem>>, vector<1x16xf32>,
      %swap3A_100 = arith.index_cast %scan3A_65 : i32 to index
      %swap3A_101 = arith.constant 112 : index
      %swap3A_102 = tpu.vector_load %arg10[%swap3A_100, %swap3A_101] {strides = array<i32>} : memref<128x128xf32, #tpu.memory_space<vmem>>, vector<1x16xf32>,
      %swap3A_103 = vector.shape_cast %swap3A_102 : vector<1x16xf32> to vector<16xf32>
      %swap3A_104 = vector.shape_cast %broadcast_in_dim3A_1 : vector<16xf32> to vector<1x16xf32>
      tpu.vector_store %arg10[%swap3A_100, %swap3A_101], %swap3A_104 {strides = array<i32>} : memref<128x128xf32, #tpu.memory_space<vmem>>, vector<1x16xf32>,
    }
    %scan3A_6 = arith.constant 128 : i32
    %mul3A_7 = arith.constant 640 : i32
    %mul3A_8 = arith.muli %arg1, %mul3A_7 : i32
    %add3A_9 = arith.constant 0 : i32
    %add3A_10 = arith.addi %mul3A_8, %add3A_9 : i32
    "tpu.region"() ({
      %run_scoped3A = tpu.sem_alloc : memref<!tpu.dma_semaphore, #tpu.memory_space<semaphore_mem>>
      %dma_start3A_65 = arith.constant 0 : i32
      %dma_start3A_66 = tpu.memref_slice %arg16[%add3A_10, %dma_start3A_65] : memref<10240x128xf32, #tpu.memory_space<vmem_shared>> -> memref<128x128xf32, #tpu.memory_space<vmem_shared>>
      %dma_start3A_67 = arith.constant 0 : i32
      %dma_start3A_68 = tpu.memref_slice %arg16[%add3A_10, %dma_start3A_67] : memref<10240x128xf32, #tpu.memory_space<vmem_shared>> -> memref<128x128xf32, #tpu.memory_space<vmem_shared>>
      tpu.enqueue_dma source(%arg10 : memref<128x128xf32, #tpu.memory_space<vmem>>) target(%dma_start3A_68 : memref<128x128xf32, #tpu.memory_space<vmem_shared>>) target_semaphore(%run_scoped3A : memref<!tpu.dma_semaphore, #tpu.memory_space<semaphore_mem>>)
      %dma_wait3A = arith.constant 0 : i32
      %dma_wait3A_69 = tpu.memref_slice %arg16[%add3A_10, %dma_wait3A] : memref<10240x128xf32, #tpu.memory_space<vmem_shared>> -> memref<128x128xf32, #tpu.memory_space<vmem_shared>>
      %dma_wait3A_70 = arith.constant 0 : i32
      %dma_wait3A_71 = tpu.memref_slice %arg16[%add3A_10, %dma_wait3A_70] : memref<10240x128xf32, #tpu.memory_space<vmem_shared>> -> memref<128x128xf32, #tpu.memory_space<vmem_shared>>
      tpu.wait_dma2 semaphore(%run_scoped3A : memref<!tpu.dma_semaphore, #tpu.memory_space<semaphore_mem>>) src(%arg10 : memref<128x128xf32, #tpu.memory_space<vmem>>) dst(%dma_wait3A_71 : memref<128x128xf32, #tpu.memory_space<vmem_shared>>)
      tpu.yield
    }) : () -> ()
    %mul3A_11 = arith.constant 640 : i32
    %mul3A_12 = arith.muli %arg1, %mul3A_11 : i32
    %add3A_13 = arith.constant 128 : i32
    %add3A_14 = arith.addi %mul3A_12, %add3A_13 : i32
    "tpu.region"() ({
      %run_scoped3A = tpu.sem_alloc : memref<!tpu.dma_semaphore, #tpu.memory_space<semaphore_mem>>
      %dma_start3A_65 = arith.constant 0 : i32
      %dma_start3A_66 = tpu.memref_slice %arg16[%add3A_14, %dma_start3A_65] : memref<10240x128xf32, #tpu.memory_space<vmem_shared>> -> memref<128x128xf32, #tpu.memory_space<vmem_shared>>
      %dma_start3A_67 = arith.constant 0 : i32
      %dma_start3A_68 = tpu.memref_slice %arg16[%add3A_14, %dma_start3A_67] : memref<10240x128xf32, #tpu.memory_space<vmem_shared>> -> memref<128x128xf32, #tpu.memory_space<vmem_shared>>
      tpu.enqueue_dma source(%arg10 : memref<128x128xf32, #tpu.memory_space<vmem>>) target(%dma_start3A_68 : memref<128x128xf32, #tpu.memory_space<vmem_shared>>) target_semaphore(%run_scoped3A : memref<!tpu.dma_semaphore, #tpu.memory_space<semaphore_mem>>)
      %dma_wait3A = arith.constant 0 : i32
      %dma_wait3A_69 = tpu.memref_slice %arg16[%add3A_14, %dma_wait3A] : memref<10240x128xf32, #tpu.memory_space<vmem_shared>> -> memref<128x128xf32, #tpu.memory_space<vmem_shared>>
      %dma_wait3A_70 = arith.constant 0 : i32
      %dma_wait3A_71 = tpu.memref_slice %arg16[%add3A_14, %dma_wait3A_70] : memref<10240x128xf32, #tpu.memory_space<vmem_shared>> -> memref<128x128xf32, #tpu.memory_space<vmem_shared>>
      tpu.wait_dma2 semaphore(%run_scoped3A : memref<!tpu.dma_semaphore, #tpu.memory_space<semaphore_mem>>) src(%arg10 : memref<128x128xf32, #tpu.memory_space<vmem>>) dst(%dma_wait3A_71 : memref<128x128xf32, #tpu.memory_space<vmem_shared>>)
      tpu.yield
    }) : () -> ()
    %mul3A_15 = arith.constant 640 : i32
    %mul3A_16 = arith.muli %arg1, %mul3A_15 : i32
    %add3A_17 = arith.constant 256 : i32
    %add3A_18 = arith.addi %mul3A_16, %add3A_17 : i32
    "tpu.region"() ({
      %run_scoped3A = tpu.sem_alloc : memref<!tpu.dma_semaphore, #tpu.memory_space<semaphore_mem>>
      %dma_start3A_65 = arith.constant 0 : i32
      %dma_start3A_66 = tpu.memref_slice %arg16[%add3A_18, %dma_start3A_65] : memref<10240x128xf32, #tpu.memory_space<vmem_shared>> -> memref<128x128xf32, #tpu.memory_space<vmem_shared>>
      %dma_start3A_67 = arith.constant 0 : i32
      %dma_start3A_68 = tpu.memref_slice %arg16[%add3A_18, %dma_start3A_67] : memref<10240x128xf32, #tpu.memory_space<vmem_shared>> -> memref<128x128xf32, #tpu.memory_space<vmem_shared>>
      tpu.enqueue_dma source(%arg10 : memref<128x128xf32, #tpu.memory_space<vmem>>) target(%dma_start3A_68 : memref<128x128xf32, #tpu.memory_space<vmem_shared>>) target_semaphore(%run_scoped3A : memref<!tpu.dma_semaphore, #tpu.memory_space<semaphore_mem>>)
      %dma_wait3A = arith.constant 0 : i32
      %dma_wait3A_69 = tpu.memref_slice %arg16[%add3A_18, %dma_wait3A] : memref<10240x128xf32, #tpu.memory_space<vmem_shared>> -> memref<128x128xf32, #tpu.memory_space<vmem_shared>>
      %dma_wait3A_70 = arith.constant 0 : i32
      %dma_wait3A_71 = tpu.memref_slice %arg16[%add3A_18, %dma_wait3A_70] : memref<10240x128xf32, #tpu.memory_space<vmem_shared>> -> memref<128x128xf32, #tpu.memory_space<vmem_shared>>
      tpu.wait_dma2 semaphore(%run_scoped3A : memref<!tpu.dma_semaphore, #tpu.memory_space<semaphore_mem>>) src(%arg10 : memref<128x128xf32, #tpu.memory_space<vmem>>) dst(%dma_wait3A_71 : memref<128x128xf32, #tpu.memory_space<vmem_shared>>)
      tpu.yield
    }) : () -> ()
    %mul3A_19 = arith.constant 640 : i32
    %mul3A_20 = arith.muli %arg1, %mul3A_19 : i32
    %add3A_21 = arith.constant 384 : i32
    %add3A_22 = arith.addi %mul3A_20, %add3A_21 : i32
    "tpu.region"() ({
      %run_scoped3A = tpu.sem_alloc : memref<!tpu.dma_semaphore, #tpu.memory_space<semaphore_mem>>
      %dma_start3A_65 = arith.constant 0 : i32
      %dma_start3A_66 = tpu.memref_slice %arg16[%add3A_22, %dma_start3A_65] : memref<10240x128xf32, #tpu.memory_space<vmem_shared>> -> memref<128x128xf32, #tpu.memory_space<vmem_shared>>
      %dma_start3A_67 = arith.constant 0 : i32
      %dma_start3A_68 = tpu.memref_slice %arg16[%add3A_22, %dma_start3A_67] : memref<10240x128xf32, #tpu.memory_space<vmem_shared>> -> memref<128x128xf32, #tpu.memory_space<vmem_shared>>
      tpu.enqueue_dma source(%arg10 : memref<128x128xf32, #tpu.memory_space<vmem>>) target(%dma_start3A_68 : memref<128x128xf32, #tpu.memory_space<vmem_shared>>) target_semaphore(%run_scoped3A : memref<!tpu.dma_semaphore, #tpu.memory_space<semaphore_mem>>)
      %dma_wait3A = arith.constant 0 : i32
      %dma_wait3A_69 = tpu.memref_slice %arg16[%add3A_22, %dma_wait3A] : memref<10240x128xf32, #tpu.memory_space<vmem_shared>> -> memref<128x128xf32, #tpu.memory_space<vmem_shared>>
      %dma_wait3A_70 = arith.constant 0 : i32
      %dma_wait3A_71 = tpu.memref_slice %arg16[%add3A_22, %dma_wait3A_70] : memref<10240x128xf32, #tpu.memory_space<vmem_shared>> -> memref<128x128xf32, #tpu.memory_space<vmem_shared>>
      tpu.wait_dma2 semaphore(%run_scoped3A : memref<!tpu.dma_semaphore, #tpu.memory_space<semaphore_mem>>) src(%arg10 : memref<128x128xf32, #tpu.memory_space<vmem>>) dst(%dma_wait3A_71 : memref<128x128xf32, #tpu.memory_space<vmem_shared>>)
      tpu.yield
    }) : () -> ()
    %mul3A_23 = arith.constant 640 : i32
    %mul3A_24 = arith.muli %arg1, %mul3A_23 : i32
    %add3A_25 = arith.constant 512 : i32
    %add3A_26 = arith.addi %mul3A_24, %add3A_25 : i32
    "tpu.region"() ({
      %run_scoped3A = tpu.sem_alloc : memref<!tpu.dma_semaphore, #tpu.memory_space<semaphore_mem>>
      %dma_start3A_65 = arith.constant 0 : i32
      %dma_start3A_66 = tpu.memref_slice %arg16[%add3A_26, %dma_start3A_65] : memref<10240x128xf32, #tpu.memory_space<vmem_shared>> -> memref<128x128xf32, #tpu.memory_space<vmem_shared>>
      %dma_start3A_67 = arith.constant 0 : i32
      %dma_start3A_68 = tpu.memref_slice %arg16[%add3A_26, %dma_start3A_67] : memref<10240x128xf32, #tpu.memory_space<vmem_shared>> -> memref<128x128xf32, #tpu.memory_space<vmem_shared>>
      tpu.enqueue_dma source(%arg10 : memref<128x128xf32, #tpu.memory_space<vmem>>) target(%dma_start3A_68 : memref<128x128xf32, #tpu.memory_space<vmem_shared>>) target_semaphore(%run_scoped3A : memref<!tpu.dma_semaphore, #tpu.memory_space<semaphore_mem>>)
      %dma_wait3A = arith.constant 0 : i32
      %dma_wait3A_69 = tpu.memref_slice %arg16[%add3A_26, %dma_wait3A] : memref<10240x128xf32, #tpu.memory_space<vmem_shared>> -> memref<128x128xf32, #tpu.memory_space<vmem_shared>>
      %dma_wait3A_70 = arith.constant 0 : i32
      %dma_wait3A_71 = tpu.memref_slice %arg16[%add3A_26, %dma_wait3A_70] : memref<10240x128xf32, #tpu.memory_space<vmem_shared>> -> memref<128x128xf32, #tpu.memory_space<vmem_shared>>
      tpu.wait_dma2 semaphore(%run_scoped3A : memref<!tpu.dma_semaphore, #tpu.memory_space<semaphore_mem>>) src(%arg10 : memref<128x128xf32, #tpu.memory_space<vmem>>) dst(%dma_wait3A_71 : memref<128x128xf32, #tpu.memory_space<vmem_shared>>)
      tpu.yield
    }) : () -> ()
    %barrier3A = arith.constant 0 : index
    tpu.barrier barrier_id(%barrier3A)
    %mul3A_27 = arith.constant 80 : i32
    %mul3A_28 = arith.muli %add3A, %mul3A_27 : i32
    "tpu.region"() ({
      %run_scoped3A = tpu.sem_alloc : memref<!tpu.dma_semaphore, #tpu.memory_space<semaphore_mem>>
      %dma_start3A_65 = arith.constant 0 : i32
      %dma_start3A_66 = tpu.memref_slice %arg3[%mul3A_28, %dma_start3A_65] : memref<2560x128xi32, #tpu.memory_space<hbm>> -> memref<8x128xi32, #tpu.memory_space<hbm>>
      %dma_start3A_67 = arith.constant 0 : i32
      %dma_start3A_68 = tpu.memref_slice %arg3[%mul3A_28, %dma_start3A_67] : memref<2560x128xi32, #tpu.memory_space<hbm>> -> memref<8x128xi32, #tpu.memory_space<hbm>>
      tpu.enqueue_dma source(%dma_start3A_68 : memref<8x128xi32, #tpu.memory_space<hbm>>) target(%arg6 : memref<8x128xi32, #tpu.memory_space<vmem>>) target_semaphore(%run_scoped3A : memref<!tpu.dma_semaphore, #tpu.memory_space<semaphore_mem>>)
      %dma_wait3A = arith.constant 0 : i32
      %dma_wait3A_69 = tpu.memref_slice %arg3[%mul3A_28, %dma_wait3A] : memref<2560x128xi32, #tpu.memory_space<hbm>> -> memref<8x128xi32, #tpu.memory_space<hbm>>
      %dma_wait3A_70 = arith.constant 0 : i32
      %dma_wait3A_71 = tpu.memref_slice %arg3[%mul3A_28, %dma_wait3A_70] : memref<2560x128xi32, #tpu.memory_space<hbm>> -> memref<8x128xi32, #tpu.memory_space<hbm>>
      tpu.wait_dma2 semaphore(%run_scoped3A : memref<!tpu.dma_semaphore, #tpu.memory_space<semaphore_mem>>) src(%dma_wait3A_71 : memref<8x128xi32, #tpu.memory_space<hbm>>) dst(%arg6 : memref<8x128xi32, #tpu.memory_space<vmem>>)
      tpu.yield
    }) : () -> ()
    "tpu.region"() ({
      %run_scoped3A = tpu.sem_alloc : memref<!tpu.dma_semaphore, #tpu.memory_space<semaphore_mem>>
      %dma_start3A_65 = arith.constant 0 : i32
      %dma_start3A_66 = tpu.memref_slice %arg4[%mul3A_28, %dma_start3A_65] : memref<2560x128xi32, #tpu.memory_space<hbm>> -> memref<8x128xi32, #tpu.memory_space<hbm>>
      %dma_start3A_67 = arith.constant 0 : i32
      %dma_start3A_68 = tpu.memref_slice %arg4[%mul3A_28, %dma_start3A_67] : memref<2560x128xi32, #tpu.memory_space<hbm>> -> memref<8x128xi32, #tpu.memory_space<hbm>>
      tpu.enqueue_dma source(%dma_start3A_68 : memref<8x128xi32, #tpu.memory_space<hbm>>) target(%arg8 : memref<8x128xi32, #tpu.memory_space<vmem>>) target_semaphore(%run_scoped3A : memref<!tpu.dma_semaphore, #tpu.memory_space<semaphore_mem>>)
      %dma_wait3A = arith.constant 0 : i32
      %dma_wait3A_69 = tpu.memref_slice %arg4[%mul3A_28, %dma_wait3A] : memref<2560x128xi32, #tpu.memory_space<hbm>> -> memref<8x128xi32, #tpu.memory_space<hbm>>
      %dma_wait3A_70 = arith.constant 0 : i32
      %dma_wait3A_71 = tpu.memref_slice %arg4[%mul3A_28, %dma_wait3A_70] : memref<2560x128xi32, #tpu.memory_space<hbm>> -> memref<8x128xi32, #tpu.memory_space<hbm>>
      tpu.wait_dma2 semaphore(%run_scoped3A : memref<!tpu.dma_semaphore, #tpu.memory_space<semaphore_mem>>) src(%dma_wait3A_71 : memref<8x128xi32, #tpu.memory_space<hbm>>) dst(%arg8 : memref<8x128xi32, #tpu.memory_space<vmem>>)
      tpu.yield
    }) : () -> ()
    %add3A_29 = arith.constant 8 : i32
    %add3A_30 = arith.addi %mul3A_28, %add3A_29 : i32
    %dma_start3A = arith.constant 0 : i32
    %dma_start3A_31 = tpu.memref_slice %arg3[%add3A_30, %dma_start3A] : memref<2560x128xi32, #tpu.memory_space<hbm>> -> memref<8x128xi32, #tpu.memory_space<hbm>>
    %dma_start3A_32 = arith.constant 0 : i32
    %dma_start3A_33 = tpu.memref_slice %arg3[%add3A_30, %dma_start3A_32] : memref<2560x128xi32, #tpu.memory_space<hbm>> -> memref<8x128xi32, #tpu.memory_space<hbm>>
    tpu.enqueue_dma source(%dma_start3A_33 : memref<8x128xi32, #tpu.memory_space<hbm>>) target(%arg7 : memref<8x128xi32, #tpu.memory_space<vmem>>) target_semaphore(%arg15 : memref<!tpu.dma_semaphore, #tpu.memory_space<semaphore_mem>>)
    %add3A_34 = arith.constant 8 : i32
    %add3A_35 = arith.addi %mul3A_28, %add3A_34 : i32
    %dma_start3A_36 = arith.constant 0 : i32
    %dma_start3A_37 = tpu.memref_slice %arg4[%add3A_35, %dma_start3A_36] : memref<2560x128xi32, #tpu.memory_space<hbm>> -> memref<8x128xi32, #tpu.memory_space<hbm>>
    %dma_start3A_38 = arith.constant 0 : i32
    %dma_start3A_39 = tpu.memref_slice %arg4[%add3A_35, %dma_start3A_38] : memref<2560x128xi32, #tpu.memory_space<hbm>> -> memref<8x128xi32, #tpu.memory_space<hbm>>
    tpu.enqueue_dma source(%dma_start3A_39 : memref<8x128xi32, #tpu.memory_space<hbm>>) target(%arg9 : memref<8x128xi32, #tpu.memory_space<vmem>>) target_semaphore(%arg15 : memref<!tpu.dma_semaphore, #tpu.memory_space<semaphore_mem>>)
    %dma_start3A_40 = arith.constant 0 : i32
    %dma_start3A_41 = arith.constant 0 : i32
    %dma_start3A_42 = tpu.memref_slice %arg6[%dma_start3A_40, %dma_start3A_41] : memref<8x128xi32, #tpu.memory_space<vmem>> -> memref<1x128xi32, #tpu.memory_space<vmem>>
    %dma_start3A_43 = tpu.memref_squeeze %dma_start3A_42 : memref<1x128xi32, #tpu.memory_space<vmem>> -> memref<128xi32, #tpu.memory_space<vmem>>
    %dma_start3A_44 = arith.constant 0 : i32
    %dma_start3A_45 = arith.constant 0 : i32
    %dma_start3A_46 = tpu.memref_slice %arg2[%dma_start3A_44, %dma_start3A_45] : memref<20000x128xf32, #tpu.memory_space<hbm>> -> memref<20000x128xf32, #tpu.memory_space<hbm>>
    tpu.enqueue_indirect_dma source(%dma_start3A_46 : memref<20000x128xf32, #tpu.memory_space<hbm>>) target(%arg10 : memref<128x128xf32, #tpu.memory_space<vmem>>) offsets(%dma_start3A_43 : memref<128xi32, #tpu.memory_space<vmem>>) semaphore(%arg12 : memref<!tpu.dma_semaphore, #tpu.memory_space<semaphore_mem>>)
    %dma_start3A_47 = arith.constant 1 : i32
    %dma_start3A_48 = arith.constant 0 : i32
    %dma_start3A_49 = tpu.memref_slice %arg6[%dma_start3A_47, %dma_start3A_48] : memref<8x128xi32, #tpu.memory_space<vmem>> -> memref<1x128xi32, #tpu.memory_space<vmem>>
    %dma_start3A_50 = tpu.memref_squeeze %dma_start3A_49 : memref<1x128xi32, #tpu.memory_space<vmem>> -> memref<128xi32, #tpu.memory_space<vmem>>
    %dma_start3A_51 = arith.constant 0 : i32
    %dma_start3A_52 = arith.constant 0 : i32
    %dma_start3A_53 = tpu.memref_slice %arg2[%dma_start3A_51, %dma_start3A_52] : memref<20000x128xf32, #tpu.memory_space<hbm>> -> memref<20000x128xf32, #tpu.memory_space<hbm>>
    tpu.enqueue_indirect_dma source(%dma_start3A_53 : memref<20000x128xf32, #tpu.memory_space<hbm>>) target(%arg11 : memref<128x128xf32, #tpu.memory_space<vmem>>) offsets(%dma_start3A_50 : memref<128xi32, #tpu.memory_space<vmem>>) semaphore(%arg13 : memref<!tpu.dma_semaphore, #tpu.memory_space<semaphore_mem>>)
    %scan3A_54 = arith.constant 0 : i32
    %scan3A_55 = arith.constant 0 : i32
    %scan3A_56 = arith.constant 5 : i32
    %scan3A_57 = arith.addi %scan3A_55, %scan3A_56 : i32
    %scan3A_58 = arith.constant 1 : i32
    scf.for %scan3A_65 = %scan3A_55 to %scan3A_57 step %scan3A_58  : i32 {
      %mul3A_66 = arith.constant 2 : i32
      %mul3A_67 = arith.muli %mul3A_66, %scan3A_65 : i32
      %add3A_68 = arith.constant 0 : i32
      %add3A_69 = arith.addi %mul3A_67, %add3A_68 : i32
      %dma_wait3A = arith.constant 0 : i32
      %dma_wait3A_70 = arith.constant 0 : i32
      %dma_wait3A_71 = tpu.memref_slice %arg6[%dma_wait3A, %dma_wait3A_70] : memref<8x128xi32, #tpu.memory_space<vmem>> -> memref<1x128xi32, #tpu.memory_space<vmem>>
      %dma_wait3A_72 = tpu.memref_squeeze %dma_wait3A_71 : memref<1x128xi32, #tpu.memory_space<vmem>> -> memref<128xi32, #tpu.memory_space<vmem>>
      %dma_wait3A_73 = arith.constant 0 : i32
      %dma_wait3A_74 = arith.constant 0 : i32
      %dma_wait3A_75 = tpu.memref_slice %arg2[%dma_wait3A_73, %dma_wait3A_74] : memref<20000x128xf32, #tpu.memory_space<hbm>> -> memref<20000x128xf32, #tpu.memory_space<hbm>>
      tpu.wait_indirect_dma semaphore(%arg12 : memref<!tpu.dma_semaphore, #tpu.memory_space<semaphore_mem>>) src(%dma_wait3A_75 : memref<20000x128xf32, #tpu.memory_space<hbm>>) dst(%arg10 : memref<128x128xf32, #tpu.memory_space<vmem>>)
      %run_scoped3A = arith.constant 0 : i32
      "tpu.region"() ({
        %run_scoped3A_325 = tpu.sem_alloc : memref<!tpu.dma_semaphore, #tpu.memory_space<semaphore_mem>>
        %dma_start3A_326 = arith.constant 0 : i32
        %dma_start3A_327 = tpu.memref_slice %arg8[%run_scoped3A, %dma_start3A_326] : memref<8x128xi32, #tpu.memory_space<vmem>> -> memref<1x128xi32, #tpu.memory_space<vmem>>
        %dma_start3A_328 = tpu.memref_squeeze %dma_start3A_327 : memref<1x128xi32, #tpu.memory_space<vmem>> -> memref<128xi32, #tpu.memory_space<vmem>>
        %dma_start3A_329 = arith.constant 0 : i32
        %dma_start3A_330 = arith.constant 0 : i32
        %dma_start3A_331 = tpu.memref_slice %arg16[%dma_start3A_329, %dma_start3A_330] : memref<10240x128xf32, #tpu.memory_space<vmem_shared>> -> memref<10240x128xf32, #tpu.memory_space<vmem_shared>>
        tpu.enqueue_indirect_dma source(%arg10 : memref<128x128xf32, #tpu.memory_space<vmem>>) target(%dma_start3A_331 : memref<10240x128xf32, #tpu.memory_space<vmem_shared>>) offsets(%dma_start3A_328 : memref<128xi32, #tpu.memory_space<vmem>>) semaphore(%run_scoped3A_325 : memref<!tpu.dma_semaphore, #tpu.memory_space<semaphore_mem>>) {add = true}
        %dma_wait3A_332 = arith.constant 0 : i32
        %dma_wait3A_333 = tpu.memref_slice %arg8[%run_scoped3A, %dma_wait3A_332] : memref<8x128xi32, #tpu.memory_space<vmem>> -> memref<1x128xi32, #tpu.memory_space<vmem>>
        %dma_wait3A_334 = tpu.memref_squeeze %dma_wait3A_333 : memref<1x128xi32, #tpu.memory_space<vmem>> -> memref<128xi32, #tpu.memory_space<vmem>>
        %dma_wait3A_335 = arith.constant 0 : i32
        %dma_wait3A_336 = arith.constant 0 : i32
        %dma_wait3A_337 = tpu.memref_slice %arg16[%dma_wait3A_335, %dma_wait3A_336] : memref<10240x128xf32, #tpu.memory_space<vmem_shared>> -> memref<10240x128xf32, #tpu.memory_space<vmem_shared>>
        tpu.wait_indirect_dma semaphore(%run_scoped3A_325 : memref<!tpu.dma_semaphore, #tpu.memory_space<semaphore_mem>>) src(%arg10 : memref<128x128xf32, #tpu.memory_space<vmem>>) dst(%dma_wait3A_337 : memref<10240x128xf32, #tpu.memory_space<vmem_shared>>)
        tpu.yield
      }) : () -> ()
      %dma_start3A_76 = arith.constant 2 : i32
      %dma_start3A_77 = arith.constant 0 : i32
      %dma_start3A_78 = tpu.memref_slice %arg6[%dma_start3A_76, %dma_start3A_77] : memref<8x128xi32, #tpu.memory_space<vmem>> -> memref<1x128xi32, #tpu.memory_space<vmem>>
      %dma_start3A_79 = tpu.memref_squeeze %dma_start3A_78 : memref<1x128xi32, #tpu.memory_space<vmem>> -> memref<128xi32, #tpu.memory_space<vmem>>
      %dma_start3A_80 = arith.constant 0 : i32
      %dma_start3A_81 = arith.constant 0 : i32
      %dma_start3A_82 = tpu.memref_slice %arg2[%dma_start3A_80, %dma_start3A_81] : memref<20000x128xf32, #tpu.memory_space<hbm>> -> memref<20000x128xf32, #tpu.memory_space<hbm>>
      tpu.enqueue_indirect_dma source(%dma_start3A_82 : memref<20000x128xf32, #tpu.memory_space<hbm>>) target(%arg10 : memref<128x128xf32, #tpu.memory_space<vmem>>) offsets(%dma_start3A_79 : memref<128xi32, #tpu.memory_space<vmem>>) semaphore(%arg12 : memref<!tpu.dma_semaphore, #tpu.memory_space<semaphore_mem>>)
      %dma_wait3A_83 = arith.constant 0 : i32
      %dma_wait3A_84 = arith.constant 0 : i32
      %dma_wait3A_85 = tpu.memref_slice %arg6[%dma_wait3A_83, %dma_wait3A_84] : memref<8x128xi32, #tpu.memory_space<vmem>> -> memref<1x128xi32, #tpu.memory_space<vmem>>
      %dma_wait3A_86 = tpu.memref_squeeze %dma_wait3A_85 : memref<1x128xi32, #tpu.memory_space<vmem>> -> memref<128xi32, #tpu.memory_space<vmem>>
      %dma_wait3A_87 = arith.constant 0 : i32
      %dma_wait3A_88 = arith.constant 0 : i32
      %dma_wait3A_89 = tpu.memref_slice %arg2[%dma_wait3A_87, %dma_wait3A_88] : memref<20000x128xf32, #tpu.memory_space<hbm>> -> memref<20000x128xf32, #tpu.memory_space<hbm>>
      tpu.wait_indirect_dma semaphore(%arg13 : memref<!tpu.dma_semaphore, #tpu.memory_space<semaphore_mem>>) src(%dma_wait3A_89 : memref<20000x128xf32, #tpu.memory_space<hbm>>) dst(%arg11 : memref<128x128xf32, #tpu.memory_space<vmem>>)
      %run_scoped3A_90 = arith.constant 1 : i32
      "tpu.region"() ({
        %run_scoped3A_325 = tpu.sem_alloc : memref<!tpu.dma_semaphore, #tpu.memory_space<semaphore_mem>>
        %dma_start3A_326 = arith.constant 0 : i32
        %dma_start3A_327 = tpu.memref_slice %arg8[%run_scoped3A_90, %dma_start3A_326] : memref<8x128xi32, #tpu.memory_space<vmem>> -> memref<1x128xi32, #tpu.memory_space<vmem>>
        %dma_start3A_328 = tpu.memref_squeeze %dma_start3A_327 : memref<1x128xi32, #tpu.memory_space<vmem>> -> memref<128xi32, #tpu.memory_space<vmem>>
        %dma_start3A_329 = arith.constant 0 : i32
        %dma_start3A_330 = arith.constant 0 : i32
        %dma_start3A_331 = tpu.memref_slice %arg16[%dma_start3A_329, %dma_start3A_330] : memref<10240x128xf32, #tpu.memory_space<vmem_shared>> -> memref<10240x128xf32, #tpu.memory_space<vmem_shared>>
        tpu.enqueue_indirect_dma source(%arg11 : memref<128x128xf32, #tpu.memory_space<vmem>>) target(%dma_start3A_331 : memref<10240x128xf32, #tpu.memory_space<vmem_shared>>) offsets(%dma_start3A_328 : memref<128xi32, #tpu.memory_space<vmem>>) semaphore(%run_scoped3A_325 : memref<!tpu.dma_semaphore, #tpu.memory_space<semaphore_mem>>) {add = true}
        %dma_wait3A_332 = arith.constant 0 : i32
        %dma_wait3A_333 = tpu.memref_slice %arg8[%run_scoped3A_90, %dma_wait3A_332] : memref<8x128xi32, #tpu.memory_space<vmem>> -> memref<1x128xi32, #tpu.memory_space<vmem>>
        %dma_wait3A_334 = tpu.memref_squeeze %dma_wait3A_333 : memref<1x128xi32, #tpu.memory_space<vmem>> -> memref<128xi32, #tpu.memory_space<vmem>>
        %dma_wait3A_335 = arith.constant 0 : i32
        %dma_wait3A_336 = arith.constant 0 : i32
        %dma_wait3A_337 = tpu.memref_slice %arg16[%dma_wait3A_335, %dma_wait3A_336] : memref<10240x128xf32, #tpu.memory_space<vmem_shared>> -> memref<10240x128xf32, #tpu.memory_space<vmem_shared>>
        tpu.wait_indirect_dma semaphore(%run_scoped3A_325 : memref<!tpu.dma_semaphore, #tpu.memory_space<semaphore_mem>>) src(%arg11 : memref<128x128xf32, #tpu.memory_space<vmem>>) dst(%dma_wait3A_337 : memref<10240x128xf32, #tpu.memory_space<vmem_shared>>)
        tpu.yield
      }) : () -> ()
      %dma_start3A_91 = arith.constant 3 : i32
      %dma_start3A_92 = arith.constant 0 : i32
      %dma_start3A_93 = tpu.memref_slice %arg6[%dma_start3A_91, %dma_start3A_92] : memref<8x128xi32, #tpu.memory_space<vmem>> -> memref<1x128xi32, #tpu.memory_space<vmem>>
      %dma_start3A_94 = tpu.memref_squeeze %dma_start3A_93 : memref<1x128xi32, #tpu.memory_space<vmem>> -> memref<128xi32, #tpu.memory_space<vmem>>
      %dma_start3A_95 = arith.constant 0 : i32
      %dma_start3A_96 = arith.constant 0 : i32
      %dma_start3A_97 = tpu.memref_slice %arg2[%dma_start3A_95, %dma_start3A_96] : memref<20000x128xf32, #tpu.memory_space<hbm>> -> memref<20000x128xf32, #tpu.memory_space<hbm>>
      tpu.enqueue_indirect_dma source(%dma_start3A_97 : memref<20000x128xf32, #tpu.memory_space<hbm>>) target(%arg11 : memref<128x128xf32, #tpu.memory_space<vmem>>) offsets(%dma_start3A_94 : memref<128xi32, #tpu.memory_space<vmem>>) semaphore(%arg13 : memref<!tpu.dma_semaphore, #tpu.memory_space<semaphore_mem>>)
      %dma_wait3A_98 = arith.constant 0 : i32
      %dma_wait3A_99 = arith.constant 0 : i32
      %dma_wait3A_100 = tpu.memref_slice %arg6[%dma_wait3A_98, %dma_wait3A_99] : memref<8x128xi32, #tpu.memory_space<vmem>> -> memref<1x128xi32, #tpu.memory_space<vmem>>
      %dma_wait3A_101 = tpu.memref_squeeze %dma_wait3A_100 : memref<1x128xi32, #tpu.memory_space<vmem>> -> memref<128xi32, #tpu.memory_space<vmem>>
      %dma_wait3A_102 = arith.constant 0 : i32
      %dma_wait3A_103 = arith.constant 0 : i32
      %dma_wait3A_104 = tpu.memref_slice %arg2[%dma_wait3A_102, %dma_wait3A_103] : memref<20000x128xf32, #tpu.memory_space<hbm>> -> memref<20000x128xf32, #tpu.memory_space<hbm>>
      tpu.wait_indirect_dma semaphore(%arg12 : memref<!tpu.dma_semaphore, #tpu.memory_space<semaphore_mem>>) src(%dma_wait3A_104 : memref<20000x128xf32, #tpu.memory_space<hbm>>) dst(%arg10 : memref<128x128xf32, #tpu.memory_space<vmem>>)
      %run_scoped3A_105 = arith.constant 2 : i32
      "tpu.region"() ({
        %run_scoped3A_325 = tpu.sem_alloc : memref<!tpu.dma_semaphore, #tpu.memory_space<semaphore_mem>>
        %dma_start3A_326 = arith.constant 0 : i32
        %dma_start3A_327 = tpu.memref_slice %arg8[%run_scoped3A_105, %dma_start3A_326] : memref<8x128xi32, #tpu.memory_space<vmem>> -> memref<1x128xi32, #tpu.memory_space<vmem>>
        %dma_start3A_328 = tpu.memref_squeeze %dma_start3A_327 : memref<1x128xi32, #tpu.memory_space<vmem>> -> memref<128xi32, #tpu.memory_space<vmem>>
        %dma_start3A_329 = arith.constant 0 : i32
        %dma_start3A_330 = arith.constant 0 : i32
        %dma_start3A_331 = tpu.memref_slice %arg16[%dma_start3A_329, %dma_start3A_330] : memref<10240x128xf32, #tpu.memory_space<vmem_shared>> -> memref<10240x128xf32, #tpu.memory_space<vmem_shared>>
        tpu.enqueue_indirect_dma source(%arg10 : memref<128x128xf32, #tpu.memory_space<vmem>>) target(%dma_start3A_331 : memref<10240x128xf32, #tpu.memory_space<vmem_shared>>) offsets(%dma_start3A_328 : memref<128xi32, #tpu.memory_space<vmem>>) semaphore(%run_scoped3A_325 : memref<!tpu.dma_semaphore, #tpu.memory_space<semaphore_mem>>) {add = true}
        %dma_wait3A_332 = arith.constant 0 : i32
        %dma_wait3A_333 = tpu.memref_slice %arg8[%run_scoped3A_105, %dma_wait3A_332] : memref<8x128xi32, #tpu.memory_space<vmem>> -> memref<1x128xi32, #tpu.memory_space<vmem>>
        %dma_wait3A_334 = tpu.memref_squeeze %dma_wait3A_333 : memref<1x128xi32, #tpu.memory_space<vmem>> -> memref<128xi32, #tpu.memory_space<vmem>>
        %dma_wait3A_335 = arith.constant 0 : i32
        %dma_wait3A_336 = arith.constant 0 : i32
        %dma_wait3A_337 = tpu.memref_slice %arg16[%dma_wait3A_335, %dma_wait3A_336] : memref<10240x128xf32, #tpu.memory_space<vmem_shared>> -> memref<10240x128xf32, #tpu.memory_space<vmem_shared>>
        tpu.wait_indirect_dma semaphore(%run_scoped3A_325 : memref<!tpu.dma_semaphore, #tpu.memory_space<semaphore_mem>>) src(%arg10 : memref<128x128xf32, #tpu.memory_space<vmem>>) dst(%dma_wait3A_337 : memref<10240x128xf32, #tpu.memory_space<vmem_shared>>)
        tpu.yield
      }) : () -> ()
      %dma_start3A_106 = arith.constant 4 : i32
      %dma_start3A_107 = arith.constant 0 : i32
      %dma_start3A_108 = tpu.memref_slice %arg6[%dma_start3A_106, %dma_start3A_107] : memref<8x128xi32, #tpu.memory_space<vmem>> -> memref<1x128xi32, #tpu.memory_space<vmem>>
      %dma_start3A_109 = tpu.memref_squeeze %dma_start3A_108 : memref<1x128xi32, #tpu.memory_space<vmem>> -> memref<128xi32, #tpu.memory_space<vmem>>
      %dma_start3A_110 = arith.constant 0 : i32
      %dma_start3A_111 = arith.constant 0 : i32
      %dma_start3A_112 = tpu.memref_slice %arg2[%dma_start3A_110, %dma_start3A_111] : memref<20000x128xf32, #tpu.memory_space<hbm>> -> memref<20000x128xf32, #tpu.memory_space<hbm>>
      tpu.enqueue_indirect_dma source(%dma_start3A_112 : memref<20000x128xf32, #tpu.memory_space<hbm>>) target(%arg10 : memref<128x128xf32, #tpu.memory_space<vmem>>) offsets(%dma_start3A_109 : memref<128xi32, #tpu.memory_space<vmem>>) semaphore(%arg12 : memref<!tpu.dma_semaphore, #tpu.memory_space<semaphore_mem>>)
      %dma_wait3A_113 = arith.constant 0 : i32
      %dma_wait3A_114 = arith.constant 0 : i32
      %dma_wait3A_115 = tpu.memref_slice %arg6[%dma_wait3A_113, %dma_wait3A_114] : memref<8x128xi32, #tpu.memory_space<vmem>> -> memref<1x128xi32, #tpu.memory_space<vmem>>
      %dma_wait3A_116 = tpu.memref_squeeze %dma_wait3A_115 : memref<1x128xi32, #tpu.memory_space<vmem>> -> memref<128xi32, #tpu.memory_space<vmem>>
      %dma_wait3A_117 = arith.constant 0 : i32
      %dma_wait3A_118 = arith.constant 0 : i32
      %dma_wait3A_119 = tpu.memref_slice %arg2[%dma_wait3A_117, %dma_wait3A_118] : memref<20000x128xf32, #tpu.memory_space<hbm>> -> memref<20000x128xf32, #tpu.memory_space<hbm>>
      tpu.wait_indirect_dma semaphore(%arg13 : memref<!tpu.dma_semaphore, #tpu.memory_space<semaphore_mem>>) src(%dma_wait3A_119 : memref<20000x128xf32, #tpu.memory_space<hbm>>) dst(%arg11 : memref<128x128xf32, #tpu.memory_space<vmem>>)
      %run_scoped3A_120 = arith.constant 3 : i32
      "tpu.region"() ({
        %run_scoped3A_325 = tpu.sem_alloc : memref<!tpu.dma_semaphore, #tpu.memory_space<semaphore_mem>>
        %dma_start3A_326 = arith.constant 0 : i32
        %dma_start3A_327 = tpu.memref_slice %arg8[%run_scoped3A_120, %dma_start3A_326] : memref<8x128xi32, #tpu.memory_space<vmem>> -> memref<1x128xi32, #tpu.memory_space<vmem>>
        %dma_start3A_328 = tpu.memref_squeeze %dma_start3A_327 : memref<1x128xi32, #tpu.memory_space<vmem>> -> memref<128xi32, #tpu.memory_space<vmem>>
        %dma_start3A_329 = arith.constant 0 : i32
        %dma_start3A_330 = arith.constant 0 : i32
        %dma_start3A_331 = tpu.memref_slice %arg16[%dma_start3A_329, %dma_start3A_330] : memref<10240x128xf32, #tpu.memory_space<vmem_shared>> -> memref<10240x128xf32, #tpu.memory_space<vmem_shared>>
        tpu.enqueue_indirect_dma source(%arg11 : memref<128x128xf32, #tpu.memory_space<vmem>>) target(%dma_start3A_331 : memref<10240x128xf32, #tpu.memory_space<vmem_shared>>) offsets(%dma_start3A_328 : memref<128xi32, #tpu.memory_space<vmem>>) semaphore(%run_scoped3A_325 : memref<!tpu.dma_semaphore, #tpu.memory_space<semaphore_mem>>) {add = true}
        %dma_wait3A_332 = arith.constant 0 : i32
        %dma_wait3A_333 = tpu.memref_slice %arg8[%run_scoped3A_120, %dma_wait3A_332] : memref<8x128xi32, #tpu.memory_space<vmem>> -> memref<1x128xi32, #tpu.memory_space<vmem>>
        %dma_wait3A_334 = tpu.memref_squeeze %dma_wait3A_333 : memref<1x128xi32, #tpu.memory_space<vmem>> -> memref<128xi32, #tpu.memory_space<vmem>>
        %dma_wait3A_335 = arith.constant 0 : i32
        %dma_wait3A_336 = arith.constant 0 : i32
        %dma_wait3A_337 = tpu.memref_slice %arg16[%dma_wait3A_335, %dma_wait3A_336] : memref<10240x128xf32, #tpu.memory_space<vmem_shared>> -> memref<10240x128xf32, #tpu.memory_space<vmem_shared>>
        tpu.wait_indirect_dma semaphore(%run_scoped3A_325 : memref<!tpu.dma_semaphore, #tpu.memory_space<semaphore_mem>>) src(%arg11 : memref<128x128xf32, #tpu.memory_space<vmem>>) dst(%dma_wait3A_337 : memref<10240x128xf32, #tpu.memory_space<vmem_shared>>)
        tpu.yield
      }) : () -> ()
      %dma_start3A_121 = arith.constant 5 : i32
      %dma_start3A_122 = arith.constant 0 : i32
      %dma_start3A_123 = tpu.memref_slice %arg6[%dma_start3A_121, %dma_start3A_122] : memref<8x128xi32, #tpu.memory_space<vmem>> -> memref<1x128xi32, #tpu.memory_space<vmem>>
      %dma_start3A_124 = tpu.memref_squeeze %dma_start3A_123 : memref<1x128xi32, #tpu.memory_space<vmem>> -> memref<128xi32, #tpu.memory_space<vmem>>
      %dma_start3A_125 = arith.constant 0 : i32
      %dma_start3A_126 = arith.constant 0 : i32
      %dma_start3A_127 = tpu.memref_slice %arg2[%dma_start3A_125, %dma_start3A_126] : memref<20000x128xf32, #tpu.memory_space<hbm>> -> memref<20000x128xf32, #tpu.memory_space<hbm>>
      tpu.enqueue_indirect_dma source(%dma_start3A_127 : memref<20000x128xf32, #tpu.memory_space<hbm>>) target(%arg11 : memref<128x128xf32, #tpu.memory_space<vmem>>) offsets(%dma_start3A_124 : memref<128xi32, #tpu.memory_space<vmem>>) semaphore(%arg13 : memref<!tpu.dma_semaphore, #tpu.memory_space<semaphore_mem>>)
      %dma_wait3A_128 = arith.constant 0 : i32
      %dma_wait3A_129 = arith.constant 0 : i32
      %dma_wait3A_130 = tpu.memref_slice %arg6[%dma_wait3A_128, %dma_wait3A_129] : memref<8x128xi32, #tpu.memory_space<vmem>> -> memref<1x128xi32, #tpu.memory_space<vmem>>
      %dma_wait3A_131 = tpu.memref_squeeze %dma_wait3A_130 : memref<1x128xi32, #tpu.memory_space<vmem>> -> memref<128xi32, #tpu.memory_space<vmem>>
      %dma_wait3A_132 = arith.constant 0 : i32
      %dma_wait3A_133 = arith.constant 0 : i32
      %dma_wait3A_134 = tpu.memref_slice %arg2[%dma_wait3A_132, %dma_wait3A_133] : memref<20000x128xf32, #tpu.memory_space<hbm>> -> memref<20000x128xf32, #tpu.memory_space<hbm>>
      tpu.wait_indirect_dma semaphore(%arg12 : memref<!tpu.dma_semaphore, #tpu.memory_space<semaphore_mem>>) src(%dma_wait3A_134 : memref<20000x128xf32, #tpu.memory_space<hbm>>) dst(%arg10 : memref<128x128xf32, #tpu.memory_space<vmem>>)
      %run_scoped3A_135 = arith.constant 4 : i32
      "tpu.region"() ({
        %run_scoped3A_325 = tpu.sem_alloc : memref<!tpu.dma_semaphore, #tpu.memory_space<semaphore_mem>>
        %dma_start3A_326 = arith.constant 0 : i32
        %dma_start3A_327 = tpu.memref_slice %arg8[%run_scoped3A_135, %dma_start3A_326] : memref<8x128xi32, #tpu.memory_space<vmem>> -> memref<1x128xi32, #tpu.memory_space<vmem>>
        %dma_start3A_328 = tpu.memref_squeeze %dma_start3A_327 : memref<1x128xi32, #tpu.memory_space<vmem>> -> memref<128xi32, #tpu.memory_space<vmem>>
        %dma_start3A_329 = arith.constant 0 : i32
        %dma_start3A_330 = arith.constant 0 : i32
        %dma_start3A_331 = tpu.memref_slice %arg16[%dma_start3A_329, %dma_start3A_330] : memref<10240x128xf32, #tpu.memory_space<vmem_shared>> -> memref<10240x128xf32, #tpu.memory_space<vmem_shared>>
        tpu.enqueue_indirect_dma source(%arg10 : memref<128x128xf32, #tpu.memory_space<vmem>>) target(%dma_start3A_331 : memref<10240x128xf32, #tpu.memory_space<vmem_shared>>) offsets(%dma_start3A_328 : memref<128xi32, #tpu.memory_space<vmem>>) semaphore(%run_scoped3A_325 : memref<!tpu.dma_semaphore, #tpu.memory_space<semaphore_mem>>) {add = true}
        %dma_wait3A_332 = arith.constant 0 : i32
        %dma_wait3A_333 = tpu.memref_slice %arg8[%run_scoped3A_135, %dma_wait3A_332] : memref<8x128xi32, #tpu.memory_space<vmem>> -> memref<1x128xi32, #tpu.memory_space<vmem>>
        %dma_wait3A_334 = tpu.memref_squeeze %dma_wait3A_333 : memref<1x128xi32, #tpu.memory_space<vmem>> -> memref<128xi32, #tpu.memory_space<vmem>>
        %dma_wait3A_335 = arith.constant 0 : i32
        %dma_wait3A_336 = arith.constant 0 : i32
        %dma_wait3A_337 = tpu.memref_slice %arg16[%dma_wait3A_335, %dma_wait3A_336] : memref<10240x128xf32, #tpu.memory_space<vmem_shared>> -> memref<10240x128xf32, #tpu.memory_space<vmem_shared>>
        tpu.wait_indirect_dma semaphore(%run_scoped3A_325 : memref<!tpu.dma_semaphore, #tpu.memory_space<semaphore_mem>>) src(%arg10 : memref<128x128xf32, #tpu.memory_space<vmem>>) dst(%dma_wait3A_337 : memref<10240x128xf32, #tpu.memory_space<vmem_shared>>)
        tpu.yield
      }) : () -> ()
      %dma_start3A_136 = arith.constant 6 : i32
      %dma_start3A_137 = arith.constant 0 : i32
      %dma_start3A_138 = tpu.memref_slice %arg6[%dma_start3A_136, %dma_start3A_137] : memref<8x128xi32, #tpu.memory_space<vmem>> -> memref<1x128xi32, #tpu.memory_space<vmem>>
      %dma_start3A_139 = tpu.memref_squeeze %dma_start3A_138 : memref<1x128xi32, #tpu.memory_space<vmem>> -> memref<128xi32, #tpu.memory_space<vmem>>
      %dma_start3A_140 = arith.constant 0 : i32
      %dma_start3A_141 = arith.constant 0 : i32
      %dma_start3A_142 = tpu.memref_slice %arg2[%dma_start3A_140, %dma_start3A_141] : memref<20000x128xf32, #tpu.memory_space<hbm>> -> memref<20000x128xf32, #tpu.memory_space<hbm>>
      tpu.enqueue_indirect_dma source(%dma_start3A_142 : memref<20000x128xf32, #tpu.memory_space<hbm>>) target(%arg10 : memref<128x128xf32, #tpu.memory_space<vmem>>) offsets(%dma_start3A_139 : memref<128xi32, #tpu.memory_space<vmem>>) semaphore(%arg12 : memref<!tpu.dma_semaphore, #tpu.memory_space<semaphore_mem>>)
      %dma_wait3A_143 = arith.constant 0 : i32
      %dma_wait3A_144 = arith.constant 0 : i32
      %dma_wait3A_145 = tpu.memref_slice %arg6[%dma_wait3A_143, %dma_wait3A_144] : memref<8x128xi32, #tpu.memory_space<vmem>> -> memref<1x128xi32, #tpu.memory_space<vmem>>
      %dma_wait3A_146 = tpu.memref_squeeze %dma_wait3A_145 : memref<1x128xi32, #tpu.memory_space<vmem>> -> memref<128xi32, #tpu.memory_space<vmem>>
      %dma_wait3A_147 = arith.constant 0 : i32
      %dma_wait3A_148 = arith.constant 0 : i32
      %dma_wait3A_149 = tpu.memref_slice %arg2[%dma_wait3A_147, %dma_wait3A_148] : memref<20000x128xf32, #tpu.memory_space<hbm>> -> memref<20000x128xf32, #tpu.memory_space<hbm>>
      tpu.wait_indirect_dma semaphore(%arg13 : memref<!tpu.dma_semaphore, #tpu.memory_space<semaphore_mem>>) src(%dma_wait3A_149 : memref<20000x128xf32, #tpu.memory_space<hbm>>) dst(%arg11 : memref<128x128xf32, #tpu.memory_space<vmem>>)
      %run_scoped3A_150 = arith.constant 5 : i32
      "tpu.region"() ({
        %run_scoped3A_325 = tpu.sem_alloc : memref<!tpu.dma_semaphore, #tpu.memory_space<semaphore_mem>>
        %dma_start3A_326 = arith.constant 0 : i32
        %dma_start3A_327 = tpu.memref_slice %arg8[%run_scoped3A_150, %dma_start3A_326] : memref<8x128xi32, #tpu.memory_space<vmem>> -> memref<1x128xi32, #tpu.memory_space<vmem>>
        %dma_start3A_328 = tpu.memref_squeeze %dma_start3A_327 : memref<1x128xi32, #tpu.memory_space<vmem>> -> memref<128xi32, #tpu.memory_space<vmem>>
        %dma_start3A_329 = arith.constant 0 : i32
        %dma_start3A_330 = arith.constant 0 : i32
        %dma_start3A_331 = tpu.memref_slice %arg16[%dma_start3A_329, %dma_start3A_330] : memref<10240x128xf32, #tpu.memory_space<vmem_shared>> -> memref<10240x128xf32, #tpu.memory_space<vmem_shared>>
        tpu.enqueue_indirect_dma source(%arg11 : memref<128x128xf32, #tpu.memory_space<vmem>>) target(%dma_start3A_331 : memref<10240x128xf32, #tpu.memory_space<vmem_shared>>) offsets(%dma_start3A_328 : memref<128xi32, #tpu.memory_space<vmem>>) semaphore(%run_scoped3A_325 : memref<!tpu.dma_semaphore, #tpu.memory_space<semaphore_mem>>) {add = true}
        %dma_wait3A_332 = arith.constant 0 : i32
        %dma_wait3A_333 = tpu.memref_slice %arg8[%run_scoped3A_150, %dma_wait3A_332] : memref<8x128xi32, #tpu.memory_space<vmem>> -> memref<1x128xi32, #tpu.memory_space<vmem>>
        %dma_wait3A_334 = tpu.memref_squeeze %dma_wait3A_333 : memref<1x128xi32, #tpu.memory_space<vmem>> -> memref<128xi32, #tpu.memory_space<vmem>>
        %dma_wait3A_335 = arith.constant 0 : i32
        %dma_wait3A_336 = arith.constant 0 : i32
        %dma_wait3A_337 = tpu.memref_slice %arg16[%dma_wait3A_335, %dma_wait3A_336] : memref<10240x128xf32, #tpu.memory_space<vmem_shared>> -> memref<10240x128xf32, #tpu.memory_space<vmem_shared>>
        tpu.wait_indirect_dma semaphore(%run_scoped3A_325 : memref<!tpu.dma_semaphore, #tpu.memory_space<semaphore_mem>>) src(%arg11 : memref<128x128xf32, #tpu.memory_space<vmem>>) dst(%dma_wait3A_337 : memref<10240x128xf32, #tpu.memory_space<vmem_shared>>)
        tpu.yield
      }) : () -> ()
      %dma_start3A_151 = arith.constant 7 : i32
      %dma_start3A_152 = arith.constant 0 : i32
      %dma_start3A_153 = tpu.memref_slice %arg6[%dma_start3A_151, %dma_start3A_152] : memref<8x128xi32, #tpu.memory_space<vmem>> -> memref<1x128xi32, #tpu.memory_space<vmem>>
      %dma_start3A_154 = tpu.memref_squeeze %dma_start3A_153 : memref<1x128xi32, #tpu.memory_space<vmem>> -> memref<128xi32, #tpu.memory_space<vmem>>
      %dma_start3A_155 = arith.constant 0 : i32
      %dma_start3A_156 = arith.constant 0 : i32
      %dma_start3A_157 = tpu.memref_slice %arg2[%dma_start3A_155, %dma_start3A_156] : memref<20000x128xf32, #tpu.memory_space<hbm>> -> memref<20000x128xf32, #tpu.memory_space<hbm>>
      tpu.enqueue_indirect_dma source(%dma_start3A_157 : memref<20000x128xf32, #tpu.memory_space<hbm>>) target(%arg11 : memref<128x128xf32, #tpu.memory_space<vmem>>) offsets(%dma_start3A_154 : memref<128xi32, #tpu.memory_space<vmem>>) semaphore(%arg13 : memref<!tpu.dma_semaphore, #tpu.memory_space<semaphore_mem>>)
      %dma_wait3A_158 = arith.constant 0 : i32
      %dma_wait3A_159 = arith.constant 0 : i32
      %dma_wait3A_160 = tpu.memref_slice %arg6[%dma_wait3A_158, %dma_wait3A_159] : memref<8x128xi32, #tpu.memory_space<vmem>> -> memref<1x128xi32, #tpu.memory_space<vmem>>
      %dma_wait3A_161 = tpu.memref_squeeze %dma_wait3A_160 : memref<1x128xi32, #tpu.memory_space<vmem>> -> memref<128xi32, #tpu.memory_space<vmem>>
      %dma_wait3A_162 = arith.constant 0 : i32
      %dma_wait3A_163 = arith.constant 0 : i32
      %dma_wait3A_164 = tpu.memref_slice %arg2[%dma_wait3A_162, %dma_wait3A_163] : memref<20000x128xf32, #tpu.memory_space<hbm>> -> memref<20000x128xf32, #tpu.memory_space<hbm>>
      tpu.wait_indirect_dma semaphore(%arg12 : memref<!tpu.dma_semaphore, #tpu.memory_space<semaphore_mem>>) src(%dma_wait3A_164 : memref<20000x128xf32, #tpu.memory_space<hbm>>) dst(%arg10 : memref<128x128xf32, #tpu.memory_space<vmem>>)
      %run_scoped3A_165 = arith.constant 6 : i32
      "tpu.region"() ({
        %run_scoped3A_325 = tpu.sem_alloc : memref<!tpu.dma_semaphore, #tpu.memory_space<semaphore_mem>>
        %dma_start3A_326 = arith.constant 0 : i32
        %dma_start3A_327 = tpu.memref_slice %arg8[%run_scoped3A_165, %dma_start3A_326] : memref<8x128xi32, #tpu.memory_space<vmem>> -> memref<1x128xi32, #tpu.memory_space<vmem>>
        %dma_start3A_328 = tpu.memref_squeeze %dma_start3A_327 : memref<1x128xi32, #tpu.memory_space<vmem>> -> memref<128xi32, #tpu.memory_space<vmem>>
        %dma_start3A_329 = arith.constant 0 : i32
        %dma_start3A_330 = arith.constant 0 : i32
        %dma_start3A_331 = tpu.memref_slice %arg16[%dma_start3A_329, %dma_start3A_330] : memref<10240x128xf32, #tpu.memory_space<vmem_shared>> -> memref<10240x128xf32, #tpu.memory_space<vmem_shared>>
        tpu.enqueue_indirect_dma source(%arg10 : memref<128x128xf32, #tpu.memory_space<vmem>>) target(%dma_start3A_331 : memref<10240x128xf32, #tpu.memory_space<vmem_shared>>) offsets(%dma_start3A_328 : memref<128xi32, #tpu.memory_space<vmem>>) semaphore(%run_scoped3A_325 : memref<!tpu.dma_semaphore, #tpu.memory_space<semaphore_mem>>) {add = true}
        %dma_wait3A_332 = arith.constant 0 : i32
        %dma_wait3A_333 = tpu.memref_slice %arg8[%run_scoped3A_165, %dma_wait3A_332] : memref<8x128xi32, #tpu.memory_space<vmem>> -> memref<1x128xi32, #tpu.memory_space<vmem>>
        %dma_wait3A_334 = tpu.memref_squeeze %dma_wait3A_333 : memref<1x128xi32, #tpu.memory_space<vmem>> -> memref<128xi32, #tpu.memory_space<vmem>>
        %dma_wait3A_335 = arith.constant 0 : i32
        %dma_wait3A_336 = arith.constant 0 : i32
        %dma_wait3A_337 = tpu.memref_slice %arg16[%dma_wait3A_335, %dma_wait3A_336] : memref<10240x128xf32, #tpu.memory_space<vmem_shared>> -> memref<10240x128xf32, #tpu.memory_space<vmem_shared>>
        tpu.wait_indirect_dma semaphore(%run_scoped3A_325 : memref<!tpu.dma_semaphore, #tpu.memory_space<semaphore_mem>>) src(%arg10 : memref<128x128xf32, #tpu.memory_space<vmem>>) dst(%dma_wait3A_337 : memref<10240x128xf32, #tpu.memory_space<vmem_shared>>)
        tpu.yield
      }) : () -> ()
      %lt3A = arith.constant 9 : i32
      %lt3A_166 = arith.cmpi slt, %add3A_69, %lt3A : i32
      %convert_element_type3A = arith.extui %lt3A_166 : i1 to i32
      %cond3A = arith.constant 0 : i32
      %cond3A_167 = arith.cmpi ne, %convert_element_type3A, %cond3A : i32
      scf.if %cond3A_167 {
        %dma_wait3A_325 = arith.constant 0 : i32
        %dma_wait3A_326 = arith.constant 0 : i32
        %dma_wait3A_327 = tpu.memref_slice %arg3[%dma_wait3A_325, %dma_wait3A_326] : memref<2560x128xi32, #tpu.memory_space<hbm>> -> memref<8x128xi32, #tpu.memory_space<hbm>>
        %dma_wait3A_328 = arith.constant 0 : i32
        %dma_wait3A_329 = arith.constant 0 : i32
        %dma_wait3A_330 = tpu.memref_slice %arg3[%dma_wait3A_328, %dma_wait3A_329] : memref<2560x128xi32, #tpu.memory_space<hbm>> -> memref<8x128xi32, #tpu.memory_space<hbm>>
        tpu.wait_dma2 semaphore(%arg15 : memref<!tpu.dma_semaphore, #tpu.memory_space<semaphore_mem>>) src(%dma_wait3A_330 : memref<8x128xi32, #tpu.memory_space<hbm>>) dst(%arg7 : memref<8x128xi32, #tpu.memory_space<vmem>>)
        %dma_wait3A_331 = arith.constant 0 : i32
        %dma_wait3A_332 = arith.constant 0 : i32
        %dma_wait3A_333 = tpu.memref_slice %arg4[%dma_wait3A_331, %dma_wait3A_332] : memref<2560x128xi32, #tpu.memory_space<hbm>> -> memref<8x128xi32, #tpu.memory_space<hbm>>
        %dma_wait3A_334 = arith.constant 0 : i32
        %dma_wait3A_335 = arith.constant 0 : i32
        %dma_wait3A_336 = tpu.memref_slice %arg4[%dma_wait3A_334, %dma_wait3A_335] : memref<2560x128xi32, #tpu.memory_space<hbm>> -> memref<8x128xi32, #tpu.memory_space<hbm>>
        tpu.wait_dma2 semaphore(%arg15 : memref<!tpu.dma_semaphore, #tpu.memory_space<semaphore_mem>>) src(%dma_wait3A_336 : memref<8x128xi32, #tpu.memory_space<hbm>>) dst(%arg9 : memref<8x128xi32, #tpu.memory_space<vmem>>)
      } else {
      }
      %lt3A_168 = arith.constant 9 : i32
      %lt3A_169 = arith.cmpi slt, %add3A_69, %lt3A_168 : i32
      %convert_element_type3A_170 = arith.extui %lt3A_169 : i1 to i32
      %cond3A_171 = arith.constant 0 : i32
      %cond3A_172 = arith.cmpi ne, %convert_element_type3A_170, %cond3A_171 : i32
      scf.if %cond3A_172 {
        %dma_start3A_325 = arith.constant 0 : i32
        %dma_start3A_326 = arith.constant 0 : i32
        %dma_start3A_327 = tpu.memref_slice %arg7[%dma_start3A_325, %dma_start3A_326] : memref<8x128xi32, #tpu.memory_space<vmem>> -> memref<1x128xi32, #tpu.memory_space<vmem>>
        %dma_start3A_328 = tpu.memref_squeeze %dma_start3A_327 : memref<1x128xi32, #tpu.memory_space<vmem>> -> memref<128xi32, #tpu.memory_space<vmem>>
        %dma_start3A_329 = arith.constant 0 : i32
        %dma_start3A_330 = arith.constant 0 : i32
        %dma_start3A_331 = tpu.memref_slice %arg2[%dma_start3A_329, %dma_start3A_330] : memref<20000x128xf32, #tpu.memory_space<hbm>> -> memref<20000x128xf32, #tpu.memory_space<hbm>>
        tpu.enqueue_indirect_dma source(%dma_start3A_331 : memref<20000x128xf32, #tpu.memory_space<hbm>>) target(%arg10 : memref<128x128xf32, #tpu.memory_space<vmem>>) offsets(%dma_start3A_328 : memref<128xi32, #tpu.memory_space<vmem>>) semaphore(%arg12 : memref<!tpu.dma_semaphore, #tpu.memory_space<semaphore_mem>>)
      } else {
      }
      %dma_wait3A_173 = arith.constant 0 : i32
      %dma_wait3A_174 = arith.constant 0 : i32
      %dma_wait3A_175 = tpu.memref_slice %arg6[%dma_wait3A_173, %dma_wait3A_174] : memref<8x128xi32, #tpu.memory_space<vmem>> -> memref<1x128xi32, #tpu.memory_space<vmem>>
      %dma_wait3A_176 = tpu.memref_squeeze %dma_wait3A_175 : memref<1x128xi32, #tpu.memory_space<vmem>> -> memref<128xi32, #tpu.memory_space<vmem>>
      %dma_wait3A_177 = arith.constant 0 : i32
      %dma_wait3A_178 = arith.constant 0 : i32
      %dma_wait3A_179 = tpu.memref_slice %arg2[%dma_wait3A_177, %dma_wait3A_178] : memref<20000x128xf32, #tpu.memory_space<hbm>> -> memref<20000x128xf32, #tpu.memory_space<hbm>>
      tpu.wait_indirect_dma semaphore(%arg13 : memref<!tpu.dma_semaphore, #tpu.memory_space<semaphore_mem>>) src(%dma_wait3A_179 : memref<20000x128xf32, #tpu.memory_space<hbm>>) dst(%arg11 : memref<128x128xf32, #tpu.memory_space<vmem>>)
      %run_scoped3A_180 = arith.constant 7 : i32
      "tpu.region"() ({
        %run_scoped3A_325 = tpu.sem_alloc : memref<!tpu.dma_semaphore, #tpu.memory_space<semaphore_mem>>
        %dma_start3A_326 = arith.constant 0 : i32
        %dma_start3A_327 = tpu.memref_slice %arg8[%run_scoped3A_180, %dma_start3A_326] : memref<8x128xi32, #tpu.memory_space<vmem>> -> memref<1x128xi32, #tpu.memory_space<vmem>>
        %dma_start3A_328 = tpu.memref_squeeze %dma_start3A_327 : memref<1x128xi32, #tpu.memory_space<vmem>> -> memref<128xi32, #tpu.memory_space<vmem>>
        %dma_start3A_329 = arith.constant 0 : i32
        %dma_start3A_330 = arith.constant 0 : i32
        %dma_start3A_331 = tpu.memref_slice %arg16[%dma_start3A_329, %dma_start3A_330] : memref<10240x128xf32, #tpu.memory_space<vmem_shared>> -> memref<10240x128xf32, #tpu.memory_space<vmem_shared>>
        tpu.enqueue_indirect_dma source(%arg11 : memref<128x128xf32, #tpu.memory_space<vmem>>) target(%dma_start3A_331 : memref<10240x128xf32, #tpu.memory_space<vmem_shared>>) offsets(%dma_start3A_328 : memref<128xi32, #tpu.memory_space<vmem>>) semaphore(%run_scoped3A_325 : memref<!tpu.dma_semaphore, #tpu.memory_space<semaphore_mem>>) {add = true}
        %dma_wait3A_332 = arith.constant 0 : i32
        %dma_wait3A_333 = tpu.memref_slice %arg8[%run_scoped3A_180, %dma_wait3A_332] : memref<8x128xi32, #tpu.memory_space<vmem>> -> memref<1x128xi32, #tpu.memory_space<vmem>>
        %dma_wait3A_334 = tpu.memref_squeeze %dma_wait3A_333 : memref<1x128xi32, #tpu.memory_space<vmem>> -> memref<128xi32, #tpu.memory_space<vmem>>
        %dma_wait3A_335 = arith.constant 0 : i32
        %dma_wait3A_336 = arith.constant 0 : i32
        %dma_wait3A_337 = tpu.memref_slice %arg16[%dma_wait3A_335, %dma_wait3A_336] : memref<10240x128xf32, #tpu.memory_space<vmem_shared>> -> memref<10240x128xf32, #tpu.memory_space<vmem_shared>>
        tpu.wait_indirect_dma semaphore(%run_scoped3A_325 : memref<!tpu.dma_semaphore, #tpu.memory_space<semaphore_mem>>) src(%arg11 : memref<128x128xf32, #tpu.memory_space<vmem>>) dst(%dma_wait3A_337 : memref<10240x128xf32, #tpu.memory_space<vmem_shared>>)
        tpu.yield
      }) : () -> ()
      %lt3A_181 = arith.constant 9 : i32
      %lt3A_182 = arith.cmpi slt, %add3A_69, %lt3A_181 : i32
      %convert_element_type3A_183 = arith.extui %lt3A_182 : i1 to i32
      %cond3A_184 = arith.constant 0 : i32
      %cond3A_185 = arith.cmpi ne, %convert_element_type3A_183, %cond3A_184 : i32
      scf.if %cond3A_185 {
        %dma_start3A_325 = arith.constant 1 : i32
        %dma_start3A_326 = arith.constant 0 : i32
        %dma_start3A_327 = tpu.memref_slice %arg7[%dma_start3A_325, %dma_start3A_326] : memref<8x128xi32, #tpu.memory_space<vmem>> -> memref<1x128xi32, #tpu.memory_space<vmem>>
        %dma_start3A_328 = tpu.memref_squeeze %dma_start3A_327 : memref<1x128xi32, #tpu.memory_space<vmem>> -> memref<128xi32, #tpu.memory_space<vmem>>
        %dma_start3A_329 = arith.constant 0 : i32
        %dma_start3A_330 = arith.constant 0 : i32
        %dma_start3A_331 = tpu.memref_slice %arg2[%dma_start3A_329, %dma_start3A_330] : memref<20000x128xf32, #tpu.memory_space<hbm>> -> memref<20000x128xf32, #tpu.memory_space<hbm>>
        tpu.enqueue_indirect_dma source(%dma_start3A_331 : memref<20000x128xf32, #tpu.memory_space<hbm>>) target(%arg11 : memref<128x128xf32, #tpu.memory_space<vmem>>) offsets(%dma_start3A_328 : memref<128xi32, #tpu.memory_space<vmem>>) semaphore(%arg13 : memref<!tpu.dma_semaphore, #tpu.memory_space<semaphore_mem>>)
      } else {
      }
      %add3A_186 = arith.constant 2 : i32
      %add3A_187 = arith.addi %add3A_69, %add3A_186 : i32
      %lt3A_188 = arith.constant 10 : i32
      %lt3A_189 = arith.cmpi slt, %add3A_187, %lt3A_188 : i32
      %convert_element_type3A_190 = arith.extui %lt3A_189 : i1 to i32
      %cond3A_191 = arith.constant 0 : i32
      %cond3A_192 = arith.cmpi ne, %convert_element_type3A_190, %cond3A_191 : i32
      scf.if %cond3A_192 {
        %add3A_325 = arith.constant 2 : i32
        %add3A_326 = arith.addi %add3A_69, %add3A_325 : i32
        %mul3A_327 = arith.constant 8 : i32
        %mul3A_328 = arith.muli %add3A_326, %mul3A_327 : i32
        %add3A_329 = arith.addi %mul3A_28, %mul3A_328 : i32
        %dma_start3A_330 = arith.constant 0 : i32
        %dma_start3A_331 = tpu.memref_slice %arg3[%add3A_329, %dma_start3A_330] : memref<2560x128xi32, #tpu.memory_space<hbm>> -> memref<8x128xi32, #tpu.memory_space<hbm>>
        %dma_start3A_332 = arith.constant 0 : i32
        %dma_start3A_333 = tpu.memref_slice %arg3[%add3A_329, %dma_start3A_332] : memref<2560x128xi32, #tpu.memory_space<hbm>> -> memref<8x128xi32, #tpu.memory_space<hbm>>
        tpu.enqueue_dma source(%dma_start3A_333 : memref<8x128xi32, #tpu.memory_space<hbm>>) target(%arg6 : memref<8x128xi32, #tpu.memory_space<vmem>>) target_semaphore(%arg14 : memref<!tpu.dma_semaphore, #tpu.memory_space<semaphore_mem>>)
        %dma_start3A_334 = arith.constant 0 : i32
        %dma_start3A_335 = tpu.memref_slice %arg4[%add3A_329, %dma_start3A_334] : memref<2560x128xi32, #tpu.memory_space<hbm>> -> memref<8x128xi32, #tpu.memory_space<hbm>>
        %dma_start3A_336 = arith.constant 0 : i32
        %dma_start3A_337 = tpu.memref_slice %arg4[%add3A_329, %dma_start3A_336] : memref<2560x128xi32, #tpu.memory_space<hbm>> -> memref<8x128xi32, #tpu.memory_space<hbm>>
        tpu.enqueue_dma source(%dma_start3A_337 : memref<8x128xi32, #tpu.memory_space<hbm>>) target(%arg8 : memref<8x128xi32, #tpu.memory_space<vmem>>) target_semaphore(%arg14 : memref<!tpu.dma_semaphore, #tpu.memory_space<semaphore_mem>>)
      } else {
      }
      %mul3A_193 = arith.constant 2 : i32
      %mul3A_194 = arith.muli %mul3A_193, %scan3A_65 : i32
      %add3A_195 = arith.constant 1 : i32
      %add3A_196 = arith.addi %mul3A_194, %add3A_195 : i32
      %dma_wait3A_197 = arith.constant 0 : i32
      %dma_wait3A_198 = arith.constant 0 : i32
      %dma_wait3A_199 = tpu.memref_slice %arg7[%dma_wait3A_197, %dma_wait3A_198] : memref<8x128xi32, #tpu.memory_space<vmem>> -> memref<1x128xi32, #tpu.memory_space<vmem>>
      %dma_wait3A_200 = tpu.memref_squeeze %dma_wait3A_199 : memref<1x128xi32, #tpu.memory_space<vmem>> -> memref<128xi32, #tpu.memory_space<vmem>>
      %dma_wait3A_201 = arith.constant 0 : i32
      %dma_wait3A_202 = arith.constant 0 : i32
      %dma_wait3A_203 = tpu.memref_slice %arg2[%dma_wait3A_201, %dma_wait3A_202] : memref<20000x128xf32, #tpu.memory_space<hbm>> -> memref<20000x128xf32, #tpu.memory_space<hbm>>
      tpu.wait_indirect_dma semaphore(%arg12 : memref<!tpu.dma_semaphore, #tpu.memory_space<semaphore_mem>>) src(%dma_wait3A_203 : memref<20000x128xf32, #tpu.memory_space<hbm>>) dst(%arg10 : memref<128x128xf32, #tpu.memory_space<vmem>>)
      %run_scoped3A_204 = arith.constant 0 : i32
      "tpu.region"() ({
        %run_scoped3A_325 = tpu.sem_alloc : memref<!tpu.dma_semaphore, #tpu.memory_space<semaphore_mem>>
        %dma_start3A_326 = arith.constant 0 : i32
        %dma_start3A_327 = tpu.memref_slice %arg9[%run_scoped3A_204, %dma_start3A_326] : memref<8x128xi32, #tpu.memory_space<vmem>> -> memref<1x128xi32, #tpu.memory_space<vmem>>
        %dma_start3A_328 = tpu.memref_squeeze %dma_start3A_327 : memref<1x128xi32, #tpu.memory_space<vmem>> -> memref<128xi32, #tpu.memory_space<vmem>>
        %dma_start3A_329 = arith.constant 0 : i32
        %dma_start3A_330 = arith.constant 0 : i32
        %dma_start3A_331 = tpu.memref_slice %arg16[%dma_start3A_329, %dma_start3A_330] : memref<10240x128xf32, #tpu.memory_space<vmem_shared>> -> memref<10240x128xf32, #tpu.memory_space<vmem_shared>>
        tpu.enqueue_indirect_dma source(%arg10 : memref<128x128xf32, #tpu.memory_space<vmem>>) target(%dma_start3A_331 : memref<10240x128xf32, #tpu.memory_space<vmem_shared>>) offsets(%dma_start3A_328 : memref<128xi32, #tpu.memory_space<vmem>>) semaphore(%run_scoped3A_325 : memref<!tpu.dma_semaphore, #tpu.memory_space<semaphore_mem>>) {add = true}
        %dma_wait3A_332 = arith.constant 0 : i32
        %dma_wait3A_333 = tpu.memref_slice %arg9[%run_scoped3A_204, %dma_wait3A_332] : memref<8x128xi32, #tpu.memory_space<vmem>> -> memref<1x128xi32, #tpu.memory_space<vmem>>
        %dma_wait3A_334 = tpu.memref_squeeze %dma_wait3A_333 : memref<1x128xi32, #tpu.memory_space<vmem>> -> memref<128xi32, #tpu.memory_space<vmem>>
        %dma_wait3A_335 = arith.constant 0 : i32
        %dma_wait3A_336 = arith.constant 0 : i32
        %dma_wait3A_337 = tpu.memref_slice %arg16[%dma_wait3A_335, %dma_wait3A_336] : memref<10240x128xf32, #tpu.memory_space<vmem_shared>> -> memref<10240x128xf32, #tpu.memory_space<vmem_shared>>
        tpu.wait_indirect_dma semaphore(%run_scoped3A_325 : memref<!tpu.dma_semaphore, #tpu.memory_space<semaphore_mem>>) src(%arg10 : memref<128x128xf32, #tpu.memory_space<vmem>>) dst(%dma_wait3A_337 : memref<10240x128xf32, #tpu.memory_space<vmem_shared>>)
        tpu.yield
      }) : () -> ()
      %dma_start3A_205 = arith.constant 2 : i32
      %dma_start3A_206 = arith.constant 0 : i32
      %dma_start3A_207 = tpu.memref_slice %arg7[%dma_start3A_205, %dma_start3A_206] : memref<8x128xi32, #tpu.memory_space<vmem>> -> memref<1x128xi32, #tpu.memory_space<vmem>>
      %dma_start3A_208 = tpu.memref_squeeze %dma_start3A_207 : memref<1x128xi32, #tpu.memory_space<vmem>> -> memref<128xi32, #tpu.memory_space<vmem>>
      %dma_start3A_209 = arith.constant 0 : i32
      %dma_start3A_210 = arith.constant 0 : i32
      %dma_start3A_211 = tpu.memref_slice %arg2[%dma_start3A_209, %dma_start3A_210] : memref<20000x128xf32, #tpu.memory_space<hbm>> -> memref<20000x128xf32, #tpu.memory_space<hbm>>
      tpu.enqueue_indirect_dma source(%dma_start3A_211 : memref<20000x128xf32, #tpu.memory_space<hbm>>) target(%arg10 : memref<128x128xf32, #tpu.memory_space<vmem>>) offsets(%dma_start3A_208 : memref<128xi32, #tpu.memory_space<vmem>>) semaphore(%arg12 : memref<!tpu.dma_semaphore, #tpu.memory_space<semaphore_mem>>)
      %dma_wait3A_212 = arith.constant 0 : i32
      %dma_wait3A_213 = arith.constant 0 : i32
      %dma_wait3A_214 = tpu.memref_slice %arg7[%dma_wait3A_212, %dma_wait3A_213] : memref<8x128xi32, #tpu.memory_space<vmem>> -> memref<1x128xi32, #tpu.memory_space<vmem>>
      %dma_wait3A_215 = tpu.memref_squeeze %dma_wait3A_214 : memref<1x128xi32, #tpu.memory_space<vmem>> -> memref<128xi32, #tpu.memory_space<vmem>>
      %dma_wait3A_216 = arith.constant 0 : i32
      %dma_wait3A_217 = arith.constant 0 : i32
      %dma_wait3A_218 = tpu.memref_slice %arg2[%dma_wait3A_216, %dma_wait3A_217] : memref<20000x128xf32, #tpu.memory_space<hbm>> -> memref<20000x128xf32, #tpu.memory_space<hbm>>
      tpu.wait_indirect_dma semaphore(%arg13 : memref<!tpu.dma_semaphore, #tpu.memory_space<semaphore_mem>>) src(%dma_wait3A_218 : memref<20000x128xf32, #tpu.memory_space<hbm>>) dst(%arg11 : memref<128x128xf32, #tpu.memory_space<vmem>>)
      %run_scoped3A_219 = arith.constant 1 : i32
      "tpu.region"() ({
        %run_scoped3A_325 = tpu.sem_alloc : memref<!tpu.dma_semaphore, #tpu.memory_space<semaphore_mem>>
        %dma_start3A_326 = arith.constant 0 : i32
        %dma_start3A_327 = tpu.memref_slice %arg9[%run_scoped3A_219, %dma_start3A_326] : memref<8x128xi32, #tpu.memory_space<vmem>> -> memref<1x128xi32, #tpu.memory_space<vmem>>
        %dma_start3A_328 = tpu.memref_squeeze %dma_start3A_327 : memref<1x128xi32, #tpu.memory_space<vmem>> -> memref<128xi32, #tpu.memory_space<vmem>>
        %dma_start3A_329 = arith.constant 0 : i32
        %dma_start3A_330 = arith.constant 0 : i32
        %dma_start3A_331 = tpu.memref_slice %arg16[%dma_start3A_329, %dma_start3A_330] : memref<10240x128xf32, #tpu.memory_space<vmem_shared>> -> memref<10240x128xf32, #tpu.memory_space<vmem_shared>>
        tpu.enqueue_indirect_dma source(%arg11 : memref<128x128xf32, #tpu.memory_space<vmem>>) target(%dma_start3A_331 : memref<10240x128xf32, #tpu.memory_space<vmem_shared>>) offsets(%dma_start3A_328 : memref<128xi32, #tpu.memory_space<vmem>>) semaphore(%run_scoped3A_325 : memref<!tpu.dma_semaphore, #tpu.memory_space<semaphore_mem>>) {add = true}
        %dma_wait3A_332 = arith.constant 0 : i32
        %dma_wait3A_333 = tpu.memref_slice %arg9[%run_scoped3A_219, %dma_wait3A_332] : memref<8x128xi32, #tpu.memory_space<vmem>> -> memref<1x128xi32, #tpu.memory_space<vmem>>
        %dma_wait3A_334 = tpu.memref_squeeze %dma_wait3A_333 : memref<1x128xi32, #tpu.memory_space<vmem>> -> memref<128xi32, #tpu.memory_space<vmem>>
        %dma_wait3A_335 = arith.constant 0 : i32
        %dma_wait3A_336 = arith.constant 0 : i32
        %dma_wait3A_337 = tpu.memref_slice %arg16[%dma_wait3A_335, %dma_wait3A_336] : memref<10240x128xf32, #tpu.memory_space<vmem_shared>> -> memref<10240x128xf32, #tpu.memory_space<vmem_shared>>
        tpu.wait_indirect_dma semaphore(%run_scoped3A_325 : memref<!tpu.dma_semaphore, #tpu.memory_space<semaphore_mem>>) src(%arg11 : memref<128x128xf32, #tpu.memory_space<vmem>>) dst(%dma_wait3A_337 : memref<10240x128xf32, #tpu.memory_space<vmem_shared>>)
        tpu.yield
      }) : () -> ()
      %dma_start3A_220 = arith.constant 3 : i32
      %dma_start3A_221 = arith.constant 0 : i32
      %dma_start3A_222 = tpu.memref_slice %arg7[%dma_start3A_220, %dma_start3A_221] : memref<8x128xi32, #tpu.memory_space<vmem>> -> memref<1x128xi32, #tpu.memory_space<vmem>>
      %dma_start3A_223 = tpu.memref_squeeze %dma_start3A_222 : memref<1x128xi32, #tpu.memory_space<vmem>> -> memref<128xi32, #tpu.memory_space<vmem>>
      %dma_start3A_224 = arith.constant 0 : i32
      %dma_start3A_225 = arith.constant 0 : i32
      %dma_start3A_226 = tpu.memref_slice %arg2[%dma_start3A_224, %dma_start3A_225] : memref<20000x128xf32, #tpu.memory_space<hbm>> -> memref<20000x128xf32, #tpu.memory_space<hbm>>
      tpu.enqueue_indirect_dma source(%dma_start3A_226 : memref<20000x128xf32, #tpu.memory_space<hbm>>) target(%arg11 : memref<128x128xf32, #tpu.memory_space<vmem>>) offsets(%dma_start3A_223 : memref<128xi32, #tpu.memory_space<vmem>>) semaphore(%arg13 : memref<!tpu.dma_semaphore, #tpu.memory_space<semaphore_mem>>)
      %dma_wait3A_227 = arith.constant 0 : i32
      %dma_wait3A_228 = arith.constant 0 : i32
      %dma_wait3A_229 = tpu.memref_slice %arg7[%dma_wait3A_227, %dma_wait3A_228] : memref<8x128xi32, #tpu.memory_space<vmem>> -> memref<1x128xi32, #tpu.memory_space<vmem>>
      %dma_wait3A_230 = tpu.memref_squeeze %dma_wait3A_229 : memref<1x128xi32, #tpu.memory_space<vmem>> -> memref<128xi32, #tpu.memory_space<vmem>>
      %dma_wait3A_231 = arith.constant 0 : i32
      %dma_wait3A_232 = arith.constant 0 : i32
      %dma_wait3A_233 = tpu.memref_slice %arg2[%dma_wait3A_231, %dma_wait3A_232] : memref<20000x128xf32, #tpu.memory_space<hbm>> -> memref<20000x128xf32, #tpu.memory_space<hbm>>
      tpu.wait_indirect_dma semaphore(%arg12 : memref<!tpu.dma_semaphore, #tpu.memory_space<semaphore_mem>>) src(%dma_wait3A_233 : memref<20000x128xf32, #tpu.memory_space<hbm>>) dst(%arg10 : memref<128x128xf32, #tpu.memory_space<vmem>>)
      %run_scoped3A_234 = arith.constant 2 : i32
      "tpu.region"() ({
        %run_scoped3A_325 = tpu.sem_alloc : memref<!tpu.dma_semaphore, #tpu.memory_space<semaphore_mem>>
        %dma_start3A_326 = arith.constant 0 : i32
        %dma_start3A_327 = tpu.memref_slice %arg9[%run_scoped3A_234, %dma_start3A_326] : memref<8x128xi32, #tpu.memory_space<vmem>> -> memref<1x128xi32, #tpu.memory_space<vmem>>
        %dma_start3A_328 = tpu.memref_squeeze %dma_start3A_327 : memref<1x128xi32, #tpu.memory_space<vmem>> -> memref<128xi32, #tpu.memory_space<vmem>>
        %dma_start3A_329 = arith.constant 0 : i32
        %dma_start3A_330 = arith.constant 0 : i32
        %dma_start3A_331 = tpu.memref_slice %arg16[%dma_start3A_329, %dma_start3A_330] : memref<10240x128xf32, #tpu.memory_space<vmem_shared>> -> memref<10240x128xf32, #tpu.memory_space<vmem_shared>>
        tpu.enqueue_indirect_dma source(%arg10 : memref<128x128xf32, #tpu.memory_space<vmem>>) target(%dma_start3A_331 : memref<10240x128xf32, #tpu.memory_space<vmem_shared>>) offsets(%dma_start3A_328 : memref<128xi32, #tpu.memory_space<vmem>>) semaphore(%run_scoped3A_325 : memref<!tpu.dma_semaphore, #tpu.memory_space<semaphore_mem>>) {add = true}
        %dma_wait3A_332 = arith.constant 0 : i32
        %dma_wait3A_333 = tpu.memref_slice %arg9[%run_scoped3A_234, %dma_wait3A_332] : memref<8x128xi32, #tpu.memory_space<vmem>> -> memref<1x128xi32, #tpu.memory_space<vmem>>
        %dma_wait3A_334 = tpu.memref_squeeze %dma_wait3A_333 : memref<1x128xi32, #tpu.memory_space<vmem>> -> memref<128xi32, #tpu.memory_space<vmem>>
        %dma_wait3A_335 = arith.constant 0 : i32
        %dma_wait3A_336 = arith.constant 0 : i32
        %dma_wait3A_337 = tpu.memref_slice %arg16[%dma_wait3A_335, %dma_wait3A_336] : memref<10240x128xf32, #tpu.memory_space<vmem_shared>> -> memref<10240x128xf32, #tpu.memory_space<vmem_shared>>
        tpu.wait_indirect_dma semaphore(%run_scoped3A_325 : memref<!tpu.dma_semaphore, #tpu.memory_space<semaphore_mem>>) src(%arg10 : memref<128x128xf32, #tpu.memory_space<vmem>>) dst(%dma_wait3A_337 : memref<10240x128xf32, #tpu.memory_space<vmem_shared>>)
        tpu.yield
      }) : () -> ()
      %dma_start3A_235 = arith.constant 4 : i32
      %dma_start3A_236 = arith.constant 0 : i32
      %dma_start3A_237 = tpu.memref_slice %arg7[%dma_start3A_235, %dma_start3A_236] : memref<8x128xi32, #tpu.memory_space<vmem>> -> memref<1x128xi32, #tpu.memory_space<vmem>>
      %dma_start3A_238 = tpu.memref_squeeze %dma_start3A_237 : memref<1x128xi32, #tpu.memory_space<vmem>> -> memref<128xi32, #tpu.memory_space<vmem>>
      %dma_start3A_239 = arith.constant 0 : i32
      %dma_start3A_240 = arith.constant 0 : i32
      %dma_start3A_241 = tpu.memref_slice %arg2[%dma_start3A_239, %dma_start3A_240] : memref<20000x128xf32, #tpu.memory_space<hbm>> -> memref<20000x128xf32, #tpu.memory_space<hbm>>
      tpu.enqueue_indirect_dma source(%dma_start3A_241 : memref<20000x128xf32, #tpu.memory_space<hbm>>) target(%arg10 : memref<128x128xf32, #tpu.memory_space<vmem>>) offsets(%dma_start3A_238 : memref<128xi32, #tpu.memory_space<vmem>>) semaphore(%arg12 : memref<!tpu.dma_semaphore, #tpu.memory_space<semaphore_mem>>)
      %dma_wait3A_242 = arith.constant 0 : i32
      %dma_wait3A_243 = arith.constant 0 : i32
      %dma_wait3A_244 = tpu.memref_slice %arg7[%dma_wait3A_242, %dma_wait3A_243] : memref<8x128xi32, #tpu.memory_space<vmem>> -> memref<1x128xi32, #tpu.memory_space<vmem>>
      %dma_wait3A_245 = tpu.memref_squeeze %dma_wait3A_244 : memref<1x128xi32, #tpu.memory_space<vmem>> -> memref<128xi32, #tpu.memory_space<vmem>>
      %dma_wait3A_246 = arith.constant 0 : i32
      %dma_wait3A_247 = arith.constant 0 : i32
      %dma_wait3A_248 = tpu.memref_slice %arg2[%dma_wait3A_246, %dma_wait3A_247] : memref<20000x128xf32, #tpu.memory_space<hbm>> -> memref<20000x128xf32, #tpu.memory_space<hbm>>
      tpu.wait_indirect_dma semaphore(%arg13 : memref<!tpu.dma_semaphore, #tpu.memory_space<semaphore_mem>>) src(%dma_wait3A_248 : memref<20000x128xf32, #tpu.memory_space<hbm>>) dst(%arg11 : memref<128x128xf32, #tpu.memory_space<vmem>>)
      %run_scoped3A_249 = arith.constant 3 : i32
      "tpu.region"() ({
        %run_scoped3A_325 = tpu.sem_alloc : memref<!tpu.dma_semaphore, #tpu.memory_space<semaphore_mem>>
        %dma_start3A_326 = arith.constant 0 : i32
        %dma_start3A_327 = tpu.memref_slice %arg9[%run_scoped3A_249, %dma_start3A_326] : memref<8x128xi32, #tpu.memory_space<vmem>> -> memref<1x128xi32, #tpu.memory_space<vmem>>
        %dma_start3A_328 = tpu.memref_squeeze %dma_start3A_327 : memref<1x128xi32, #tpu.memory_space<vmem>> -> memref<128xi32, #tpu.memory_space<vmem>>
        %dma_start3A_329 = arith.constant 0 : i32
        %dma_start3A_330 = arith.constant 0 : i32
        %dma_start3A_331 = tpu.memref_slice %arg16[%dma_start3A_329, %dma_start3A_330] : memref<10240x128xf32, #tpu.memory_space<vmem_shared>> -> memref<10240x128xf32, #tpu.memory_space<vmem_shared>>
        tpu.enqueue_indirect_dma source(%arg11 : memref<128x128xf32, #tpu.memory_space<vmem>>) target(%dma_start3A_331 : memref<10240x128xf32, #tpu.memory_space<vmem_shared>>) offsets(%dma_start3A_328 : memref<128xi32, #tpu.memory_space<vmem>>) semaphore(%run_scoped3A_325 : memref<!tpu.dma_semaphore, #tpu.memory_space<semaphore_mem>>) {add = true}
        %dma_wait3A_332 = arith.constant 0 : i32
        %dma_wait3A_333 = tpu.memref_slice %arg9[%run_scoped3A_249, %dma_wait3A_332] : memref<8x128xi32, #tpu.memory_space<vmem>> -> memref<1x128xi32, #tpu.memory_space<vmem>>
        %dma_wait3A_334 = tpu.memref_squeeze %dma_wait3A_333 : memref<1x128xi32, #tpu.memory_space<vmem>> -> memref<128xi32, #tpu.memory_space<vmem>>
        %dma_wait3A_335 = arith.constant 0 : i32
        %dma_wait3A_336 = arith.constant 0 : i32
        %dma_wait3A_337 = tpu.memref_slice %arg16[%dma_wait3A_335, %dma_wait3A_336] : memref<10240x128xf32, #tpu.memory_space<vmem_shared>> -> memref<10240x128xf32, #tpu.memory_space<vmem_shared>>
        tpu.wait_indirect_dma semaphore(%run_scoped3A_325 : memref<!tpu.dma_semaphore, #tpu.memory_space<semaphore_mem>>) src(%arg11 : memref<128x128xf32, #tpu.memory_space<vmem>>) dst(%dma_wait3A_337 : memref<10240x128xf32, #tpu.memory_space<vmem_shared>>)
        tpu.yield
      }) : () -> ()
      %dma_start3A_250 = arith.constant 5 : i32
      %dma_start3A_251 = arith.constant 0 : i32
      %dma_start3A_252 = tpu.memref_slice %arg7[%dma_start3A_250, %dma_start3A_251] : memref<8x128xi32, #tpu.memory_space<vmem>> -> memref<1x128xi32, #tpu.memory_space<vmem>>
      %dma_start3A_253 = tpu.memref_squeeze %dma_start3A_252 : memref<1x128xi32, #tpu.memory_space<vmem>> -> memref<128xi32, #tpu.memory_space<vmem>>
      %dma_start3A_254 = arith.constant 0 : i32
      %dma_start3A_255 = arith.constant 0 : i32
      %dma_start3A_256 = tpu.memref_slice %arg2[%dma_start3A_254, %dma_start3A_255] : memref<20000x128xf32, #tpu.memory_space<hbm>> -> memref<20000x128xf32, #tpu.memory_space<hbm>>
      tpu.enqueue_indirect_dma source(%dma_start3A_256 : memref<20000x128xf32, #tpu.memory_space<hbm>>) target(%arg11 : memref<128x128xf32, #tpu.memory_space<vmem>>) offsets(%dma_start3A_253 : memref<128xi32, #tpu.memory_space<vmem>>) semaphore(%arg13 : memref<!tpu.dma_semaphore, #tpu.memory_space<semaphore_mem>>)
      %dma_wait3A_257 = arith.constant 0 : i32
      %dma_wait3A_258 = arith.constant 0 : i32
      %dma_wait3A_259 = tpu.memref_slice %arg7[%dma_wait3A_257, %dma_wait3A_258] : memref<8x128xi32, #tpu.memory_space<vmem>> -> memref<1x128xi32, #tpu.memory_space<vmem>>
      %dma_wait3A_260 = tpu.memref_squeeze %dma_wait3A_259 : memref<1x128xi32, #tpu.memory_space<vmem>> -> memref<128xi32, #tpu.memory_space<vmem>>
      %dma_wait3A_261 = arith.constant 0 : i32
      %dma_wait3A_262 = arith.constant 0 : i32
      %dma_wait3A_263 = tpu.memref_slice %arg2[%dma_wait3A_261, %dma_wait3A_262] : memref<20000x128xf32, #tpu.memory_space<hbm>> -> memref<20000x128xf32, #tpu.memory_space<hbm>>
      tpu.wait_indirect_dma semaphore(%arg12 : memref<!tpu.dma_semaphore, #tpu.memory_space<semaphore_mem>>) src(%dma_wait3A_263 : memref<20000x128xf32, #tpu.memory_space<hbm>>) dst(%arg10 : memref<128x128xf32, #tpu.memory_space<vmem>>)
      %run_scoped3A_264 = arith.constant 4 : i32
      "tpu.region"() ({
        %run_scoped3A_325 = tpu.sem_alloc : memref<!tpu.dma_semaphore, #tpu.memory_space<semaphore_mem>>
        %dma_start3A_326 = arith.constant 0 : i32
        %dma_start3A_327 = tpu.memref_slice %arg9[%run_scoped3A_264, %dma_start3A_326] : memref<8x128xi32, #tpu.memory_space<vmem>> -> memref<1x128xi32, #tpu.memory_space<vmem>>
        %dma_start3A_328 = tpu.memref_squeeze %dma_start3A_327 : memref<1x128xi32, #tpu.memory_space<vmem>> -> memref<128xi32, #tpu.memory_space<vmem>>
        %dma_start3A_329 = arith.constant 0 : i32
        %dma_start3A_330 = arith.constant 0 : i32
        %dma_start3A_331 = tpu.memref_slice %arg16[%dma_start3A_329, %dma_start3A_330] : memref<10240x128xf32, #tpu.memory_space<vmem_shared>> -> memref<10240x128xf32, #tpu.memory_space<vmem_shared>>
        tpu.enqueue_indirect_dma source(%arg10 : memref<128x128xf32, #tpu.memory_space<vmem>>) target(%dma_start3A_331 : memref<10240x128xf32, #tpu.memory_space<vmem_shared>>) offsets(%dma_start3A_328 : memref<128xi32, #tpu.memory_space<vmem>>) semaphore(%run_scoped3A_325 : memref<!tpu.dma_semaphore, #tpu.memory_space<semaphore_mem>>) {add = true}
        %dma_wait3A_332 = arith.constant 0 : i32
        %dma_wait3A_333 = tpu.memref_slice %arg9[%run_scoped3A_264, %dma_wait3A_332] : memref<8x128xi32, #tpu.memory_space<vmem>> -> memref<1x128xi32, #tpu.memory_space<vmem>>
        %dma_wait3A_334 = tpu.memref_squeeze %dma_wait3A_333 : memref<1x128xi32, #tpu.memory_space<vmem>> -> memref<128xi32, #tpu.memory_space<vmem>>
        %dma_wait3A_335 = arith.constant 0 : i32
        %dma_wait3A_336 = arith.constant 0 : i32
        %dma_wait3A_337 = tpu.memref_slice %arg16[%dma_wait3A_335, %dma_wait3A_336] : memref<10240x128xf32, #tpu.memory_space<vmem_shared>> -> memref<10240x128xf32, #tpu.memory_space<vmem_shared>>
        tpu.wait_indirect_dma semaphore(%run_scoped3A_325 : memref<!tpu.dma_semaphore, #tpu.memory_space<semaphore_mem>>) src(%arg10 : memref<128x128xf32, #tpu.memory_space<vmem>>) dst(%dma_wait3A_337 : memref<10240x128xf32, #tpu.memory_space<vmem_shared>>)
        tpu.yield
      }) : () -> ()
      %dma_start3A_265 = arith.constant 6 : i32
      %dma_start3A_266 = arith.constant 0 : i32
      %dma_start3A_267 = tpu.memref_slice %arg7[%dma_start3A_265, %dma_start3A_266] : memref<8x128xi32, #tpu.memory_space<vmem>> -> memref<1x128xi32, #tpu.memory_space<vmem>>
      %dma_start3A_268 = tpu.memref_squeeze %dma_start3A_267 : memref<1x128xi32, #tpu.memory_space<vmem>> -> memref<128xi32, #tpu.memory_space<vmem>>
      %dma_start3A_269 = arith.constant 0 : i32
      %dma_start3A_270 = arith.constant 0 : i32
      %dma_start3A_271 = tpu.memref_slice %arg2[%dma_start3A_269, %dma_start3A_270] : memref<20000x128xf32, #tpu.memory_space<hbm>> -> memref<20000x128xf32, #tpu.memory_space<hbm>>
      tpu.enqueue_indirect_dma source(%dma_start3A_271 : memref<20000x128xf32, #tpu.memory_space<hbm>>) target(%arg10 : memref<128x128xf32, #tpu.memory_space<vmem>>) offsets(%dma_start3A_268 : memref<128xi32, #tpu.memory_space<vmem>>) semaphore(%arg12 : memref<!tpu.dma_semaphore, #tpu.memory_space<semaphore_mem>>)
      %dma_wait3A_272 = arith.constant 0 : i32
      %dma_wait3A_273 = arith.constant 0 : i32
      %dma_wait3A_274 = tpu.memref_slice %arg7[%dma_wait3A_272, %dma_wait3A_273] : memref<8x128xi32, #tpu.memory_space<vmem>> -> memref<1x128xi32, #tpu.memory_space<vmem>>
      %dma_wait3A_275 = tpu.memref_squeeze %dma_wait3A_274 : memref<1x128xi32, #tpu.memory_space<vmem>> -> memref<128xi32, #tpu.memory_space<vmem>>
      %dma_wait3A_276 = arith.constant 0 : i32
      %dma_wait3A_277 = arith.constant 0 : i32
      %dma_wait3A_278 = tpu.memref_slice %arg2[%dma_wait3A_276, %dma_wait3A_277] : memref<20000x128xf32, #tpu.memory_space<hbm>> -> memref<20000x128xf32, #tpu.memory_space<hbm>>
      tpu.wait_indirect_dma semaphore(%arg13 : memref<!tpu.dma_semaphore, #tpu.memory_space<semaphore_mem>>) src(%dma_wait3A_278 : memref<20000x128xf32, #tpu.memory_space<hbm>>) dst(%arg11 : memref<128x128xf32, #tpu.memory_space<vmem>>)
      %run_scoped3A_279 = arith.constant 5 : i32
      "tpu.region"() ({
        %run_scoped3A_325 = tpu.sem_alloc : memref<!tpu.dma_semaphore, #tpu.memory_space<semaphore_mem>>
        %dma_start3A_326 = arith.constant 0 : i32
        %dma_start3A_327 = tpu.memref_slice %arg9[%run_scoped3A_279, %dma_start3A_326] : memref<8x128xi32, #tpu.memory_space<vmem>> -> memref<1x128xi32, #tpu.memory_space<vmem>>
        %dma_start3A_328 = tpu.memref_squeeze %dma_start3A_327 : memref<1x128xi32, #tpu.memory_space<vmem>> -> memref<128xi32, #tpu.memory_space<vmem>>
        %dma_start3A_329 = arith.constant 0 : i32
        %dma_start3A_330 = arith.constant 0 : i32
        %dma_start3A_331 = tpu.memref_slice %arg16[%dma_start3A_329, %dma_start3A_330] : memref<10240x128xf32, #tpu.memory_space<vmem_shared>> -> memref<10240x128xf32, #tpu.memory_space<vmem_shared>>
        tpu.enqueue_indirect_dma source(%arg11 : memref<128x128xf32, #tpu.memory_space<vmem>>) target(%dma_start3A_331 : memref<10240x128xf32, #tpu.memory_space<vmem_shared>>) offsets(%dma_start3A_328 : memref<128xi32, #tpu.memory_space<vmem>>) semaphore(%run_scoped3A_325 : memref<!tpu.dma_semaphore, #tpu.memory_space<semaphore_mem>>) {add = true}
        %dma_wait3A_332 = arith.constant 0 : i32
        %dma_wait3A_333 = tpu.memref_slice %arg9[%run_scoped3A_279, %dma_wait3A_332] : memref<8x128xi32, #tpu.memory_space<vmem>> -> memref<1x128xi32, #tpu.memory_space<vmem>>
        %dma_wait3A_334 = tpu.memref_squeeze %dma_wait3A_333 : memref<1x128xi32, #tpu.memory_space<vmem>> -> memref<128xi32, #tpu.memory_space<vmem>>
        %dma_wait3A_335 = arith.constant 0 : i32
        %dma_wait3A_336 = arith.constant 0 : i32
        %dma_wait3A_337 = tpu.memref_slice %arg16[%dma_wait3A_335, %dma_wait3A_336] : memref<10240x128xf32, #tpu.memory_space<vmem_shared>> -> memref<10240x128xf32, #tpu.memory_space<vmem_shared>>
        tpu.wait_indirect_dma semaphore(%run_scoped3A_325 : memref<!tpu.dma_semaphore, #tpu.memory_space<semaphore_mem>>) src(%arg11 : memref<128x128xf32, #tpu.memory_space<vmem>>) dst(%dma_wait3A_337 : memref<10240x128xf32, #tpu.memory_space<vmem_shared>>)
        tpu.yield
      }) : () -> ()
      %dma_start3A_280 = arith.constant 7 : i32
      %dma_start3A_281 = arith.constant 0 : i32
      %dma_start3A_282 = tpu.memref_slice %arg7[%dma_start3A_280, %dma_start3A_281] : memref<8x128xi32, #tpu.memory_space<vmem>> -> memref<1x128xi32, #tpu.memory_space<vmem>>
      %dma_start3A_283 = tpu.memref_squeeze %dma_start3A_282 : memref<1x128xi32, #tpu.memory_space<vmem>> -> memref<128xi32, #tpu.memory_space<vmem>>
      %dma_start3A_284 = arith.constant 0 : i32
      %dma_start3A_285 = arith.constant 0 : i32
      %dma_start3A_286 = tpu.memref_slice %arg2[%dma_start3A_284, %dma_start3A_285] : memref<20000x128xf32, #tpu.memory_space<hbm>> -> memref<20000x128xf32, #tpu.memory_space<hbm>>
      tpu.enqueue_indirect_dma source(%dma_start3A_286 : memref<20000x128xf32, #tpu.memory_space<hbm>>) target(%arg11 : memref<128x128xf32, #tpu.memory_space<vmem>>) offsets(%dma_start3A_283 : memref<128xi32, #tpu.memory_space<vmem>>) semaphore(%arg13 : memref<!tpu.dma_semaphore, #tpu.memory_space<semaphore_mem>>)
      %dma_wait3A_287 = arith.constant 0 : i32
      %dma_wait3A_288 = arith.constant 0 : i32
      %dma_wait3A_289 = tpu.memref_slice %arg7[%dma_wait3A_287, %dma_wait3A_288] : memref<8x128xi32, #tpu.memory_space<vmem>> -> memref<1x128xi32, #tpu.memory_space<vmem>>
      %dma_wait3A_290 = tpu.memref_squeeze %dma_wait3A_289 : memref<1x128xi32, #tpu.memory_space<vmem>> -> memref<128xi32, #tpu.memory_space<vmem>>
      %dma_wait3A_291 = arith.constant 0 : i32
      %dma_wait3A_292 = arith.constant 0 : i32
      %dma_wait3A_293 = tpu.memref_slice %arg2[%dma_wait3A_291, %dma_wait3A_292] : memref<20000x128xf32, #tpu.memory_space<hbm>> -> memref<20000x128xf32, #tpu.memory_space<hbm>>
      tpu.wait_indirect_dma semaphore(%arg12 : memref<!tpu.dma_semaphore, #tpu.memory_space<semaphore_mem>>) src(%dma_wait3A_293 : memref<20000x128xf32, #tpu.memory_space<hbm>>) dst(%arg10 : memref<128x128xf32, #tpu.memory_space<vmem>>)
      %run_scoped3A_294 = arith.constant 6 : i32
      "tpu.region"() ({
        %run_scoped3A_325 = tpu.sem_alloc : memref<!tpu.dma_semaphore, #tpu.memory_space<semaphore_mem>>
        %dma_start3A_326 = arith.constant 0 : i32
        %dma_start3A_327 = tpu.memref_slice %arg9[%run_scoped3A_294, %dma_start3A_326] : memref<8x128xi32, #tpu.memory_space<vmem>> -> memref<1x128xi32, #tpu.memory_space<vmem>>
        %dma_start3A_328 = tpu.memref_squeeze %dma_start3A_327 : memref<1x128xi32, #tpu.memory_space<vmem>> -> memref<128xi32, #tpu.memory_space<vmem>>
        %dma_start3A_329 = arith.constant 0 : i32
        %dma_start3A_330 = arith.constant 0 : i32
        %dma_start3A_331 = tpu.memref_slice %arg16[%dma_start3A_329, %dma_start3A_330] : memref<10240x128xf32, #tpu.memory_space<vmem_shared>> -> memref<10240x128xf32, #tpu.memory_space<vmem_shared>>
        tpu.enqueue_indirect_dma source(%arg10 : memref<128x128xf32, #tpu.memory_space<vmem>>) target(%dma_start3A_331 : memref<10240x128xf32, #tpu.memory_space<vmem_shared>>) offsets(%dma_start3A_328 : memref<128xi32, #tpu.memory_space<vmem>>) semaphore(%run_scoped3A_325 : memref<!tpu.dma_semaphore, #tpu.memory_space<semaphore_mem>>) {add = true}
        %dma_wait3A_332 = arith.constant 0 : i32
        %dma_wait3A_333 = tpu.memref_slice %arg9[%run_scoped3A_294, %dma_wait3A_332] : memref<8x128xi32, #tpu.memory_space<vmem>> -> memref<1x128xi32, #tpu.memory_space<vmem>>
        %dma_wait3A_334 = tpu.memref_squeeze %dma_wait3A_333 : memref<1x128xi32, #tpu.memory_space<vmem>> -> memref<128xi32, #tpu.memory_space<vmem>>
        %dma_wait3A_335 = arith.constant 0 : i32
        %dma_wait3A_336 = arith.constant 0 : i32
        %dma_wait3A_337 = tpu.memref_slice %arg16[%dma_wait3A_335, %dma_wait3A_336] : memref<10240x128xf32, #tpu.memory_space<vmem_shared>> -> memref<10240x128xf32, #tpu.memory_space<vmem_shared>>
        tpu.wait_indirect_dma semaphore(%run_scoped3A_325 : memref<!tpu.dma_semaphore, #tpu.memory_space<semaphore_mem>>) src(%arg10 : memref<128x128xf32, #tpu.memory_space<vmem>>) dst(%dma_wait3A_337 : memref<10240x128xf32, #tpu.memory_space<vmem_shared>>)
        tpu.yield
      }) : () -> ()
      %lt3A_295 = arith.constant 9 : i32
      %lt3A_296 = arith.cmpi slt, %add3A_196, %lt3A_295 : i32
      %convert_element_type3A_297 = arith.extui %lt3A_296 : i1 to i32
      %cond3A_298 = arith.constant 0 : i32
      %cond3A_299 = arith.cmpi ne, %convert_element_type3A_297, %cond3A_298 : i32
      scf.if %cond3A_299 {
        %dma_wait3A_325 = arith.constant 0 : i32
        %dma_wait3A_326 = arith.constant 0 : i32
        %dma_wait3A_327 = tpu.memref_slice %arg3[%dma_wait3A_325, %dma_wait3A_326] : memref<2560x128xi32, #tpu.memory_space<hbm>> -> memref<8x128xi32, #tpu.memory_space<hbm>>
        %dma_wait3A_328 = arith.constant 0 : i32
        %dma_wait3A_329 = arith.constant 0 : i32
        %dma_wait3A_330 = tpu.memref_slice %arg3[%dma_wait3A_328, %dma_wait3A_329] : memref<2560x128xi32, #tpu.memory_space<hbm>> -> memref<8x128xi32, #tpu.memory_space<hbm>>
        tpu.wait_dma2 semaphore(%arg14 : memref<!tpu.dma_semaphore, #tpu.memory_space<semaphore_mem>>) src(%dma_wait3A_330 : memref<8x128xi32, #tpu.memory_space<hbm>>) dst(%arg6 : memref<8x128xi32, #tpu.memory_space<vmem>>)
        %dma_wait3A_331 = arith.constant 0 : i32
        %dma_wait3A_332 = arith.constant 0 : i32
        %dma_wait3A_333 = tpu.memref_slice %arg4[%dma_wait3A_331, %dma_wait3A_332] : memref<2560x128xi32, #tpu.memory_space<hbm>> -> memref<8x128xi32, #tpu.memory_space<hbm>>
        %dma_wait3A_334 = arith.constant 0 : i32
        %dma_wait3A_335 = arith.constant 0 : i32
        %dma_wait3A_336 = tpu.memref_slice %arg4[%dma_wait3A_334, %dma_wait3A_335] : memref<2560x128xi32, #tpu.memory_space<hbm>> -> memref<8x128xi32, #tpu.memory_space<hbm>>
        tpu.wait_dma2 semaphore(%arg14 : memref<!tpu.dma_semaphore, #tpu.memory_space<semaphore_mem>>) src(%dma_wait3A_336 : memref<8x128xi32, #tpu.memory_space<hbm>>) dst(%arg8 : memref<8x128xi32, #tpu.memory_space<vmem>>)
      } else {
      }
      %lt3A_300 = arith.constant 9 : i32
      %lt3A_301 = arith.cmpi slt, %add3A_196, %lt3A_300 : i32
      %convert_element_type3A_302 = arith.extui %lt3A_301 : i1 to i32
      %cond3A_303 = arith.constant 0 : i32
      %cond3A_304 = arith.cmpi ne, %convert_element_type3A_302, %cond3A_303 : i32
      scf.if %cond3A_304 {
        %dma_start3A_325 = arith.constant 0 : i32
        %dma_start3A_326 = arith.constant 0 : i32
        %dma_start3A_327 = tpu.memref_slice %arg6[%dma_start3A_325, %dma_start3A_326] : memref<8x128xi32, #tpu.memory_space<vmem>> -> memref<1x128xi32, #tpu.memory_space<vmem>>
        %dma_start3A_328 = tpu.memref_squeeze %dma_start3A_327 : memref<1x128xi32, #tpu.memory_space<vmem>> -> memref<128xi32, #tpu.memory_space<vmem>>
        %dma_start3A_329 = arith.constant 0 : i32
        %dma_start3A_330 = arith.constant 0 : i32
        %dma_start3A_331 = tpu.memref_slice %arg2[%dma_start3A_329, %dma_start3A_330] : memref<20000x128xf32, #tpu.memory_space<hbm>> -> memref<20000x128xf32, #tpu.memory_space<hbm>>
        tpu.enqueue_indirect_dma source(%dma_start3A_331 : memref<20000x128xf32, #tpu.memory_space<hbm>>) target(%arg10 : memref<128x128xf32, #tpu.memory_space<vmem>>) offsets(%dma_start3A_328 : memref<128xi32, #tpu.memory_space<vmem>>) semaphore(%arg12 : memref<!tpu.dma_semaphore, #tpu.memory_space<semaphore_mem>>)
      } else {
      }
      %dma_wait3A_305 = arith.constant 0 : i32
      %dma_wait3A_306 = arith.constant 0 : i32
      %dma_wait3A_307 = tpu.memref_slice %arg7[%dma_wait3A_305, %dma_wait3A_306] : memref<8x128xi32, #tpu.memory_space<vmem>> -> memref<1x128xi32, #tpu.memory_space<vmem>>
      %dma_wait3A_308 = tpu.memref_squeeze %dma_wait3A_307 : memref<1x128xi32, #tpu.memory_space<vmem>> -> memref<128xi32, #tpu.memory_space<vmem>>
      %dma_wait3A_309 = arith.constant 0 : i32
      %dma_wait3A_310 = arith.constant 0 : i32
      %dma_wait3A_311 = tpu.memref_slice %arg2[%dma_wait3A_309, %dma_wait3A_310] : memref<20000x128xf32, #tpu.memory_space<hbm>> -> memref<20000x128xf32, #tpu.memory_space<hbm>>
      tpu.wait_indirect_dma semaphore(%arg13 : memref<!tpu.dma_semaphore, #tpu.memory_space<semaphore_mem>>) src(%dma_wait3A_311 : memref<20000x128xf32, #tpu.memory_space<hbm>>) dst(%arg11 : memref<128x128xf32, #tpu.memory_space<vmem>>)
      %run_scoped3A_312 = arith.constant 7 : i32
      "tpu.region"() ({
        %run_scoped3A_325 = tpu.sem_alloc : memref<!tpu.dma_semaphore, #tpu.memory_space<semaphore_mem>>
        %dma_start3A_326 = arith.constant 0 : i32
        %dma_start3A_327 = tpu.memref_slice %arg9[%run_scoped3A_312, %dma_start3A_326] : memref<8x128xi32, #tpu.memory_space<vmem>> -> memref<1x128xi32, #tpu.memory_space<vmem>>
        %dma_start3A_328 = tpu.memref_squeeze %dma_start3A_327 : memref<1x128xi32, #tpu.memory_space<vmem>> -> memref<128xi32, #tpu.memory_space<vmem>>
        %dma_start3A_329 = arith.constant 0 : i32
        %dma_start3A_330 = arith.constant 0 : i32
        %dma_start3A_331 = tpu.memref_slice %arg16[%dma_start3A_329, %dma_start3A_330] : memref<10240x128xf32, #tpu.memory_space<vmem_shared>> -> memref<10240x128xf32, #tpu.memory_space<vmem_shared>>
        tpu.enqueue_indirect_dma source(%arg11 : memref<128x128xf32, #tpu.memory_space<vmem>>) target(%dma_start3A_331 : memref<10240x128xf32, #tpu.memory_space<vmem_shared>>) offsets(%dma_start3A_328 : memref<128xi32, #tpu.memory_space<vmem>>) semaphore(%run_scoped3A_325 : memref<!tpu.dma_semaphore, #tpu.memory_space<semaphore_mem>>) {add = true}
        %dma_wait3A_332 = arith.constant 0 : i32
        %dma_wait3A_333 = tpu.memref_slice %arg9[%run_scoped3A_312, %dma_wait3A_332] : memref<8x128xi32, #tpu.memory_space<vmem>> -> memref<1x128xi32, #tpu.memory_space<vmem>>
        %dma_wait3A_334 = tpu.memref_squeeze %dma_wait3A_333 : memref<1x128xi32, #tpu.memory_space<vmem>> -> memref<128xi32, #tpu.memory_space<vmem>>
        %dma_wait3A_335 = arith.constant 0 : i32
        %dma_wait3A_336 = arith.constant 0 : i32
        %dma_wait3A_337 = tpu.memref_slice %arg16[%dma_wait3A_335, %dma_wait3A_336] : memref<10240x128xf32, #tpu.memory_space<vmem_shared>> -> memref<10240x128xf32, #tpu.memory_space<vmem_shared>>
        tpu.wait_indirect_dma semaphore(%run_scoped3A_325 : memref<!tpu.dma_semaphore, #tpu.memory_space<semaphore_mem>>) src(%arg11 : memref<128x128xf32, #tpu.memory_space<vmem>>) dst(%dma_wait3A_337 : memref<10240x128xf32, #tpu.memory_space<vmem_shared>>)
        tpu.yield
      }) : () -> ()
      %lt3A_313 = arith.constant 9 : i32
      %lt3A_314 = arith.cmpi slt, %add3A_196, %lt3A_313 : i32
      %convert_element_type3A_315 = arith.extui %lt3A_314 : i1 to i32
      %cond3A_316 = arith.constant 0 : i32
      %cond3A_317 = arith.cmpi ne, %convert_element_type3A_315, %cond3A_316 : i32
      scf.if %cond3A_317 {
        %dma_start3A_325 = arith.constant 1 : i32
        %dma_start3A_326 = arith.constant 0 : i32
        %dma_start3A_327 = tpu.memref_slice %arg6[%dma_start3A_325, %dma_start3A_326] : memref<8x128xi32, #tpu.memory_space<vmem>> -> memref<1x128xi32, #tpu.memory_space<vmem>>
        %dma_start3A_328 = tpu.memref_squeeze %dma_start3A_327 : memref<1x128xi32, #tpu.memory_space<vmem>> -> memref<128xi32, #tpu.memory_space<vmem>>
        %dma_start3A_329 = arith.constant 0 : i32
        %dma_start3A_330 = arith.constant 0 : i32
        %dma_start3A_331 = tpu.memref_slice %arg2[%dma_start3A_329, %dma_start3A_330] : memref<20000x128xf32, #tpu.memory_space<hbm>> -> memref<20000x128xf32, #tpu.memory_space<hbm>>
        tpu.enqueue_indirect_dma source(%dma_start3A_331 : memref<20000x128xf32, #tpu.memory_space<hbm>>) target(%arg11 : memref<128x128xf32, #tpu.memory_space<vmem>>) offsets(%dma_start3A_328 : memref<128xi32, #tpu.memory_space<vmem>>) semaphore(%arg13 : memref<!tpu.dma_semaphore, #tpu.memory_space<semaphore_mem>>)
      } else {
      }
      %add3A_318 = arith.constant 2 : i32
      %add3A_319 = arith.addi %add3A_196, %add3A_318 : i32
      %lt3A_320 = arith.constant 10 : i32
      %lt3A_321 = arith.cmpi slt, %add3A_319, %lt3A_320 : i32
      %convert_element_type3A_322 = arith.extui %lt3A_321 : i1 to i32
      %cond3A_323 = arith.constant 0 : i32
      %cond3A_324 = arith.cmpi ne, %convert_element_type3A_322, %cond3A_323 : i32
      scf.if %cond3A_324 {
        %add3A_325 = arith.constant 2 : i32
        %add3A_326 = arith.addi %add3A_196, %add3A_325 : i32
        %mul3A_327 = arith.constant 8 : i32
        %mul3A_328 = arith.muli %add3A_326, %mul3A_327 : i32
        %add3A_329 = arith.addi %mul3A_28, %mul3A_328 : i32
        %dma_start3A_330 = arith.constant 0 : i32
        %dma_start3A_331 = tpu.memref_slice %arg3[%add3A_329, %dma_start3A_330] : memref<2560x128xi32, #tpu.memory_space<hbm>> -> memref<8x128xi32, #tpu.memory_space<hbm>>
        %dma_start3A_332 = arith.constant 0 : i32
        %dma_start3A_333 = tpu.memref_slice %arg3[%add3A_329, %dma_start3A_332] : memref<2560x128xi32, #tpu.memory_space<hbm>> -> memref<8x128xi32, #tpu.memory_space<hbm>>
        tpu.enqueue_dma source(%dma_start3A_333 : memref<8x128xi32, #tpu.memory_space<hbm>>) target(%arg7 : memref<8x128xi32, #tpu.memory_space<vmem>>) target_semaphore(%arg15 : memref<!tpu.dma_semaphore, #tpu.memory_space<semaphore_mem>>)
        %dma_start3A_334 = arith.constant 0 : i32
        %dma_start3A_335 = tpu.memref_slice %arg4[%add3A_329, %dma_start3A_334] : memref<2560x128xi32, #tpu.memory_space<hbm>> -> memref<8x128xi32, #tpu.memory_space<hbm>>
        %dma_start3A_336 = arith.constant 0 : i32
        %dma_start3A_337 = tpu.memref_slice %arg4[%add3A_329, %dma_start3A_336] : memref<2560x128xi32, #tpu.memory_space<hbm>> -> memref<8x128xi32, #tpu.memory_space<hbm>>
        tpu.enqueue_dma source(%dma_start3A_337 : memref<8x128xi32, #tpu.memory_space<hbm>>) target(%arg9 : memref<8x128xi32, #tpu.memory_space<vmem>>) target_semaphore(%arg15 : memref<!tpu.dma_semaphore, #tpu.memory_space<semaphore_mem>>)
      } else {
      }
    }
    %scan3A_59 = arith.constant 5 : i32
    %barrier3A_60 = arith.constant 0 : index
    tpu.barrier barrier_id(%barrier3A_60)
    %mul3A_61 = arith.constant 640 : i32
    %mul3A_62 = arith.muli %arg1, %mul3A_61 : i32
    %mul3A_63 = arith.constant 640 : i32
    %mul3A_64 = arith.muli %arg1, %mul3A_63 : i32
    "tpu.region"() ({
      %run_scoped3A = tpu.sem_alloc : memref<!tpu.dma_semaphore, #tpu.memory_space<semaphore_mem>>
      %dma_start3A_65 = arith.constant 0 : i32
      %dma_start3A_66 = tpu.memref_slice %arg5[%arg0, %mul3A_64, %dma_start3A_65] : memref<2x10240x128xf32, #tpu.memory_space<hbm>> -> memref<1x640x128xf32, #tpu.memory_space<hbm>>
      %dma_start3A_67 = tpu.memref_squeeze %dma_start3A_66 : memref<1x640x128xf32, #tpu.memory_space<hbm>> -> memref<640x128xf32, #tpu.memory_space<hbm>>
      %dma_start3A_68 = arith.constant 0 : i32
      %dma_start3A_69 = tpu.memref_slice %arg16[%mul3A_62, %dma_start3A_68] : memref<10240x128xf32, #tpu.memory_space<vmem_shared>> -> memref<640x128xf32, #tpu.memory_space<vmem_shared>>
      tpu.enqueue_dma source(%dma_start3A_69 : memref<640x128xf32, #tpu.memory_space<vmem_shared>>) target(%dma_start3A_67 : memref<640x128xf32, #tpu.memory_space<hbm>>) target_semaphore(%run_scoped3A : memref<!tpu.dma_semaphore, #tpu.memory_space<semaphore_mem>>)
      %dma_wait3A = arith.constant 0 : i32
      %dma_wait3A_70 = tpu.memref_slice %arg5[%arg0, %mul3A_64, %dma_wait3A] : memref<2x10240x128xf32, #tpu.memory_space<hbm>> -> memref<1x640x128xf32, #tpu.memory_space<hbm>>
      %dma_wait3A_71 = tpu.memref_squeeze %dma_wait3A_70 : memref<1x640x128xf32, #tpu.memory_space<hbm>> -> memref<640x128xf32, #tpu.memory_space<hbm>>
      %dma_wait3A_72 = arith.constant 0 : i32
      %dma_wait3A_73 = tpu.memref_slice %arg16[%mul3A_62, %dma_wait3A_72] : memref<10240x128xf32, #tpu.memory_space<vmem_shared>> -> memref<640x128xf32, #tpu.memory_space<vmem_shared>>
      tpu.wait_dma2 semaphore(%run_scoped3A : memref<!tpu.dma_semaphore, #tpu.memory_space<semaphore_mem>>) src(%dma_wait3A_73 : memref<640x128xf32, #tpu.memory_space<vmem_shared>>) dst(%dma_wait3A_71 : memref<640x128xf32, #tpu.memory_space<hbm>>)
      tpu.yield
    }) : () -> ()
    return
  }
}

#map = affine_map<(d0, d1) -> (0)>
#map1 = affine_map<(d0, d1) -> (0, 0)>
module attributes {stable_mosaic.version = 14 : i64} {
  func.func @_sca_body(%arg0: i32, %arg1: i32, %arg2: memref<10000xf32, #tpu.memory_space<hbm>>, %arg3: memref<2560x128xi32, #tpu.memory_space<hbm>>, %arg4: memref<2560x128xi32, #tpu.memory_space<hbm>>, %arg5: memref<2x10240xf32, #tpu.memory_space<hbm>>, %arg6: memref<80x128xi32, #tpu.memory_space<vmem>>, %arg7: memref<80x128xi32, #tpu.memory_space<vmem>>, %arg8: memref<128xf32, #tpu.memory_space<vmem>>, %arg9: memref<128xf32, #tpu.memory_space<vmem>>, %arg10: memref<128xf32, #tpu.memory_space<vmem>>, %arg11: memref<128xf32, #tpu.memory_space<vmem>>, %arg12: memref<!tpu.dma_semaphore, #tpu.memory_space<semaphore_mem>>, %arg13: memref<!tpu.dma_semaphore, #tpu.memory_space<semaphore_mem>>, %arg14: memref<!tpu.dma_semaphore, #tpu.memory_space<semaphore_mem>>, %arg15: memref<!tpu.dma_semaphore, #tpu.memory_space<semaphore_mem>>, %arg16: memref<10000xf32, #tpu.memory_space<vmem_shared>>, %arg17: memref<10240xf32, #tpu.memory_space<vmem_shared>>) attributes {dimension_semantics = [#tpu.dimension_semantics<core_parallel>, #tpu.dimension_semantics<subcore_parallel>], iteration_bounds = array<i64: 2, 16>, scalar_prefetch = 0 : i64, scratch_operands = 12 : i64, tpu.core_type = #tpu.core_type<sc_vector_subcore>, window_params = [{transform_indices = #map}, {transform_indices = #map1}, {transform_indices = #map1}, {transform_indices = #map1}]} {
    %mul3A = arith.constant 16 : i32
    %mul3A_0 = arith.muli %arg0, %mul3A : i32
    %add3A = arith.addi %mul3A_0, %arg1 : i32
    %broadcast_in_dim3A = arith.constant 0.000000e+00 : f32
    %broadcast_in_dim3A_1 = vector.broadcast %broadcast_in_dim3A : f32 to vector<16xf32>
    %swap3A = arith.constant 0 : index
    %swap3A_2 = tpu.vector_load %arg8[%swap3A] {strides = array<i32>} : memref<128xf32, #tpu.memory_space<vmem>>, vector<16xf32>,
    %swap3A_3 = vector.shape_cast %swap3A_2 : vector<16xf32> to vector<16xf32>
    %swap3A_4 = vector.shape_cast %broadcast_in_dim3A_1 : vector<16xf32> to vector<16xf32>
    tpu.vector_store %arg8[%swap3A], %swap3A_4 {strides = array<i32>} : memref<128xf32, #tpu.memory_space<vmem>>, vector<16xf32>,
    %swap3A_5 = arith.constant 16 : index
    %swap3A_6 = tpu.vector_load %arg8[%swap3A_5] {strides = array<i32>} : memref<128xf32, #tpu.memory_space<vmem>>, vector<16xf32>,
    %swap3A_7 = vector.shape_cast %swap3A_6 : vector<16xf32> to vector<16xf32>
    %swap3A_8 = vector.shape_cast %broadcast_in_dim3A_1 : vector<16xf32> to vector<16xf32>
    tpu.vector_store %arg8[%swap3A_5], %swap3A_8 {strides = array<i32>} : memref<128xf32, #tpu.memory_space<vmem>>, vector<16xf32>,
    %swap3A_9 = arith.constant 32 : index
    %swap3A_10 = tpu.vector_load %arg8[%swap3A_9] {strides = array<i32>} : memref<128xf32, #tpu.memory_space<vmem>>, vector<16xf32>,
    %swap3A_11 = vector.shape_cast %swap3A_10 : vector<16xf32> to vector<16xf32>
    %swap3A_12 = vector.shape_cast %broadcast_in_dim3A_1 : vector<16xf32> to vector<16xf32>
    tpu.vector_store %arg8[%swap3A_9], %swap3A_12 {strides = array<i32>} : memref<128xf32, #tpu.memory_space<vmem>>, vector<16xf32>,
    %swap3A_13 = arith.constant 48 : index
    %swap3A_14 = tpu.vector_load %arg8[%swap3A_13] {strides = array<i32>} : memref<128xf32, #tpu.memory_space<vmem>>, vector<16xf32>,
    %swap3A_15 = vector.shape_cast %swap3A_14 : vector<16xf32> to vector<16xf32>
    %swap3A_16 = vector.shape_cast %broadcast_in_dim3A_1 : vector<16xf32> to vector<16xf32>
    tpu.vector_store %arg8[%swap3A_13], %swap3A_16 {strides = array<i32>} : memref<128xf32, #tpu.memory_space<vmem>>, vector<16xf32>,
    %swap3A_17 = arith.constant 64 : index
    %swap3A_18 = tpu.vector_load %arg8[%swap3A_17] {strides = array<i32>} : memref<128xf32, #tpu.memory_space<vmem>>, vector<16xf32>,
    %swap3A_19 = vector.shape_cast %swap3A_18 : vector<16xf32> to vector<16xf32>
    %swap3A_20 = vector.shape_cast %broadcast_in_dim3A_1 : vector<16xf32> to vector<16xf32>
    tpu.vector_store %arg8[%swap3A_17], %swap3A_20 {strides = array<i32>} : memref<128xf32, #tpu.memory_space<vmem>>, vector<16xf32>,
    %swap3A_21 = arith.constant 80 : index
    %swap3A_22 = tpu.vector_load %arg8[%swap3A_21] {strides = array<i32>} : memref<128xf32, #tpu.memory_space<vmem>>, vector<16xf32>,
    %swap3A_23 = vector.shape_cast %swap3A_22 : vector<16xf32> to vector<16xf32>
    %swap3A_24 = vector.shape_cast %broadcast_in_dim3A_1 : vector<16xf32> to vector<16xf32>
    tpu.vector_store %arg8[%swap3A_21], %swap3A_24 {strides = array<i32>} : memref<128xf32, #tpu.memory_space<vmem>>, vector<16xf32>,
    %swap3A_25 = arith.constant 96 : index
    %swap3A_26 = tpu.vector_load %arg8[%swap3A_25] {strides = array<i32>} : memref<128xf32, #tpu.memory_space<vmem>>, vector<16xf32>,
    %swap3A_27 = vector.shape_cast %swap3A_26 : vector<16xf32> to vector<16xf32>
    %swap3A_28 = vector.shape_cast %broadcast_in_dim3A_1 : vector<16xf32> to vector<16xf32>
    tpu.vector_store %arg8[%swap3A_25], %swap3A_28 {strides = array<i32>} : memref<128xf32, #tpu.memory_space<vmem>>, vector<16xf32>,
    %swap3A_29 = arith.constant 112 : index
    %swap3A_30 = tpu.vector_load %arg8[%swap3A_29] {strides = array<i32>} : memref<128xf32, #tpu.memory_space<vmem>>, vector<16xf32>,
    %swap3A_31 = vector.shape_cast %swap3A_30 : vector<16xf32> to vector<16xf32>
    %swap3A_32 = vector.shape_cast %broadcast_in_dim3A_1 : vector<16xf32> to vector<16xf32>
    tpu.vector_store %arg8[%swap3A_29], %swap3A_32 {strides = array<i32>} : memref<128xf32, #tpu.memory_space<vmem>>, vector<16xf32>,
    %mul3A_33 = arith.constant 640 : i32
    %mul3A_34 = arith.muli %arg1, %mul3A_33 : i32
    %add3A_35 = arith.constant 0 : i32
    %add3A_36 = arith.addi %mul3A_34, %add3A_35 : i32
    "tpu.region"() ({
      %run_scoped3A = tpu.sem_alloc : memref<!tpu.dma_semaphore, #tpu.memory_space<semaphore_mem>>
      %dma_start3A_92 = tpu.memref_slice %arg17[%add3A_36] : memref<10240xf32, #tpu.memory_space<vmem_shared>> -> memref<128xf32, #tpu.memory_space<vmem_shared>>
      %dma_start3A_93 = tpu.memref_slice %arg17[%add3A_36] : memref<10240xf32, #tpu.memory_space<vmem_shared>> -> memref<128xf32, #tpu.memory_space<vmem_shared>>
      tpu.enqueue_dma source(%arg8 : memref<128xf32, #tpu.memory_space<vmem>>) target(%dma_start3A_93 : memref<128xf32, #tpu.memory_space<vmem_shared>>) target_semaphore(%run_scoped3A : memref<!tpu.dma_semaphore, #tpu.memory_space<semaphore_mem>>)
      %dma_wait3A = tpu.memref_slice %arg17[%add3A_36] : memref<10240xf32, #tpu.memory_space<vmem_shared>> -> memref<128xf32, #tpu.memory_space<vmem_shared>>
      %dma_wait3A_94 = tpu.memref_slice %arg17[%add3A_36] : memref<10240xf32, #tpu.memory_space<vmem_shared>> -> memref<128xf32, #tpu.memory_space<vmem_shared>>
      tpu.wait_dma2 semaphore(%run_scoped3A : memref<!tpu.dma_semaphore, #tpu.memory_space<semaphore_mem>>) src(%arg8 : memref<128xf32, #tpu.memory_space<vmem>>) dst(%dma_wait3A_94 : memref<128xf32, #tpu.memory_space<vmem_shared>>)
      tpu.yield
    }) : () -> ()
    %mul3A_37 = arith.constant 640 : i32
    %mul3A_38 = arith.muli %arg1, %mul3A_37 : i32
    %add3A_39 = arith.constant 128 : i32
    %add3A_40 = arith.addi %mul3A_38, %add3A_39 : i32
    "tpu.region"() ({
      %run_scoped3A = tpu.sem_alloc : memref<!tpu.dma_semaphore, #tpu.memory_space<semaphore_mem>>
      %dma_start3A_92 = tpu.memref_slice %arg17[%add3A_40] : memref<10240xf32, #tpu.memory_space<vmem_shared>> -> memref<128xf32, #tpu.memory_space<vmem_shared>>
      %dma_start3A_93 = tpu.memref_slice %arg17[%add3A_40] : memref<10240xf32, #tpu.memory_space<vmem_shared>> -> memref<128xf32, #tpu.memory_space<vmem_shared>>
      tpu.enqueue_dma source(%arg8 : memref<128xf32, #tpu.memory_space<vmem>>) target(%dma_start3A_93 : memref<128xf32, #tpu.memory_space<vmem_shared>>) target_semaphore(%run_scoped3A : memref<!tpu.dma_semaphore, #tpu.memory_space<semaphore_mem>>)
      %dma_wait3A = tpu.memref_slice %arg17[%add3A_40] : memref<10240xf32, #tpu.memory_space<vmem_shared>> -> memref<128xf32, #tpu.memory_space<vmem_shared>>
      %dma_wait3A_94 = tpu.memref_slice %arg17[%add3A_40] : memref<10240xf32, #tpu.memory_space<vmem_shared>> -> memref<128xf32, #tpu.memory_space<vmem_shared>>
      tpu.wait_dma2 semaphore(%run_scoped3A : memref<!tpu.dma_semaphore, #tpu.memory_space<semaphore_mem>>) src(%arg8 : memref<128xf32, #tpu.memory_space<vmem>>) dst(%dma_wait3A_94 : memref<128xf32, #tpu.memory_space<vmem_shared>>)
      tpu.yield
    }) : () -> ()
    %mul3A_41 = arith.constant 640 : i32
    %mul3A_42 = arith.muli %arg1, %mul3A_41 : i32
    %add3A_43 = arith.constant 256 : i32
    %add3A_44 = arith.addi %mul3A_42, %add3A_43 : i32
    "tpu.region"() ({
      %run_scoped3A = tpu.sem_alloc : memref<!tpu.dma_semaphore, #tpu.memory_space<semaphore_mem>>
      %dma_start3A_92 = tpu.memref_slice %arg17[%add3A_44] : memref<10240xf32, #tpu.memory_space<vmem_shared>> -> memref<128xf32, #tpu.memory_space<vmem_shared>>
      %dma_start3A_93 = tpu.memref_slice %arg17[%add3A_44] : memref<10240xf32, #tpu.memory_space<vmem_shared>> -> memref<128xf32, #tpu.memory_space<vmem_shared>>
      tpu.enqueue_dma source(%arg8 : memref<128xf32, #tpu.memory_space<vmem>>) target(%dma_start3A_93 : memref<128xf32, #tpu.memory_space<vmem_shared>>) target_semaphore(%run_scoped3A : memref<!tpu.dma_semaphore, #tpu.memory_space<semaphore_mem>>)
      %dma_wait3A = tpu.memref_slice %arg17[%add3A_44] : memref<10240xf32, #tpu.memory_space<vmem_shared>> -> memref<128xf32, #tpu.memory_space<vmem_shared>>
      %dma_wait3A_94 = tpu.memref_slice %arg17[%add3A_44] : memref<10240xf32, #tpu.memory_space<vmem_shared>> -> memref<128xf32, #tpu.memory_space<vmem_shared>>
      tpu.wait_dma2 semaphore(%run_scoped3A : memref<!tpu.dma_semaphore, #tpu.memory_space<semaphore_mem>>) src(%arg8 : memref<128xf32, #tpu.memory_space<vmem>>) dst(%dma_wait3A_94 : memref<128xf32, #tpu.memory_space<vmem_shared>>)
      tpu.yield
    }) : () -> ()
    %mul3A_45 = arith.constant 640 : i32
    %mul3A_46 = arith.muli %arg1, %mul3A_45 : i32
    %add3A_47 = arith.constant 384 : i32
    %add3A_48 = arith.addi %mul3A_46, %add3A_47 : i32
    "tpu.region"() ({
      %run_scoped3A = tpu.sem_alloc : memref<!tpu.dma_semaphore, #tpu.memory_space<semaphore_mem>>
      %dma_start3A_92 = tpu.memref_slice %arg17[%add3A_48] : memref<10240xf32, #tpu.memory_space<vmem_shared>> -> memref<128xf32, #tpu.memory_space<vmem_shared>>
      %dma_start3A_93 = tpu.memref_slice %arg17[%add3A_48] : memref<10240xf32, #tpu.memory_space<vmem_shared>> -> memref<128xf32, #tpu.memory_space<vmem_shared>>
      tpu.enqueue_dma source(%arg8 : memref<128xf32, #tpu.memory_space<vmem>>) target(%dma_start3A_93 : memref<128xf32, #tpu.memory_space<vmem_shared>>) target_semaphore(%run_scoped3A : memref<!tpu.dma_semaphore, #tpu.memory_space<semaphore_mem>>)
      %dma_wait3A = tpu.memref_slice %arg17[%add3A_48] : memref<10240xf32, #tpu.memory_space<vmem_shared>> -> memref<128xf32, #tpu.memory_space<vmem_shared>>
      %dma_wait3A_94 = tpu.memref_slice %arg17[%add3A_48] : memref<10240xf32, #tpu.memory_space<vmem_shared>> -> memref<128xf32, #tpu.memory_space<vmem_shared>>
      tpu.wait_dma2 semaphore(%run_scoped3A : memref<!tpu.dma_semaphore, #tpu.memory_space<semaphore_mem>>) src(%arg8 : memref<128xf32, #tpu.memory_space<vmem>>) dst(%dma_wait3A_94 : memref<128xf32, #tpu.memory_space<vmem_shared>>)
      tpu.yield
    }) : () -> ()
    %mul3A_49 = arith.constant 640 : i32
    %mul3A_50 = arith.muli %arg1, %mul3A_49 : i32
    %add3A_51 = arith.constant 512 : i32
    %add3A_52 = arith.addi %mul3A_50, %add3A_51 : i32
    "tpu.region"() ({
      %run_scoped3A = tpu.sem_alloc : memref<!tpu.dma_semaphore, #tpu.memory_space<semaphore_mem>>
      %dma_start3A_92 = tpu.memref_slice %arg17[%add3A_52] : memref<10240xf32, #tpu.memory_space<vmem_shared>> -> memref<128xf32, #tpu.memory_space<vmem_shared>>
      %dma_start3A_93 = tpu.memref_slice %arg17[%add3A_52] : memref<10240xf32, #tpu.memory_space<vmem_shared>> -> memref<128xf32, #tpu.memory_space<vmem_shared>>
      tpu.enqueue_dma source(%arg8 : memref<128xf32, #tpu.memory_space<vmem>>) target(%dma_start3A_93 : memref<128xf32, #tpu.memory_space<vmem_shared>>) target_semaphore(%run_scoped3A : memref<!tpu.dma_semaphore, #tpu.memory_space<semaphore_mem>>)
      %dma_wait3A = tpu.memref_slice %arg17[%add3A_52] : memref<10240xf32, #tpu.memory_space<vmem_shared>> -> memref<128xf32, #tpu.memory_space<vmem_shared>>
      %dma_wait3A_94 = tpu.memref_slice %arg17[%add3A_52] : memref<10240xf32, #tpu.memory_space<vmem_shared>> -> memref<128xf32, #tpu.memory_space<vmem_shared>>
      tpu.wait_dma2 semaphore(%run_scoped3A : memref<!tpu.dma_semaphore, #tpu.memory_space<semaphore_mem>>) src(%arg8 : memref<128xf32, #tpu.memory_space<vmem>>) dst(%dma_wait3A_94 : memref<128xf32, #tpu.memory_space<vmem_shared>>)
      tpu.yield
    }) : () -> ()
    %eq3A = arith.constant 0 : i32
    %eq3A_53 = arith.cmpi eq, %arg1, %eq3A : i32
    %convert_element_type3A = arith.extui %eq3A_53 : i1 to i32
    %cond3A = arith.constant 0 : i32
    %cond3A_54 = arith.cmpi ne, %convert_element_type3A, %cond3A : i32
    scf.if %cond3A_54 {
      "tpu.region"() ({
        %run_scoped3A = tpu.sem_alloc : memref<!tpu.dma_semaphore, #tpu.memory_space<semaphore_mem>>
        tpu.enqueue_dma source(%arg2 : memref<10000xf32, #tpu.memory_space<hbm>>) target(%arg16 : memref<10000xf32, #tpu.memory_space<vmem_shared>>) target_semaphore(%run_scoped3A : memref<!tpu.dma_semaphore, #tpu.memory_space<semaphore_mem>>)
        tpu.wait_dma2 semaphore(%run_scoped3A : memref<!tpu.dma_semaphore, #tpu.memory_space<semaphore_mem>>) src(%arg2 : memref<10000xf32, #tpu.memory_space<hbm>>) dst(%arg16 : memref<10000xf32, #tpu.memory_space<vmem_shared>>)
        tpu.yield
      }) : () -> ()
    } else {
    }
    %mul3A_55 = arith.constant 80 : i32
    %mul3A_56 = arith.muli %add3A, %mul3A_55 : i32
    "tpu.region"() ({
      %run_scoped3A = tpu.sem_alloc : memref<!tpu.dma_semaphore, #tpu.memory_space<semaphore_mem>>
      %dma_start3A_92 = arith.constant 0 : i32
      %dma_start3A_93 = tpu.memref_slice %arg3[%mul3A_56, %dma_start3A_92] : memref<2560x128xi32, #tpu.memory_space<hbm>> -> memref<80x128xi32, #tpu.memory_space<hbm>>
      %dma_start3A_94 = arith.constant 0 : i32
      %dma_start3A_95 = tpu.memref_slice %arg3[%mul3A_56, %dma_start3A_94] : memref<2560x128xi32, #tpu.memory_space<hbm>> -> memref<80x128xi32, #tpu.memory_space<hbm>>
      tpu.enqueue_dma source(%dma_start3A_95 : memref<80x128xi32, #tpu.memory_space<hbm>>) target(%arg6 : memref<80x128xi32, #tpu.memory_space<vmem>>) target_semaphore(%run_scoped3A : memref<!tpu.dma_semaphore, #tpu.memory_space<semaphore_mem>>)
      %dma_wait3A = arith.constant 0 : i32
      %dma_wait3A_96 = tpu.memref_slice %arg3[%mul3A_56, %dma_wait3A] : memref<2560x128xi32, #tpu.memory_space<hbm>> -> memref<80x128xi32, #tpu.memory_space<hbm>>
      %dma_wait3A_97 = arith.constant 0 : i32
      %dma_wait3A_98 = tpu.memref_slice %arg3[%mul3A_56, %dma_wait3A_97] : memref<2560x128xi32, #tpu.memory_space<hbm>> -> memref<80x128xi32, #tpu.memory_space<hbm>>
      tpu.wait_dma2 semaphore(%run_scoped3A : memref<!tpu.dma_semaphore, #tpu.memory_space<semaphore_mem>>) src(%dma_wait3A_98 : memref<80x128xi32, #tpu.memory_space<hbm>>) dst(%arg6 : memref<80x128xi32, #tpu.memory_space<vmem>>)
      tpu.yield
    }) : () -> ()
    %mul3A_57 = arith.constant 80 : i32
    %mul3A_58 = arith.muli %add3A, %mul3A_57 : i32
    "tpu.region"() ({
      %run_scoped3A = tpu.sem_alloc : memref<!tpu.dma_semaphore, #tpu.memory_space<semaphore_mem>>
      %dma_start3A_92 = arith.constant 0 : i32
      %dma_start3A_93 = tpu.memref_slice %arg4[%mul3A_58, %dma_start3A_92] : memref<2560x128xi32, #tpu.memory_space<hbm>> -> memref<80x128xi32, #tpu.memory_space<hbm>>
      %dma_start3A_94 = arith.constant 0 : i32
      %dma_start3A_95 = tpu.memref_slice %arg4[%mul3A_58, %dma_start3A_94] : memref<2560x128xi32, #tpu.memory_space<hbm>> -> memref<80x128xi32, #tpu.memory_space<hbm>>
      tpu.enqueue_dma source(%dma_start3A_95 : memref<80x128xi32, #tpu.memory_space<hbm>>) target(%arg7 : memref<80x128xi32, #tpu.memory_space<vmem>>) target_semaphore(%run_scoped3A : memref<!tpu.dma_semaphore, #tpu.memory_space<semaphore_mem>>)
      %dma_wait3A = arith.constant 0 : i32
      %dma_wait3A_96 = tpu.memref_slice %arg4[%mul3A_58, %dma_wait3A] : memref<2560x128xi32, #tpu.memory_space<hbm>> -> memref<80x128xi32, #tpu.memory_space<hbm>>
      %dma_wait3A_97 = arith.constant 0 : i32
      %dma_wait3A_98 = tpu.memref_slice %arg4[%mul3A_58, %dma_wait3A_97] : memref<2560x128xi32, #tpu.memory_space<hbm>> -> memref<80x128xi32, #tpu.memory_space<hbm>>
      tpu.wait_dma2 semaphore(%run_scoped3A : memref<!tpu.dma_semaphore, #tpu.memory_space<semaphore_mem>>) src(%dma_wait3A_98 : memref<80x128xi32, #tpu.memory_space<hbm>>) dst(%arg7 : memref<80x128xi32, #tpu.memory_space<vmem>>)
      tpu.yield
    }) : () -> ()
    %barrier3A = arith.constant 0 : index
    tpu.barrier barrier_id(%barrier3A)
    %dma_start3A = arith.constant 0 : i32
    %dma_start3A_59 = arith.constant 0 : i32
    %dma_start3A_60 = tpu.memref_slice %arg6[%dma_start3A, %dma_start3A_59] : memref<80x128xi32, #tpu.memory_space<vmem>> -> memref<1x128xi32, #tpu.memory_space<vmem>>
    %dma_start3A_61 = tpu.memref_squeeze %dma_start3A_60 : memref<1x128xi32, #tpu.memory_space<vmem>> -> memref<128xi32, #tpu.memory_space<vmem>>
    %dma_start3A_62 = arith.constant 0 : i32
    %dma_start3A_63 = tpu.memref_slice %arg16[%dma_start3A_62] : memref<10000xf32, #tpu.memory_space<vmem_shared>> -> memref<10000xf32, #tpu.memory_space<vmem_shared>>
    tpu.enqueue_indirect_dma source(%dma_start3A_63 : memref<10000xf32, #tpu.memory_space<vmem_shared>>) target(%arg8 : memref<128xf32, #tpu.memory_space<vmem>>) offsets(%dma_start3A_61 : memref<128xi32, #tpu.memory_space<vmem>>) semaphore(%arg12 : memref<!tpu.dma_semaphore, #tpu.memory_space<semaphore_mem>>)
    %dma_start3A_64 = arith.constant 1 : i32
    %dma_start3A_65 = arith.constant 0 : i32
    %dma_start3A_66 = tpu.memref_slice %arg6[%dma_start3A_64, %dma_start3A_65] : memref<80x128xi32, #tpu.memory_space<vmem>> -> memref<1x128xi32, #tpu.memory_space<vmem>>
    %dma_start3A_67 = tpu.memref_squeeze %dma_start3A_66 : memref<1x128xi32, #tpu.memory_space<vmem>> -> memref<128xi32, #tpu.memory_space<vmem>>
    %dma_start3A_68 = arith.constant 0 : i32
    %dma_start3A_69 = tpu.memref_slice %arg16[%dma_start3A_68] : memref<10000xf32, #tpu.memory_space<vmem_shared>> -> memref<10000xf32, #tpu.memory_space<vmem_shared>>
    tpu.enqueue_indirect_dma source(%dma_start3A_69 : memref<10000xf32, #tpu.memory_space<vmem_shared>>) target(%arg9 : memref<128xf32, #tpu.memory_space<vmem>>) offsets(%dma_start3A_67 : memref<128xi32, #tpu.memory_space<vmem>>) semaphore(%arg13 : memref<!tpu.dma_semaphore, #tpu.memory_space<semaphore_mem>>)
    %dma_start3A_70 = arith.constant 2 : i32
    %dma_start3A_71 = arith.constant 0 : i32
    %dma_start3A_72 = tpu.memref_slice %arg6[%dma_start3A_70, %dma_start3A_71] : memref<80x128xi32, #tpu.memory_space<vmem>> -> memref<1x128xi32, #tpu.memory_space<vmem>>
    %dma_start3A_73 = tpu.memref_squeeze %dma_start3A_72 : memref<1x128xi32, #tpu.memory_space<vmem>> -> memref<128xi32, #tpu.memory_space<vmem>>
    %dma_start3A_74 = arith.constant 0 : i32
    %dma_start3A_75 = tpu.memref_slice %arg16[%dma_start3A_74] : memref<10000xf32, #tpu.memory_space<vmem_shared>> -> memref<10000xf32, #tpu.memory_space<vmem_shared>>
    tpu.enqueue_indirect_dma source(%dma_start3A_75 : memref<10000xf32, #tpu.memory_space<vmem_shared>>) target(%arg10 : memref<128xf32, #tpu.memory_space<vmem>>) offsets(%dma_start3A_73 : memref<128xi32, #tpu.memory_space<vmem>>) semaphore(%arg14 : memref<!tpu.dma_semaphore, #tpu.memory_space<semaphore_mem>>)
    %dma_start3A_76 = arith.constant 3 : i32
    %dma_start3A_77 = arith.constant 0 : i32
    %dma_start3A_78 = tpu.memref_slice %arg6[%dma_start3A_76, %dma_start3A_77] : memref<80x128xi32, #tpu.memory_space<vmem>> -> memref<1x128xi32, #tpu.memory_space<vmem>>
    %dma_start3A_79 = tpu.memref_squeeze %dma_start3A_78 : memref<1x128xi32, #tpu.memory_space<vmem>> -> memref<128xi32, #tpu.memory_space<vmem>>
    %dma_start3A_80 = arith.constant 0 : i32
    %dma_start3A_81 = tpu.memref_slice %arg16[%dma_start3A_80] : memref<10000xf32, #tpu.memory_space<vmem_shared>> -> memref<10000xf32, #tpu.memory_space<vmem_shared>>
    tpu.enqueue_indirect_dma source(%dma_start3A_81 : memref<10000xf32, #tpu.memory_space<vmem_shared>>) target(%arg11 : memref<128xf32, #tpu.memory_space<vmem>>) offsets(%dma_start3A_79 : memref<128xi32, #tpu.memory_space<vmem>>) semaphore(%arg15 : memref<!tpu.dma_semaphore, #tpu.memory_space<semaphore_mem>>)
    %scan3A = arith.constant 0 : i32
    %scan3A_82 = arith.constant 0 : i32
    %scan3A_83 = arith.constant 20 : i32
    %scan3A_84 = arith.addi %scan3A_82, %scan3A_83 : i32
    %scan3A_85 = arith.constant 1 : i32
    scf.for %scan3A_92 = %scan3A_82 to %scan3A_84 step %scan3A_85  : i32 {
      %mul3A_93 = arith.constant 4 : i32
      %mul3A_94 = arith.muli %scan3A_92, %mul3A_93 : i32
      %add3A_95 = arith.constant 0 : i32
      %add3A_96 = arith.addi %mul3A_94, %add3A_95 : i32
      %dma_wait3A = arith.constant 0 : i32
      %dma_wait3A_97 = arith.constant 0 : i32
      %dma_wait3A_98 = tpu.memref_slice %arg6[%dma_wait3A, %dma_wait3A_97] : memref<80x128xi32, #tpu.memory_space<vmem>> -> memref<1x128xi32, #tpu.memory_space<vmem>>
      %dma_wait3A_99 = tpu.memref_squeeze %dma_wait3A_98 : memref<1x128xi32, #tpu.memory_space<vmem>> -> memref<128xi32, #tpu.memory_space<vmem>>
      %dma_wait3A_100 = arith.constant 0 : i32
      %dma_wait3A_101 = tpu.memref_slice %arg16[%dma_wait3A_100] : memref<10000xf32, #tpu.memory_space<vmem_shared>> -> memref<10000xf32, #tpu.memory_space<vmem_shared>>
      tpu.wait_indirect_dma semaphore(%arg12 : memref<!tpu.dma_semaphore, #tpu.memory_space<semaphore_mem>>) src(%dma_wait3A_101 : memref<10000xf32, #tpu.memory_space<vmem_shared>>) dst(%arg8 : memref<128xf32, #tpu.memory_space<vmem>>)
      "tpu.region"() ({
        %run_scoped3A = tpu.sem_alloc : memref<!tpu.dma_semaphore, #tpu.memory_space<semaphore_mem>>
        %dma_start3A_151 = arith.constant 0 : i32
        %dma_start3A_152 = tpu.memref_slice %arg7[%add3A_96, %dma_start3A_151] : memref<80x128xi32, #tpu.memory_space<vmem>> -> memref<1x128xi32, #tpu.memory_space<vmem>>
        %dma_start3A_153 = tpu.memref_squeeze %dma_start3A_152 : memref<1x128xi32, #tpu.memory_space<vmem>> -> memref<128xi32, #tpu.memory_space<vmem>>
        %dma_start3A_154 = arith.constant 0 : i32
        %dma_start3A_155 = tpu.memref_slice %arg17[%dma_start3A_154] : memref<10240xf32, #tpu.memory_space<vmem_shared>> -> memref<10240xf32, #tpu.memory_space<vmem_shared>>
        tpu.enqueue_indirect_dma source(%arg8 : memref<128xf32, #tpu.memory_space<vmem>>) target(%dma_start3A_155 : memref<10240xf32, #tpu.memory_space<vmem_shared>>) offsets(%dma_start3A_153 : memref<128xi32, #tpu.memory_space<vmem>>) semaphore(%run_scoped3A : memref<!tpu.dma_semaphore, #tpu.memory_space<semaphore_mem>>) {add = true}
        %dma_wait3A_156 = arith.constant 0 : i32
        %dma_wait3A_157 = tpu.memref_slice %arg7[%add3A_96, %dma_wait3A_156] : memref<80x128xi32, #tpu.memory_space<vmem>> -> memref<1x128xi32, #tpu.memory_space<vmem>>
        %dma_wait3A_158 = tpu.memref_squeeze %dma_wait3A_157 : memref<1x128xi32, #tpu.memory_space<vmem>> -> memref<128xi32, #tpu.memory_space<vmem>>
        %dma_wait3A_159 = arith.constant 0 : i32
        %dma_wait3A_160 = tpu.memref_slice %arg17[%dma_wait3A_159] : memref<10240xf32, #tpu.memory_space<vmem_shared>> -> memref<10240xf32, #tpu.memory_space<vmem_shared>>
        tpu.wait_indirect_dma semaphore(%run_scoped3A : memref<!tpu.dma_semaphore, #tpu.memory_space<semaphore_mem>>) src(%arg8 : memref<128xf32, #tpu.memory_space<vmem>>) dst(%dma_wait3A_160 : memref<10240xf32, #tpu.memory_space<vmem_shared>>)
        tpu.yield
      }) : () -> ()
      %lt3A = arith.constant 19 : i32
      %lt3A_102 = arith.cmpi slt, %scan3A_92, %lt3A : i32
      %convert_element_type3A_103 = arith.extui %lt3A_102 : i1 to i32
      %cond3A_104 = arith.constant 0 : i32
      %cond3A_105 = arith.cmpi ne, %convert_element_type3A_103, %cond3A_104 : i32
      scf.if %cond3A_105 {
        %add3A_151 = arith.constant 4 : i32
        %add3A_152 = arith.addi %add3A_96, %add3A_151 : i32
        %dma_start3A_153 = arith.constant 0 : i32
        %dma_start3A_154 = tpu.memref_slice %arg6[%add3A_152, %dma_start3A_153] : memref<80x128xi32, #tpu.memory_space<vmem>> -> memref<1x128xi32, #tpu.memory_space<vmem>>
        %dma_start3A_155 = tpu.memref_squeeze %dma_start3A_154 : memref<1x128xi32, #tpu.memory_space<vmem>> -> memref<128xi32, #tpu.memory_space<vmem>>
        %dma_start3A_156 = arith.constant 0 : i32
        %dma_start3A_157 = tpu.memref_slice %arg16[%dma_start3A_156] : memref<10000xf32, #tpu.memory_space<vmem_shared>> -> memref<10000xf32, #tpu.memory_space<vmem_shared>>
        tpu.enqueue_indirect_dma source(%dma_start3A_157 : memref<10000xf32, #tpu.memory_space<vmem_shared>>) target(%arg8 : memref<128xf32, #tpu.memory_space<vmem>>) offsets(%dma_start3A_155 : memref<128xi32, #tpu.memory_space<vmem>>) semaphore(%arg12 : memref<!tpu.dma_semaphore, #tpu.memory_space<semaphore_mem>>)
      } else {
      }
      %mul3A_106 = arith.constant 4 : i32
      %mul3A_107 = arith.muli %scan3A_92, %mul3A_106 : i32
      %add3A_108 = arith.constant 1 : i32
      %add3A_109 = arith.addi %mul3A_107, %add3A_108 : i32
      %dma_wait3A_110 = arith.constant 0 : i32
      %dma_wait3A_111 = arith.constant 0 : i32
      %dma_wait3A_112 = tpu.memref_slice %arg6[%dma_wait3A_110, %dma_wait3A_111] : memref<80x128xi32, #tpu.memory_space<vmem>> -> memref<1x128xi32, #tpu.memory_space<vmem>>
      %dma_wait3A_113 = tpu.memref_squeeze %dma_wait3A_112 : memref<1x128xi32, #tpu.memory_space<vmem>> -> memref<128xi32, #tpu.memory_space<vmem>>
      %dma_wait3A_114 = arith.constant 0 : i32
      %dma_wait3A_115 = tpu.memref_slice %arg16[%dma_wait3A_114] : memref<10000xf32, #tpu.memory_space<vmem_shared>> -> memref<10000xf32, #tpu.memory_space<vmem_shared>>
      tpu.wait_indirect_dma semaphore(%arg13 : memref<!tpu.dma_semaphore, #tpu.memory_space<semaphore_mem>>) src(%dma_wait3A_115 : memref<10000xf32, #tpu.memory_space<vmem_shared>>) dst(%arg9 : memref<128xf32, #tpu.memory_space<vmem>>)
      "tpu.region"() ({
        %run_scoped3A = tpu.sem_alloc : memref<!tpu.dma_semaphore, #tpu.memory_space<semaphore_mem>>
        %dma_start3A_151 = arith.constant 0 : i32
        %dma_start3A_152 = tpu.memref_slice %arg7[%add3A_109, %dma_start3A_151] : memref<80x128xi32, #tpu.memory_space<vmem>> -> memref<1x128xi32, #tpu.memory_space<vmem>>
        %dma_start3A_153 = tpu.memref_squeeze %dma_start3A_152 : memref<1x128xi32, #tpu.memory_space<vmem>> -> memref<128xi32, #tpu.memory_space<vmem>>
        %dma_start3A_154 = arith.constant 0 : i32
        %dma_start3A_155 = tpu.memref_slice %arg17[%dma_start3A_154] : memref<10240xf32, #tpu.memory_space<vmem_shared>> -> memref<10240xf32, #tpu.memory_space<vmem_shared>>
        tpu.enqueue_indirect_dma source(%arg9 : memref<128xf32, #tpu.memory_space<vmem>>) target(%dma_start3A_155 : memref<10240xf32, #tpu.memory_space<vmem_shared>>) offsets(%dma_start3A_153 : memref<128xi32, #tpu.memory_space<vmem>>) semaphore(%run_scoped3A : memref<!tpu.dma_semaphore, #tpu.memory_space<semaphore_mem>>) {add = true}
        %dma_wait3A_156 = arith.constant 0 : i32
        %dma_wait3A_157 = tpu.memref_slice %arg7[%add3A_109, %dma_wait3A_156] : memref<80x128xi32, #tpu.memory_space<vmem>> -> memref<1x128xi32, #tpu.memory_space<vmem>>
        %dma_wait3A_158 = tpu.memref_squeeze %dma_wait3A_157 : memref<1x128xi32, #tpu.memory_space<vmem>> -> memref<128xi32, #tpu.memory_space<vmem>>
        %dma_wait3A_159 = arith.constant 0 : i32
        %dma_wait3A_160 = tpu.memref_slice %arg17[%dma_wait3A_159] : memref<10240xf32, #tpu.memory_space<vmem_shared>> -> memref<10240xf32, #tpu.memory_space<vmem_shared>>
        tpu.wait_indirect_dma semaphore(%run_scoped3A : memref<!tpu.dma_semaphore, #tpu.memory_space<semaphore_mem>>) src(%arg9 : memref<128xf32, #tpu.memory_space<vmem>>) dst(%dma_wait3A_160 : memref<10240xf32, #tpu.memory_space<vmem_shared>>)
        tpu.yield
      }) : () -> ()
      %lt3A_116 = arith.constant 19 : i32
      %lt3A_117 = arith.cmpi slt, %scan3A_92, %lt3A_116 : i32
      %convert_element_type3A_118 = arith.extui %lt3A_117 : i1 to i32
      %cond3A_119 = arith.constant 0 : i32
      %cond3A_120 = arith.cmpi ne, %convert_element_type3A_118, %cond3A_119 : i32
      scf.if %cond3A_120 {
        %add3A_151 = arith.constant 4 : i32
        %add3A_152 = arith.addi %add3A_109, %add3A_151 : i32
        %dma_start3A_153 = arith.constant 0 : i32
        %dma_start3A_154 = tpu.memref_slice %arg6[%add3A_152, %dma_start3A_153] : memref<80x128xi32, #tpu.memory_space<vmem>> -> memref<1x128xi32, #tpu.memory_space<vmem>>
        %dma_start3A_155 = tpu.memref_squeeze %dma_start3A_154 : memref<1x128xi32, #tpu.memory_space<vmem>> -> memref<128xi32, #tpu.memory_space<vmem>>
        %dma_start3A_156 = arith.constant 0 : i32
        %dma_start3A_157 = tpu.memref_slice %arg16[%dma_start3A_156] : memref<10000xf32, #tpu.memory_space<vmem_shared>> -> memref<10000xf32, #tpu.memory_space<vmem_shared>>
        tpu.enqueue_indirect_dma source(%dma_start3A_157 : memref<10000xf32, #tpu.memory_space<vmem_shared>>) target(%arg9 : memref<128xf32, #tpu.memory_space<vmem>>) offsets(%dma_start3A_155 : memref<128xi32, #tpu.memory_space<vmem>>) semaphore(%arg13 : memref<!tpu.dma_semaphore, #tpu.memory_space<semaphore_mem>>)
      } else {
      }
      %mul3A_121 = arith.constant 4 : i32
      %mul3A_122 = arith.muli %scan3A_92, %mul3A_121 : i32
      %add3A_123 = arith.constant 2 : i32
      %add3A_124 = arith.addi %mul3A_122, %add3A_123 : i32
      %dma_wait3A_125 = arith.constant 0 : i32
      %dma_wait3A_126 = arith.constant 0 : i32
      %dma_wait3A_127 = tpu.memref_slice %arg6[%dma_wait3A_125, %dma_wait3A_126] : memref<80x128xi32, #tpu.memory_space<vmem>> -> memref<1x128xi32, #tpu.memory_space<vmem>>
      %dma_wait3A_128 = tpu.memref_squeeze %dma_wait3A_127 : memref<1x128xi32, #tpu.memory_space<vmem>> -> memref<128xi32, #tpu.memory_space<vmem>>
      %dma_wait3A_129 = arith.constant 0 : i32
      %dma_wait3A_130 = tpu.memref_slice %arg16[%dma_wait3A_129] : memref<10000xf32, #tpu.memory_space<vmem_shared>> -> memref<10000xf32, #tpu.memory_space<vmem_shared>>
      tpu.wait_indirect_dma semaphore(%arg14 : memref<!tpu.dma_semaphore, #tpu.memory_space<semaphore_mem>>) src(%dma_wait3A_130 : memref<10000xf32, #tpu.memory_space<vmem_shared>>) dst(%arg10 : memref<128xf32, #tpu.memory_space<vmem>>)
      "tpu.region"() ({
        %run_scoped3A = tpu.sem_alloc : memref<!tpu.dma_semaphore, #tpu.memory_space<semaphore_mem>>
        %dma_start3A_151 = arith.constant 0 : i32
        %dma_start3A_152 = tpu.memref_slice %arg7[%add3A_124, %dma_start3A_151] : memref<80x128xi32, #tpu.memory_space<vmem>> -> memref<1x128xi32, #tpu.memory_space<vmem>>
        %dma_start3A_153 = tpu.memref_squeeze %dma_start3A_152 : memref<1x128xi32, #tpu.memory_space<vmem>> -> memref<128xi32, #tpu.memory_space<vmem>>
        %dma_start3A_154 = arith.constant 0 : i32
        %dma_start3A_155 = tpu.memref_slice %arg17[%dma_start3A_154] : memref<10240xf32, #tpu.memory_space<vmem_shared>> -> memref<10240xf32, #tpu.memory_space<vmem_shared>>
        tpu.enqueue_indirect_dma source(%arg10 : memref<128xf32, #tpu.memory_space<vmem>>) target(%dma_start3A_155 : memref<10240xf32, #tpu.memory_space<vmem_shared>>) offsets(%dma_start3A_153 : memref<128xi32, #tpu.memory_space<vmem>>) semaphore(%run_scoped3A : memref<!tpu.dma_semaphore, #tpu.memory_space<semaphore_mem>>) {add = true}
        %dma_wait3A_156 = arith.constant 0 : i32
        %dma_wait3A_157 = tpu.memref_slice %arg7[%add3A_124, %dma_wait3A_156] : memref<80x128xi32, #tpu.memory_space<vmem>> -> memref<1x128xi32, #tpu.memory_space<vmem>>
        %dma_wait3A_158 = tpu.memref_squeeze %dma_wait3A_157 : memref<1x128xi32, #tpu.memory_space<vmem>> -> memref<128xi32, #tpu.memory_space<vmem>>
        %dma_wait3A_159 = arith.constant 0 : i32
        %dma_wait3A_160 = tpu.memref_slice %arg17[%dma_wait3A_159] : memref<10240xf32, #tpu.memory_space<vmem_shared>> -> memref<10240xf32, #tpu.memory_space<vmem_shared>>
        tpu.wait_indirect_dma semaphore(%run_scoped3A : memref<!tpu.dma_semaphore, #tpu.memory_space<semaphore_mem>>) src(%arg10 : memref<128xf32, #tpu.memory_space<vmem>>) dst(%dma_wait3A_160 : memref<10240xf32, #tpu.memory_space<vmem_shared>>)
        tpu.yield
      }) : () -> ()
      %lt3A_131 = arith.constant 19 : i32
      %lt3A_132 = arith.cmpi slt, %scan3A_92, %lt3A_131 : i32
      %convert_element_type3A_133 = arith.extui %lt3A_132 : i1 to i32
      %cond3A_134 = arith.constant 0 : i32
      %cond3A_135 = arith.cmpi ne, %convert_element_type3A_133, %cond3A_134 : i32
      scf.if %cond3A_135 {
        %add3A_151 = arith.constant 4 : i32
        %add3A_152 = arith.addi %add3A_124, %add3A_151 : i32
        %dma_start3A_153 = arith.constant 0 : i32
        %dma_start3A_154 = tpu.memref_slice %arg6[%add3A_152, %dma_start3A_153] : memref<80x128xi32, #tpu.memory_space<vmem>> -> memref<1x128xi32, #tpu.memory_space<vmem>>
        %dma_start3A_155 = tpu.memref_squeeze %dma_start3A_154 : memref<1x128xi32, #tpu.memory_space<vmem>> -> memref<128xi32, #tpu.memory_space<vmem>>
        %dma_start3A_156 = arith.constant 0 : i32
        %dma_start3A_157 = tpu.memref_slice %arg16[%dma_start3A_156] : memref<10000xf32, #tpu.memory_space<vmem_shared>> -> memref<10000xf32, #tpu.memory_space<vmem_shared>>
        tpu.enqueue_indirect_dma source(%dma_start3A_157 : memref<10000xf32, #tpu.memory_space<vmem_shared>>) target(%arg10 : memref<128xf32, #tpu.memory_space<vmem>>) offsets(%dma_start3A_155 : memref<128xi32, #tpu.memory_space<vmem>>) semaphore(%arg14 : memref<!tpu.dma_semaphore, #tpu.memory_space<semaphore_mem>>)
      } else {
      }
      %mul3A_136 = arith.constant 4 : i32
      %mul3A_137 = arith.muli %scan3A_92, %mul3A_136 : i32
      %add3A_138 = arith.constant 3 : i32
      %add3A_139 = arith.addi %mul3A_137, %add3A_138 : i32
      %dma_wait3A_140 = arith.constant 0 : i32
      %dma_wait3A_141 = arith.constant 0 : i32
      %dma_wait3A_142 = tpu.memref_slice %arg6[%dma_wait3A_140, %dma_wait3A_141] : memref<80x128xi32, #tpu.memory_space<vmem>> -> memref<1x128xi32, #tpu.memory_space<vmem>>
      %dma_wait3A_143 = tpu.memref_squeeze %dma_wait3A_142 : memref<1x128xi32, #tpu.memory_space<vmem>> -> memref<128xi32, #tpu.memory_space<vmem>>
      %dma_wait3A_144 = arith.constant 0 : i32
      %dma_wait3A_145 = tpu.memref_slice %arg16[%dma_wait3A_144] : memref<10000xf32, #tpu.memory_space<vmem_shared>> -> memref<10000xf32, #tpu.memory_space<vmem_shared>>
      tpu.wait_indirect_dma semaphore(%arg15 : memref<!tpu.dma_semaphore, #tpu.memory_space<semaphore_mem>>) src(%dma_wait3A_145 : memref<10000xf32, #tpu.memory_space<vmem_shared>>) dst(%arg11 : memref<128xf32, #tpu.memory_space<vmem>>)
      "tpu.region"() ({
        %run_scoped3A = tpu.sem_alloc : memref<!tpu.dma_semaphore, #tpu.memory_space<semaphore_mem>>
        %dma_start3A_151 = arith.constant 0 : i32
        %dma_start3A_152 = tpu.memref_slice %arg7[%add3A_139, %dma_start3A_151] : memref<80x128xi32, #tpu.memory_space<vmem>> -> memref<1x128xi32, #tpu.memory_space<vmem>>
        %dma_start3A_153 = tpu.memref_squeeze %dma_start3A_152 : memref<1x128xi32, #tpu.memory_space<vmem>> -> memref<128xi32, #tpu.memory_space<vmem>>
        %dma_start3A_154 = arith.constant 0 : i32
        %dma_start3A_155 = tpu.memref_slice %arg17[%dma_start3A_154] : memref<10240xf32, #tpu.memory_space<vmem_shared>> -> memref<10240xf32, #tpu.memory_space<vmem_shared>>
        tpu.enqueue_indirect_dma source(%arg11 : memref<128xf32, #tpu.memory_space<vmem>>) target(%dma_start3A_155 : memref<10240xf32, #tpu.memory_space<vmem_shared>>) offsets(%dma_start3A_153 : memref<128xi32, #tpu.memory_space<vmem>>) semaphore(%run_scoped3A : memref<!tpu.dma_semaphore, #tpu.memory_space<semaphore_mem>>) {add = true}
        %dma_wait3A_156 = arith.constant 0 : i32
        %dma_wait3A_157 = tpu.memref_slice %arg7[%add3A_139, %dma_wait3A_156] : memref<80x128xi32, #tpu.memory_space<vmem>> -> memref<1x128xi32, #tpu.memory_space<vmem>>
        %dma_wait3A_158 = tpu.memref_squeeze %dma_wait3A_157 : memref<1x128xi32, #tpu.memory_space<vmem>> -> memref<128xi32, #tpu.memory_space<vmem>>
        %dma_wait3A_159 = arith.constant 0 : i32
        %dma_wait3A_160 = tpu.memref_slice %arg17[%dma_wait3A_159] : memref<10240xf32, #tpu.memory_space<vmem_shared>> -> memref<10240xf32, #tpu.memory_space<vmem_shared>>
        tpu.wait_indirect_dma semaphore(%run_scoped3A : memref<!tpu.dma_semaphore, #tpu.memory_space<semaphore_mem>>) src(%arg11 : memref<128xf32, #tpu.memory_space<vmem>>) dst(%dma_wait3A_160 : memref<10240xf32, #tpu.memory_space<vmem_shared>>)
        tpu.yield
      }) : () -> ()
      %lt3A_146 = arith.constant 19 : i32
      %lt3A_147 = arith.cmpi slt, %scan3A_92, %lt3A_146 : i32
      %convert_element_type3A_148 = arith.extui %lt3A_147 : i1 to i32
      %cond3A_149 = arith.constant 0 : i32
      %cond3A_150 = arith.cmpi ne, %convert_element_type3A_148, %cond3A_149 : i32
      scf.if %cond3A_150 {
        %add3A_151 = arith.constant 4 : i32
        %add3A_152 = arith.addi %add3A_139, %add3A_151 : i32
        %dma_start3A_153 = arith.constant 0 : i32
        %dma_start3A_154 = tpu.memref_slice %arg6[%add3A_152, %dma_start3A_153] : memref<80x128xi32, #tpu.memory_space<vmem>> -> memref<1x128xi32, #tpu.memory_space<vmem>>
        %dma_start3A_155 = tpu.memref_squeeze %dma_start3A_154 : memref<1x128xi32, #tpu.memory_space<vmem>> -> memref<128xi32, #tpu.memory_space<vmem>>
        %dma_start3A_156 = arith.constant 0 : i32
        %dma_start3A_157 = tpu.memref_slice %arg16[%dma_start3A_156] : memref<10000xf32, #tpu.memory_space<vmem_shared>> -> memref<10000xf32, #tpu.memory_space<vmem_shared>>
        tpu.enqueue_indirect_dma source(%dma_start3A_157 : memref<10000xf32, #tpu.memory_space<vmem_shared>>) target(%arg11 : memref<128xf32, #tpu.memory_space<vmem>>) offsets(%dma_start3A_155 : memref<128xi32, #tpu.memory_space<vmem>>) semaphore(%arg15 : memref<!tpu.dma_semaphore, #tpu.memory_space<semaphore_mem>>)
      } else {
      }
    }
    %scan3A_86 = arith.constant 20 : i32
    %barrier3A_87 = arith.constant 0 : index
    tpu.barrier barrier_id(%barrier3A_87)
    %mul3A_88 = arith.constant 640 : i32
    %mul3A_89 = arith.muli %arg1, %mul3A_88 : i32
    %mul3A_90 = arith.constant 640 : i32
    %mul3A_91 = arith.muli %arg1, %mul3A_90 : i32
    "tpu.region"() ({
      %run_scoped3A = tpu.sem_alloc : memref<!tpu.dma_semaphore, #tpu.memory_space<semaphore_mem>>
      %dma_start3A_92 = tpu.memref_slice %arg5[%arg0, %mul3A_91] : memref<2x10240xf32, #tpu.memory_space<hbm>> -> memref<1x640xf32, #tpu.memory_space<hbm>>
      %dma_start3A_93 = tpu.memref_squeeze %dma_start3A_92 : memref<1x640xf32, #tpu.memory_space<hbm>> -> memref<640xf32, #tpu.memory_space<hbm>>
      %dma_start3A_94 = tpu.memref_slice %arg17[%mul3A_89] : memref<10240xf32, #tpu.memory_space<vmem_shared>> -> memref<640xf32, #tpu.memory_space<vmem_shared>>
      tpu.enqueue_dma source(%dma_start3A_94 : memref<640xf32, #tpu.memory_space<vmem_shared>>) target(%dma_start3A_93 : memref<640xf32, #tpu.memory_space<hbm>>) target_semaphore(%run_scoped3A : memref<!tpu.dma_semaphore, #tpu.memory_space<semaphore_mem>>)
      %dma_wait3A = tpu.memref_slice %arg5[%arg0, %mul3A_91] : memref<2x10240xf32, #tpu.memory_space<hbm>> -> memref<1x640xf32, #tpu.memory_space<hbm>>
      %dma_wait3A_95 = tpu.memref_squeeze %dma_wait3A : memref<1x640xf32, #tpu.memory_space<hbm>> -> memref<640xf32, #tpu.memory_space<hbm>>
      %dma_wait3A_96 = tpu.memref_slice %arg17[%mul3A_89] : memref<10240xf32, #tpu.memory_space<vmem_shared>> -> memref<640xf32, #tpu.memory_space<vmem_shared>>
      tpu.wait_dma2 semaphore(%run_scoped3A : memref<!tpu.dma_semaphore, #tpu.memory_space<semaphore_mem>>) src(%dma_wait3A_96 : memref<640xf32, #tpu.memory_space<vmem_shared>>) dst(%dma_wait3A_95 : memref<640xf32, #tpu.memory_space<hbm>>)
      tpu.yield
    }) : () -> ()
    return
  }
}

module attributes {stable_mosaic.version = 14 : i64} {
  func.func @_tc1_body(%arg0: i32, %arg1: memref<5000x128xf32, #tpu.memory_space<vmem>>, %arg2: memref<128x128xf32, #tpu.memory_space<vmem>>, %arg3: memref<5000x1xf32, #tpu.memory_space<vmem>>, %arg4: memref<5000x1xf32, #tpu.memory_space<vmem>>, %arg5: memref<2x5000x128xf32, #tpu.memory_space<vmem>>, %arg6: memref<5000x1xf32, #tpu.memory_space<vmem>>) attributes {dimension_semantics = [#tpu.dimension_semantics<arbitrary>], iteration_bounds = array<i64: 2>, scalar_prefetch = 0 : i64, scratch_operands = 0 : i64, tpu.core_type = #tpu.core_type<tc>, window_params = [{transform_indices = @transform_0, window_bounds = array<i64: 5000, 128>}, {pipeline_mode = #tpu.pipeline_mode<synchronous>, transform_indices = @transform_1, window_bounds = array<i64: 128, 128>}, {transform_indices = @transform_2, window_bounds = array<i64: 5000, 1>}, {transform_indices = @transform_3, window_bounds = array<i64: 5000, 1>}, {transform_indices = @transform_4, window_bounds = array<i64: 2, 5000, 128>}, {transform_indices = @transform_5, window_bounds = array<i64: 5000, 1>}]} {
    %get3A = arith.constant 0 : index
    %get3A_0 = arith.constant 0 : index
    %get3A_1 = vector.load %arg3[%get3A, %get3A_0] : memref<5000x1xf32, #tpu.memory_space<vmem>>, vector<5000x1xf32>
    %get3A_2 = arith.constant 0 : index
    %get3A_3 = arith.constant 0 : index
    %get3A_4 = vector.load %arg4[%get3A_2, %get3A_3] : memref<5000x1xf32, #tpu.memory_space<vmem>>, vector<5000x1xf32>
    %add3A = arith.addf %get3A_1, %get3A_4 : vector<5000x1xf32>
    %add3A_5 = arith.constant 1.000000e+00 : f32
    %add3A_6 = vector.broadcast %add3A_5 : f32 to vector<5000x1xf32>
    %add3A_7 = arith.addf %add3A, %add3A_6 : vector<5000x1xf32>
    %rsqrt3A = math.rsqrt %add3A_7 : vector<5000x1xf32>
    %get3A_8 = arith.constant 0 : index
    %get3A_9 = arith.constant 0 : index
    %get3A_10 = vector.load %arg1[%get3A_8, %get3A_9] : memref<5000x128xf32, #tpu.memory_space<vmem>>, vector<5000x128xf32>
    %get3A_11 = arith.constant 0 : index
    %get3A_12 = arith.constant 0 : index
    %get3A_13 = vector.load %arg2[%get3A_11, %get3A_12] : memref<128x128xf32, #tpu.memory_space<vmem>>, vector<128x128xf32>
    %dot_general3A = arith.constant dense<0.000000e+00> : vector<5000x128xf32>
    %dot_general3A_14 = tpu.matmul %get3A_10, %get3A_13, %dot_general3A {dimension_numbers = #tpu.dot_dimension_numbers<[1], [0], [0], [1], [0, 0, 1, 1], [], []>, transpose_lhs_hint = false} : vector<5000x128xf32>, vector<128x128xf32>, vector<5000x128xf32> -> vector<5000x128xf32>
    %mul3A = vector.broadcast %rsqrt3A : vector<5000x1xf32> to vector<5000x128xf32>
    %mul3A_15 = arith.mulf %dot_general3A_14, %mul3A : vector<5000x128xf32>
    %swap3A = arith.constant 0 : index
    %swap3A_16 = arith.constant 0 : index
    %swap3A_17 = arith.constant 0 : index
    %swap3A_18 = vector.load %arg5[%swap3A, %swap3A_16, %swap3A_17] : memref<2x5000x128xf32, #tpu.memory_space<vmem>>, vector<1x5000x128xf32>
    %swap3A_19 = vector.shape_cast %swap3A_18 : vector<1x5000x128xf32> to vector<5000x128xf32>
    %swap3A_20 = vector.shape_cast %mul3A_15 : vector<5000x128xf32> to vector<1x5000x128xf32>
    tpu.vector_store %arg5[%swap3A, %swap3A_16, %swap3A_17], %swap3A_20 {strides = array<i32>} : memref<2x5000x128xf32, #tpu.memory_space<vmem>>, vector<1x5000x128xf32>,
    %swap3A_21 = arith.constant 1 : index
    %swap3A_22 = arith.constant 0 : index
    %swap3A_23 = arith.constant 0 : index
    %swap3A_24 = vector.load %arg5[%swap3A_21, %swap3A_22, %swap3A_23] : memref<2x5000x128xf32, #tpu.memory_space<vmem>>, vector<1x5000x128xf32>
    %swap3A_25 = vector.shape_cast %swap3A_24 : vector<1x5000x128xf32> to vector<5000x128xf32>
    %swap3A_26 = vector.shape_cast %mul3A_15 : vector<5000x128xf32> to vector<1x5000x128xf32>
    tpu.vector_store %arg5[%swap3A_21, %swap3A_22, %swap3A_23], %swap3A_26 {strides = array<i32>} : memref<2x5000x128xf32, #tpu.memory_space<vmem>>, vector<1x5000x128xf32>,
    %swap3A_27 = arith.constant 0 : index
    %swap3A_28 = arith.constant 0 : index
    %swap3A_29 = vector.load %arg6[%swap3A_27, %swap3A_28] : memref<5000x1xf32, #tpu.memory_space<vmem>>, vector<5000x1xf32>
    tpu.vector_store %arg6[%swap3A_27, %swap3A_28], %rsqrt3A {strides = array<i32>} : memref<5000x1xf32, #tpu.memory_space<vmem>>, vector<5000x1xf32>,
    return
  }
  func.func @transform_0(%arg0: i32) -> (i32, i32) {
    %c0_i32 = arith.constant 0 : i32
    %c0_i32_0 = arith.constant 0 : i32
    return %arg0, %c0_i32 : i32, i32
  }
  func.func @transform_1(%arg0: i32) -> (i32, i32) {
    %c0_i32 = arith.constant 0 : i32
    %c0_i32_0 = arith.constant 0 : i32
    %c0_i32_1 = arith.constant 0 : i32
    return %c0_i32, %c0_i32_0 : i32, i32
  }
  func.func @transform_2(%arg0: i32) -> (i32, i32) {
    %c0_i32 = arith.constant 0 : i32
    %c0_i32_0 = arith.constant 0 : i32
    return %arg0, %c0_i32 : i32, i32
  }
  func.func @transform_3(%arg0: i32) -> (i32, i32) {
    %c0_i32 = arith.constant 0 : i32
    %c0_i32_0 = arith.constant 0 : i32
    return %arg0, %c0_i32 : i32, i32
  }
  func.func @transform_4(%arg0: i32) -> (i32, i32, i32) {
    %c0_i32 = arith.constant 0 : i32
    %c0_i32_0 = arith.constant 0 : i32
    %c0_i32_1 = arith.constant 0 : i32
    return %c0_i32, %arg0, %c0_i32_0 : i32, i32, i32
  }
  func.func @transform_5(%arg0: i32) -> (i32, i32) {
    %c0_i32 = arith.constant 0 : i32
    %c0_i32_0 = arith.constant 0 : i32
    return %arg0, %c0_i32 : i32, i32
  }
}

module attributes {stable_mosaic.version = 14 : i64} {
  func.func @_tc2_body(%arg0: i32, %arg1: memref<5000x128xf32, #tpu.memory_space<vmem>>, %arg2: memref<5000x128xf32, #tpu.memory_space<vmem>>, %arg3: memref<5000x128xf32, #tpu.memory_space<vmem>>, %arg4: memref<5000x1xf32, #tpu.memory_space<vmem>>, %arg5: memref<128xf32, #tpu.memory_space<vmem>>, %arg6: memref<128x1xf32, #tpu.memory_space<vmem>>, %arg7: memref<5000x1xf32, #tpu.memory_space<vmem>>) attributes {dimension_semantics = [#tpu.dimension_semantics<arbitrary>], iteration_bounds = array<i64: 2>, scalar_prefetch = 0 : i64, scratch_operands = 0 : i64, tpu.core_type = #tpu.core_type<tc>, window_params = [{transform_indices = @transform_0, window_bounds = array<i64: 5000, 128>}, {transform_indices = @transform_1, window_bounds = array<i64: 5000, 128>}, {transform_indices = @transform_2, window_bounds = array<i64: 5000, 128>}, {transform_indices = @transform_3, window_bounds = array<i64: 5000, 1>}, {pipeline_mode = #tpu.pipeline_mode<synchronous>, transform_indices = @transform_4, window_bounds = array<i64: 128>}, {pipeline_mode = #tpu.pipeline_mode<synchronous>, transform_indices = @transform_5, window_bounds = array<i64: 128, 1>}, {transform_indices = @transform_6, window_bounds = array<i64: 5000, 1>}]} {
    %get3A = arith.constant 0 : index
    %get3A_0 = arith.constant 0 : index
    %get3A_1 = vector.load %arg4[%get3A, %get3A_0] : memref<5000x1xf32, #tpu.memory_space<vmem>>, vector<5000x1xf32>
    %get3A_2 = arith.constant 0 : index
    %get3A_3 = arith.constant 0 : index
    %get3A_4 = vector.load %arg1[%get3A_2, %get3A_3] : memref<5000x128xf32, #tpu.memory_space<vmem>>, vector<5000x128xf32>
    %get3A_5 = arith.constant 0 : index
    %get3A_6 = arith.constant 0 : index
    %get3A_7 = vector.load %arg2[%get3A_5, %get3A_6] : memref<5000x128xf32, #tpu.memory_space<vmem>>, vector<5000x128xf32>
    %add3A = arith.addf %get3A_4, %get3A_7 : vector<5000x128xf32>
    %get3A_8 = arith.constant 0 : index
    %get3A_9 = arith.constant 0 : index
    %get3A_10 = vector.load %arg3[%get3A_8, %get3A_9] : memref<5000x128xf32, #tpu.memory_space<vmem>>, vector<5000x128xf32>
    %add3A_11 = arith.addf %add3A, %get3A_10 : vector<5000x128xf32>
    %mul3A = vector.broadcast %get3A_1 : vector<5000x1xf32> to vector<5000x128xf32>
    %mul3A_12 = arith.mulf %mul3A, %add3A_11 : vector<5000x128xf32>
    %get3A_13 = arith.constant 0 : index
    %get3A_14 = vector.load %arg5[%get3A_13] : memref<128xf32, #tpu.memory_space<vmem>>, vector<128xf32>
    %broadcast_in_dim3A = vector.shape_cast %get3A_14 : vector<128xf32> to vector<1x128xf32>
    %add3A_15 = vector.broadcast %broadcast_in_dim3A : vector<1x128xf32> to vector<5000x128xf32>
    %add3A_16 = arith.addf %mul3A_12, %add3A_15 : vector<5000x128xf32>
    %neg3A = arith.constant 0.000000e+00 : f32
    %neg3A_17 = vector.broadcast %neg3A : f32 to vector<5000x128xf32>
    %neg3A_18 = arith.subf %neg3A_17, %add3A_16 : vector<5000x128xf32>
    %exp3A = math.exp %neg3A_18 : vector<5000x128xf32>
    %add3A_19 = arith.constant 1.000000e+00 : f32
    %add3A_20 = vector.broadcast %add3A_19 : f32 to vector<5000x128xf32>
    %add3A_21 = arith.addf %add3A_20, %exp3A : vector<5000x128xf32>
    %div3A = arith.constant 1.000000e+00 : f32
    %div3A_22 = vector.broadcast %div3A : f32 to vector<5000x128xf32>
    %div3A_23 = arith.divf %div3A_22, %add3A_21 : vector<5000x128xf32>
    %get3A_24 = arith.constant 0 : index
    %get3A_25 = arith.constant 0 : index
    %get3A_26 = vector.load %arg6[%get3A_24, %get3A_25] : memref<128x1xf32, #tpu.memory_space<vmem>>, vector<128x1xf32>
    %dot_general3A = arith.constant dense<0.000000e+00> : vector<5000x1xf32>
    %dot_general3A_27 = tpu.matmul %div3A_23, %get3A_26, %dot_general3A {dimension_numbers = #tpu.dot_dimension_numbers<[1], [0], [0], [1], [0, 0, 1, 1], [], []>, transpose_lhs_hint = false} : vector<5000x128xf32>, vector<128x1xf32>, vector<5000x1xf32> -> vector<5000x1xf32>
    %mul3A_28 = arith.mulf %dot_general3A_27, %get3A_1 : vector<5000x1xf32>
    %swap3A = arith.constant 0 : index
    %swap3A_29 = arith.constant 0 : index
    %swap3A_30 = vector.load %arg7[%swap3A, %swap3A_29] : memref<5000x1xf32, #tpu.memory_space<vmem>>, vector<5000x1xf32>
    tpu.vector_store %arg7[%swap3A, %swap3A_29], %mul3A_28 {strides = array<i32>} : memref<5000x1xf32, #tpu.memory_space<vmem>>, vector<5000x1xf32>,
    return
  }
  func.func @transform_0(%arg0: i32) -> (i32, i32) {
    %c0_i32 = arith.constant 0 : i32
    %c0_i32_0 = arith.constant 0 : i32
    return %arg0, %c0_i32 : i32, i32
  }
  func.func @transform_1(%arg0: i32) -> (i32, i32) {
    %c0_i32 = arith.constant 0 : i32
    %c0_i32_0 = arith.constant 0 : i32
    return %arg0, %c0_i32 : i32, i32
  }
  func.func @transform_2(%arg0: i32) -> (i32, i32) {
    %c0_i32 = arith.constant 0 : i32
    %c0_i32_0 = arith.constant 0 : i32
    return %arg0, %c0_i32 : i32, i32
  }
  func.func @transform_3(%arg0: i32) -> (i32, i32) {
    %c0_i32 = arith.constant 0 : i32
    %c0_i32_0 = arith.constant 0 : i32
    return %arg0, %c0_i32 : i32, i32
  }
  func.func @transform_4(%arg0: i32) -> i32 {
    %c0_i32 = arith.constant 0 : i32
    %c0_i32_0 = arith.constant 0 : i32
    return %c0_i32 : i32
  }
  func.func @transform_5(%arg0: i32) -> (i32, i32) {
    %c0_i32 = arith.constant 0 : i32
    %c0_i32_0 = arith.constant 0 : i32
    %c0_i32_1 = arith.constant 0 : i32
    return %c0_i32, %c0_i32_0 : i32, i32
  }
  func.func @transform_6(%arg0: i32) -> (i32, i32) {
    %c0_i32 = arith.constant 0 : i32
    %c0_i32_0 = arith.constant 0 : i32
    return %arg0, %c0_i32 : i32, i32
  }
}

module attributes {stable_mosaic.version = 14 : i64} {
  func.func @_tc3_body(%arg0: i32, %arg1: memref<5000x1xf32, #tpu.memory_space<vmem>>, %arg2: memref<5000x1xf32, #tpu.memory_space<vmem>>, %arg3: memref<5000x1xf32, #tpu.memory_space<vmem>>, %arg4: memref<5000x1xf32, #tpu.memory_space<vmem>>, %arg5: memref<1x1xf32, #tpu.memory_space<vmem>>, %arg6: memref<5000x1xf32, #tpu.memory_space<vmem>>) attributes {dimension_semantics = [#tpu.dimension_semantics<arbitrary>], iteration_bounds = array<i64: 2>, scalar_prefetch = 0 : i64, scratch_operands = 0 : i64, tpu.core_type = #tpu.core_type<tc>, window_params = [{transform_indices = @transform_0, window_bounds = array<i64: 5000, 1>}, {transform_indices = @transform_1, window_bounds = array<i64: 5000, 1>}, {transform_indices = @transform_2, window_bounds = array<i64: 5000, 1>}, {transform_indices = @transform_3, window_bounds = array<i64: 5000, 1>}, {pipeline_mode = #tpu.pipeline_mode<synchronous>, transform_indices = @transform_4, window_bounds = array<i64: 1, 1>}, {transform_indices = @transform_5, window_bounds = array<i64: 5000, 1>}]} {
    %get3A = arith.constant 0 : index
    %get3A_0 = arith.constant 0 : index
    %get3A_1 = vector.load %arg4[%get3A, %get3A_0] : memref<5000x1xf32, #tpu.memory_space<vmem>>, vector<5000x1xf32>
    %get3A_2 = arith.constant 0 : index
    %get3A_3 = arith.constant 0 : index
    %get3A_4 = vector.load %arg1[%get3A_2, %get3A_3] : memref<5000x1xf32, #tpu.memory_space<vmem>>, vector<5000x1xf32>
    %get3A_5 = arith.constant 0 : index
    %get3A_6 = arith.constant 0 : index
    %get3A_7 = vector.load %arg2[%get3A_5, %get3A_6] : memref<5000x1xf32, #tpu.memory_space<vmem>>, vector<5000x1xf32>
    %add3A = arith.addf %get3A_4, %get3A_7 : vector<5000x1xf32>
    %get3A_8 = arith.constant 0 : index
    %get3A_9 = arith.constant 0 : index
    %get3A_10 = vector.load %arg3[%get3A_8, %get3A_9] : memref<5000x1xf32, #tpu.memory_space<vmem>>, vector<5000x1xf32>
    %add3A_11 = arith.addf %add3A, %get3A_10 : vector<5000x1xf32>
    %mul3A = arith.mulf %get3A_1, %add3A_11 : vector<5000x1xf32>
    %get3A_12 = arith.constant 0 : index
    %get3A_13 = arith.constant 0 : index
    %get3A_14 = vector.load %arg5[%get3A_12, %get3A_13] : memref<1x1xf32, #tpu.memory_space<vmem>>, vector<1x1xf32>
    %add3A_15 = vector.broadcast %get3A_14 : vector<1x1xf32> to vector<5000x1xf32>
    %add3A_16 = arith.addf %mul3A, %add3A_15 : vector<5000x1xf32>
    %neg3A = arith.constant 0.000000e+00 : f32
    %neg3A_17 = vector.broadcast %neg3A : f32 to vector<5000x1xf32>
    %neg3A_18 = arith.subf %neg3A_17, %add3A_16 : vector<5000x1xf32>
    %exp3A = math.exp %neg3A_18 : vector<5000x1xf32>
    %add3A_19 = arith.constant 1.000000e+00 : f32
    %add3A_20 = vector.broadcast %add3A_19 : f32 to vector<5000x1xf32>
    %add3A_21 = arith.addf %add3A_20, %exp3A : vector<5000x1xf32>
    %div3A = arith.constant 1.000000e+00 : f32
    %div3A_22 = vector.broadcast %div3A : f32 to vector<5000x1xf32>
    %div3A_23 = arith.divf %div3A_22, %add3A_21 : vector<5000x1xf32>
    %swap3A = arith.constant 0 : index
    %swap3A_24 = arith.constant 0 : index
    %swap3A_25 = vector.load %arg6[%swap3A, %swap3A_24] : memref<5000x1xf32, #tpu.memory_space<vmem>>, vector<5000x1xf32>
    tpu.vector_store %arg6[%swap3A, %swap3A_24], %div3A_23 {strides = array<i32>} : memref<5000x1xf32, #tpu.memory_space<vmem>>, vector<5000x1xf32>,
    return
  }
  func.func @transform_0(%arg0: i32) -> (i32, i32) {
    %c0_i32 = arith.constant 0 : i32
    %c0_i32_0 = arith.constant 0 : i32
    return %arg0, %c0_i32 : i32, i32
  }
  func.func @transform_1(%arg0: i32) -> (i32, i32) {
    %c0_i32 = arith.constant 0 : i32
    %c0_i32_0 = arith.constant 0 : i32
    return %arg0, %c0_i32 : i32, i32
  }
  func.func @transform_2(%arg0: i32) -> (i32, i32) {
    %c0_i32 = arith.constant 0 : i32
    %c0_i32_0 = arith.constant 0 : i32
    return %arg0, %c0_i32 : i32, i32
  }
  func.func @transform_3(%arg0: i32) -> (i32, i32) {
    %c0_i32 = arith.constant 0 : i32
    %c0_i32_0 = arith.constant 0 : i32
    return %arg0, %c0_i32 : i32, i32
  }
  func.func @transform_4(%arg0: i32) -> (i32, i32) {
    %c0_i32 = arith.constant 0 : i32
    %c0_i32_0 = arith.constant 0 : i32
    %c0_i32_1 = arith.constant 0 : i32
    return %c0_i32, %c0_i32_0 : i32, i32
  }
  func.func @transform_5(%arg0: i32) -> (i32, i32) {
    %c0_i32 = arith.constant 0 : i32
    %c0_i32_0 = arith.constant 0 : i32
    return %arg0, %c0_i32 : i32, i32
  }
}

</mosaic_0001>

<sc_bundles>
// kernel: kernel.11.cloned.1.call-start
scs
__scs_entry_jumppad:
0x0: {  	(pc) =	sbr.rel $0x88, $3  }
0x1: {  	(tag) =	ssettag $0x0;
	lr =	simm.s32 $0x1  }
0x2: {  	[smem:$0x3F9B] =	sst lr;
	_ =	strace $0xD0000000  }
0x3: {  	_ = 	snop  }
0x4: {  	_ = 	snop  }
0x5: {  	_ = 	snop  }
0x6: {  	_ = 	snop  }
0x7: {  	_ = 	snop  }
__scs_overlays_trampoline_lowered:
0x8: {  	[smem:$0x3FAA] =	sst s0  }
0x9: {  	[smem:$0x3FAB] =	sst s1  }
0xa: {  	[smem:$0x3FAC] =	sst s2  }
0xb: {  	[smem:$0x3FAD] =	sst s3  }
0xc: {  	[smem:$0x3FAE] =	sst s4  }
0xd: {  	[smem:$0x3FAF] =	sst s5  }
0xe: {  	[smem:$0x3FB0] =	sst s6  }
0xf: {  	[smem:$0x3FB1] =	sst s7  }
0x10: {  	[smem:$0x3FB2] =	sst s8  }
0x11: {  	[smem:$0x3FB3] =	sst s9;
	s0 =	simm.s32 @!p0 $0x0  }
0x12: {  	s1 =	sld [smem:$0x3F99];
	s0 =	simm.s32 @p0 $0x1  }
0x13: {  	[smem:$0x3FB4] =	sst s0;
	s0 =	simm.s32 @!p1 $0x0  }
0x14: {  	s2 =	sld [smem:$0x3F98];
	s0 =	simm.s32 @p1 $0x1  }
0x15: {  	[smem:$0x3FB5] =	sst s0;
	s0 =	simm.s32 @!p2 $0x0  }
0x16: {  	s3 =	sld [smem:$0x3FDB];
	s0 =	simm.s32 @p2 $0x1  }
0x17: {  	s4 =	simm.s32 $0x1BF5;
	[smem:$0x3FB7] =	sst s0  }
0x18: {  	s0 =	sld [smem:$0x3F9A];
	_ =	swait.ge [sflag:s4], $0x0  }
0x19: {  	s7 =	sld [smem:$0x3F9B]  }
0x1a: {  	s8 =	sadd.s32 $0xFFFFE003, lr  }
0x1b: {  	s9 =	sadd.s32 $0xFFFFFEF7, lr;
	s5 =	simm.s32 $0xFFFFFFFF;
	p2 =	slt.u32 s8, $0xFFFFF086  }
0x1c: {  	p1 =	slt.u32 s9, $0xF7A;
	s5 =	simm.s32 @!p2 $0x0  }
0x1d: {  	s5 =	simm.s32 @p1 $0x1;
	p0 =	seq.s32 s7, s2  }
0x1e: {  	s7 =	smul.u32 @!p0 $0xF7A, s2;
	p2 =	seq.s32 @!p0 s5, $0x0  }
0x1f: {  	s9 =	smul.u32 $0xF7A, s1;
	s8 =	simm.s32 @!p0 $0x1BF5;
	p2 =	por !p2, p0  }
0x20: {  	[sflag:s8] =	ssyncset.s32 @!p0 $0xFFFFF086;
	s6 =	sadd.s32 @!p0 s3, s7;
	s7 =	simm.s32 @!p0 $0x108  }
0x21: {  	s3 =	sadd.s32 s3, s9;
	s6 =	sadd.s32 @!p0 $0x88, s6;
	s7 =	simm.s32 @p2 $0x1082  }
0x22: {  	[simem:s7], [sflag:s8] =	dma.local @!p0 [hbm:s6], $0xF7A  }
0x23: {  	s9 =	sor.u32 $0xD0000000, s2;
	s6 =	simm.s32 $0x108;
	_ =	swait.ge @!p0 [sflag:s8], $0x0  }
0x24: {  	s3 =	sadd.s32 $0x88, s3;
	s6 =	simm.s32 @!p1 $0x1082;
	[sflag:s4] =	ssyncset.s32 $0xFFFFF086  }
0x25: {  	[simem:s6], [sflag:s4] =	dma.local [hbm:s3], $0xF7A  }
0x26: {  	[smem:$0x3F9B] =	sst s1;
	(tag) =	ssettag s2;
	_ =	strace s9  }
0x27: {  	s1 =	sld [smem:$0x3FAB]  }
0x28: {  	s2 =	sld [smem:$0x3FAC]  }
0x29: {  	s4 =	sld [smem:$0x3FAE]  }
0x2a: {  	p0 =	seq.s32 s5, $0x0;
	s5 =	sld [smem:$0x3FAF]  }
0x2b: {  	s6 =	sld [smem:$0x3FB0]  }
0x2c: {  	s7 =	sld [smem:$0x3FB1]  }
0x2d: {  	s3 =	simm.s32 $0x108;
	s8 =	sld [smem:$0x3FB2]  }
0x2e: {  	s3 =	simm.s32 @!p0 $0x1082;
	s9 =	sld [smem:$0x3FB3]  }
0x2f: {  	lr =	sadd.s32 s0, s3;
	s0 =	sld [smem:$0x3FAA]  }
0x30: {  	s3 =	sld [smem:$0x3FAD]  }
0x31: {  	[smem:$0x3FB6] =	sst s10  }
0x32: {  	s10 =	sld [smem:$0x3FB4];
	_ =	sdelay $0x3  }
0x33: {  	p0 =	seq.s32 s10, $0x1;
	s10 =	sld [smem:$0x3FB6];
	_ =	sdelay $0x3  }
0x34: {  	[smem:$0x3FB6] =	sst s10  }
0x35: {  	s10 =	sld [smem:$0x3FB5];
	_ =	sdelay $0x3  }
0x36: {  	p1 =	seq.s32 s10, $0x1;
	s10 =	sld [smem:$0x3FB6];
	_ =	sdelay $0x3  }
0x37: {  	[smem:$0x3FB6] =	sst s10  }
0x38: {  	s10 =	sld [smem:$0x3FB7]  }
0x39: {  	_ = 	snop;
	(pc) =	sbr.ind lr, $3  }
0x3a: {  	_ = 	snop  }
0x3b: {  	_ = 	snop  }
0x3c: {  	p2 =	seq.s32 s10, $0x1;
	s10 =	sld [smem:$0x3FB6]  }
0x3d: {  	_ =	shalt  }
0x3e: {  	_ =	shalt  }
0x3f: {  	_ =	shalt  }
0x40: {  	_ =	shalt  }
0x41: {  	_ =	shalt  }
0x42: {  	_ =	shalt  }
0x43: {  	_ =	shalt  }
0x44: {  	_ =	shalt  }
0x45: {  	_ =	shalt  }
0x46: {  	_ =	shalt  }
0x47: {  	_ =	shalt  }
0x48: {  	_ =	shalt  }
0x49: {  	_ =	shalt  }
0x4a: {  	_ =	shalt  }
0x4b: {  	_ =	shalt  }
0x4c: {  	_ =	shalt  }
0x4d: {  	_ =	shalt  }
0x4e: {  	_ =	shalt  }
0x4f: {  	_ =	shalt  }
0x50: {  	_ =	shalt  }
0x51: {  	_ =	shalt  }
0x52: {  	_ =	shalt  }
0x53: {  	_ =	shalt  }
0x54: {  	_ =	shalt  }
0x55: {  	_ =	shalt  }
0x56: {  	_ =	shalt  }
0x57: {  	_ =	shalt  }
0x58: {  	_ =	shalt  }
0x59: {  	_ =	shalt  }
0x5a: {  	_ =	shalt  }
0x5b: {  	_ =	shalt  }
0x5c: {  	_ =	shalt  }
0x5d: {  	_ =	shalt  }
0x5e: {  	_ =	shalt  }
0x5f: {  	_ =	shalt  }
0x60: {  	_ =	shalt  }
0x61: {  	_ =	shalt  }
0x62: {  	_ =	shalt  }
0x63: {  	_ =	shalt  }
0x64: {  	_ =	shalt  }
0x65: {  	_ =	shalt  }
0x66: {  	_ =	shalt  }
0x67: {  	_ =	shalt  }
0x68: {  	_ =	shalt  }
0x69: {  	_ =	shalt  }
0x6a: {  	_ =	shalt  }
0x6b: {  	_ =	shalt  }
0x6c: {  	_ =	shalt  }
0x6d: {  	_ =	shalt  }
0x6e: {  	_ =	shalt  }
0x6f: {  	_ =	shalt  }
0x70: {  	_ =	shalt  }
0x71: {  	_ =	shalt  }
0x72: {  	_ =	shalt  }
0x73: {  	_ =	shalt  }
0x74: {  	_ =	shalt  }
0x75: {  	_ =	shalt  }
0x76: {  	_ =	shalt  }
0x77: {  	_ =	shalt  }
0x78: {  	_ =	shalt  }
0x79: {  	_ =	shalt  }
0x7a: {  	_ =	shalt  }
0x7b: {  	_ =	shalt  }
0x7c: {  	_ =	shalt  }
0x7d: {  	_ =	shalt  }
0x7e: {  	_ =	shalt  }
0x7f: {  	_ =	shalt  }
0x80: {  	_ =	shalt  }
0x81: {  	_ =	shalt  }
0x82: {  	_ =	shalt  }
0x83: {  	_ =	shalt  }
0x84: {  	_ =	shalt  }
0x85: {  	_ =	shalt  }
0x86: {  	_ =	shalt  }
0x87: {  	_ =	shalt  }
.Lfunc_end0:
.L_simem_size_0:
called_computation.1_lowered:
.L_overlay_start_0:
0x88: {  	s2 =	sld [smem:$0x3FD9]  }
0x89: {  	s3 =	sld [smem:$0x3FFE];
	_ =	sdelay $0x1  }
0x8a: {  	s1 =	srdreg.scid  }
0x8b: {  	s0 =	sand.u32 $0x1, s1  }
0x8c: {  	s16 =	sshll.u32 s0, $0xA;
	s2 =	sadd.s32 s3, s2  }
0x8d: {  	s2 =	sadd.s32 s2, s16  }
0x8e: {  	[smem:$0x3FC2] =	sst s2  }
0x8f: {  	_ = 	snop  }
0x90: {  	(tm) =	ssettm $0x1  }
0x91: {  	s17 =	sld [smem:$0x3FFB];
	_ =	sdelay $0x3  }
0x92: {  	_ =	strace s17  }
0x93: {  	s2 =	sld [smem:$0x3FFC];
	_ =	sdelay $0x3  }
0x94: {  	_ =	strace s2  }
0x95: {  	s2 =	sld [smem:$0x3FFD];
	_ =	sdelay $0x3  }
0x96: {  	_ =	strace s2  }
0x97: {  	_ =	strace $0x8FFFFFFF  }
0x98: {  	s18 =	sld [smem:$0x3FDB];
	_ =	sdelay $0x1  }
0x99: {  	s19 =	simm.s32 $_scs_section_size  }
0x9a: {  	s4 =	simm.s32 $_size__tile_overlayer_lowered;
	s5 =	simm.s32 $_tile_overlayer_lowered  }
0x9b: {  	s22 =	simm.s32 $0x1BFF;
	s21 =	sshll.u32 s5, $0x1;
	s2 =	sadd.s32 s19, s18  }
0x9c: {  	s6 =	simm.s32 $0x0;
	s20 =	sshll.u32 s4, $0x1;
	s4 =	sadd.s32 s21, s2  }
0x9d: {  	[timem:s6], [sflag:s22] =	dma.local [hbm:s4], s20  }
0x9e: {  	_ =	swait.ge [sflag:s22], s20  }
0x9f: {  	s3 =	ssub.s32 $0x0, s20;
	[sflag:s22] =	ssyncset.done $0x0  }
0xa0: {  	[sflag:s22] =	ssyncadd.s32 s3;
	_ =	sdelay $0x1  }
0xa1: {  	s23 =	simm.s32 $0x1B8B  }
0xa2: {  	_ =	swait.ge [sflag:s23], $0x1  }
0xa3: {  	[sflag:s23] =	ssyncset.done $0x0  }
0xa4: {  	s25 =	simm.s32 $0x1B8E;
	s24 =	sld [smem:$0x3FFE];
	[sflag:s23] =	ssyncadd.s32 $0xFFFFFFFF  }
0xa5: {  	s26 =	simm.s32 $execute0_lowered;
	[smem:$0x3FD2] =	sst s25  }
0xa6: {  	s4 =	sshll.u32 s26, $0x1;
	_ =	strace $0x80000049;
	[dreg:$0x1] =	wrdreg $0xFFFFFFFF  }
0xa7: {  	s28 =	simm.s32 $_size_execute0_lowered;
	s2 =	sadd.s32 s2, s4;
	[dreg:$0x0] =	wrdreg $0x0  }
0xa8: {  	s4 =	sshll.u32 s28, $0x1;
	[dreg:$0x2] =	wrdreg s2  }
0xa9: {  	[dreg:$0x3] =	wrdreg s4  }
0xaa: {  	[dreg:$0x4] =	wrdreg $0xC0  }
0xab: {  	_ =	task [dreg:s6], $0x5FFFF  }
0xac: {  	[dreg:$0x1] =	wrdreg $0xFFFFFFFF  }
0xad: {  	[dreg:$0x0] =	wrdreg $0x60  }
0xae: {  	[dreg:$0x2] =	wrdreg s24  }
0xaf: {  	[dreg:$0x3] =	wrdreg $0x90000  }
0xb0: {  	[dreg:$0x4] =	wrdreg $0x9  }
0xb1: {  	_ =	task.clear_ibuf [dreg:s6], $0x5FFFF;
	_ =	strace $0x90000049  }
0xb2: {  	s29 =	simm.s32 $0x9;
	_ =	strace $0x8000004B  }
0xb3: {  	_ =	swait.ge [sflag:s29], $0x1  }
0xb4: {  	[sflag:s29] =	ssyncadd.s32 $0xFFFFFFFF  }
0xb5: {  	_ =	strace $0x9000004B  }
0xb6: {  	_ =	sfence  }
0xb7: {  	s30 =	sld [smem:$0x0];
	_ =	sdelay $0x2  }
0xb8: {  	s31 =	sshll.u32 s1, $0xD;
	s1 =	sshrl.u32 s1, $0x2  }
0xb9: {  	s3 =	sand.u32 $0x4000, s31;
	s1 =	sadd.s32 s1, s30  }
0xba: {  	s0 =	sor.u32 s3, s0;
	s1 =	sshll.u32 s1, $0x11  }
0xbb: {  	s0 =	sor.u32 s1, s0  }
0xbc: {  	s0 =	sadd.s32 $0x8F2B, s0  }
0xbd: {  	[sflag:s0] =	ssyncadd.remote.s32 $0x1  }
0xbe: {  	_ =	sfence.sel $0xFFFF  }
0xbf: {  	[dreg:$0x0] =	wrdreg $0xFFFFFFFF;
	(pc) =	sbr.abs _section_cstart, $3  }
0xc0: {  	[dreg:$0x1] =	wrdreg $0xFFFFFFFF  }
0xc1: {  	_ =	task.clear_ibuf [dreg:s6], $0x2FFFF;
	_ =	strace $0x9FFFFFFF  }
0xc2: {  	(tm) =	ssettm $0x7FFFFFFF  }
0xc3: {  	_ =	shalt  }
tec
execute0_lowered:
.L_overlay_start_1:
0x0: {  	(tag) =	ssettag $0x1  }
0x1: {  	s0 =	rddreg [dreg:$0x0];
	s1 =	srdreg.scid  }
0x2: {  	s2 =	rddreg [dreg:$0x1];
	s12 =	stileid.u32  }
0x3: {  	s3 =	simm.s32 $0x0;
	s28 =	simm.s32 $0x5000;
	s29 =	simm.s32 $0x1  }
0x4: {  	s31 =	simm.s32 $0x2;
	s14 =	simm.s32 $0x780;
	s5 =	smul.u32 $0x14000, s12  }
0x5: {  	s15 =	simm.s32 $0xF00;
	s16 =	simm.s32 $0x3;
	s8 =	smul.u32 $0x50000, s12  }
0x6: {  	s1 =	sand.u32 $0x1, s1;
	[smem:$0x7FF] =	sst s3;
	s26 =	smul.u32 $0x500, s12  }
0x7: {  	s6 =	sadd.s32 $0x2400, s0;
	s4 =	smul.u32 $0x140000, s1;
	_ =	strace $0x8000004A  }
0x8: {  	s9 =	ssub.s32 $0x2, s1;
	s10 =	sshll.u32 s1, $0x4;
	s1 =	smul.u32 $0x5000, s1  }
0x9: {  	s8 =	sshrl.u32 s8, $0x2;
	s11 =	sshrl.u32 s9, $0x1;
	s10 =	sor.u32 s12, s10  }
0xa: {  	s12 =	simm.s32 $0x700;
	s5 =	sadd.s32 s5, s4;
	s4 =	sadd.s32 $0x20E00, s0  }
0xb: {  	s13 =	sadd.s32 s8, s2;
	s17 =	ssub.s32 s9, s11;
	s19 =	smul.u32 $0x500, s10  }
0xc: {  	s1 =	sadd.s32 s26, s1;
	s26 =	simm.s32 $0x80;
	s8 =	simm.s32 $0x600  }
0xd: {  	s11 =	simm.s32 $0xE00;
	s7 =	sshrl.u32 s5, $0x3;
	[dreg:$0x3] =	wrdreg s13  }
0xe: {  	s5 =	sadd.s32 $0x16E00, s0;
	s18 =	sadd.s32 $0x4000, s13;
	[dreg:$0xe] =	wrdreg s1  }
0xf: {  	s20 =	sadd.s32 $0x8000, s13;
	s21 =	sadd.s32 $0xC000, s13;
	[dreg:$0x4] =	wrdreg s18  }
0x10: {  	s22 =	sadd.s32 $0x10000, s13;
	s30 =	smax.u32 s17, $0x1;
	[dreg:$0x5] =	wrdreg s20  }
0x11: {  	s17 =	simm.s32 $0x4;
	s13 =	simm.s32 $0xE80;
	[dreg:$0x6] =	wrdreg s21  }
0x12: {  	s1 =	simm.s32 $0x0;
	s7 =	sadd.s32 s7, s0;
	[dreg:$0x7] =	wrdreg s22  }
0x13: {  	s23 =	sadd.s32 s5, s19;
	s24 =	sor.u32 $0x80, s19;
	s9 =	sadd.s32 s6, s19  }
0x14: {  	[dreg:$0xd] =	wrdreg s30;
	s18 =	sadd.s32 $0x2580, s0;
	s20 =	sadd.s32 $0x16F80, s0  }
0x15: {  	s21 =	simm.s32 $0x1000;
	s22 =	simm.s32 $0x5;
	[dreg:$0x8] =	wrdreg s23  }
0x16: {  	s19 =	simm.s32 $0xF80;
	[dreg:$0x9] =	wrdreg s9;
	s25 =	sadd.s32 s5, s24  }
0x17: {  	s10 =	sadd.s32 s6, s24;
	s7 =	sadd.s32 $0x96200, s7;
	[dreg:$0xa] =	wrdreg s25  }
0x18: {  	s24 =	simm.s32 $0x400;
	s9 =	simm.s32 $0xD80;
	[dreg:$0xb] =	wrdreg s10  }
0x19: {  	v0 =	vimm.f32 $0.0e+00;
	[dreg:$0xc] =	wrdreg s7;
	s25 =	simm.s32 $0xC00;
	s10 =	simm.s32 $0x680  }
.LBB2_1:
0x1a: {  	[dreg:$0xf] =	wrdreg s1;
	s7 =	simm.s32 $0x0;
	s23 =	simm.s32 $0x200  }
.LBB2_2:
0x1b: {  	p0 =	sne.s32 s23, $0xFE00;
	[tilespmem:s7+$0x1070] =	vst v0  }
0x1c: {  	[tilespmem:s7+$0x1000] =	vst v0  }
0x1d: {  	[tilespmem:s7+$0x1010] =	vst v0  }
.Ltmp0:
0x1e: {  	[tilespmem:s7+$0x1020] =	vst v0;
	(pc) =	sbr.rel @p0 .LBB2_2-.Ltmp0, $4  }
0x1f: {  	[tilespmem:s7+$0x1030] =	vst v0  }
0x20: {  	[tilespmem:s7+$0x1040] =	vst v0  }
0x21: {  	[tilespmem:s7+$0x1050] =	vst v0  }
0x22: {  	[tilespmem:s7+$0x1060] =	vst v0;
	s7 =	sshra.s32 s23, $0x2;
	s23 =	sadd.s32 $0x200, s23  }
0x23: {  	[tilespmem:s7+$0x1070] =	vst v0  }
0x24: {  	[tilespmem:s7+$0x1000] =	vst v0  }
0x25: {  	[tilespmem:s7+$0x1010] =	vst v0  }
0x26: {  	[tilespmem:s7+$0x1020] =	vst v0  }
0x27: {  	[tilespmem:s7+$0x1030] =	vst v0  }
0x28: {  	[tilespmem:s7+$0x1040] =	vst v0  }
0x29: {  	[tilespmem:s7+$0x1050] =	vst v0  }
0x2a: {  	[tilespmem:s7+$0x1060] =	vst v0;
	s0 =	rddreg [dreg:$0x3]  }
0x2b: {  	[spmem:s0] =	stream.linear.scatter [tilespmem:s21], [sflag:$0x5], $0x4000, $0x38;
	[tilespmem:$0x1D000] =	vst v63  }
0x2c: {  	_ =	swait.ge [sflag:s22], $0x4000  }
0x2d: {  	[sflag:s22] =	ssyncset.done $0x0  }
0x2e: {  	s23 =	rddreg [dreg:$0x4];
	[sflag:s22] =	ssyncadd.s32 $0xFFFFC000  }
0x2f: {  	[spmem:s23] =	stream.linear.scatter [tilespmem:s21], [sflag:$0x5], $0x4000, $0x38;
	[tilespmem:$0x1D000] =	vst v63  }
0x30: {  	_ =	swait.ge [sflag:s22], $0x4000  }
0x31: {  	[sflag:s22] =	ssyncset.done $0x0  }
0x32: {  	s30 =	rddreg [dreg:$0x5];
	[sflag:s22] =	ssyncadd.s32 $0xFFFFC000  }
0x33: {  	[spmem:s30] =	stream.linear.scatter [tilespmem:s21], [sflag:$0x5], $0x4000, $0x38;
	[tilespmem:$0x1D000] =	vst v63  }
0x34: {  	_ =	swait.ge [sflag:s22], $0x4000  }
0x35: {  	[sflag:s22] =	ssyncset.done $0x0  }
0x36: {  	s1 =	rddreg [dreg:$0x6];
	[sflag:s22] =	ssyncadd.s32 $0xFFFFC000  }
0x37: {  	[spmem:s1] =	stream.linear.scatter [tilespmem:s21], [sflag:$0x5], $0x4000, $0x38;
	[tilespmem:$0x1D000] =	vst v63  }
0x38: {  	_ =	swait.ge [sflag:s22], $0x4000  }
0x39: {  	[sflag:s22] =	ssyncset.done $0x0  }
0x3a: {  	s7 =	rddreg [dreg:$0x7];
	[sflag:s22] =	ssyncadd.s32 $0xFFFFC000  }
0x3b: {  	[spmem:s7] =	stream.linear.scatter [tilespmem:s21], [sflag:$0x5], $0x4000, $0x38;
	[tilespmem:$0x1D000] =	vst v63  }
0x3c: {  	_ =	swait.ge [sflag:s22], $0x4000  }
0x3d: {  	[sflag:s22] =	ssyncset.done $0x0  }
0x3e: {  	[sflag:s22] =	ssyncadd.s32 $0xFFFFC000  }
0x3f: {  	[bflag:$0x0] =	sbarrier.arrive $0xFFFF  }
0x40: {  	s7 =	simm.s32 $0x0;
	s23 =	rddreg [dreg:$0x8]  }
0x41: {  	[tilespmem:s7], [sflag:$0x5] =	stream.linear.gather [hbm4b:s23+s7], $0x400, $0x38;
	[tilespmem:$0x1D000] =	vst v63  }
0x42: {  	_ =	swait.ge [sflag:s22], $0x400  }
0x43: {  	[sflag:s22] =	ssyncset.done $0x0  }
0x44: {  	s1 =	simm.s32 $0x800;
	s30 =	rddreg [dreg:$0x9];
	[sflag:s22] =	ssyncadd.s32 $0xFFFFFC00  }
0x45: {  	[tilespmem:s1], [sflag:$0x5] =	stream.linear.gather [hbm4b:s30+s7], $0x400, $0x38;
	[tilespmem:$0x1D000] =	vst v63  }
0x46: {  	_ =	swait.ge [sflag:s22], $0x400  }
0x47: {  	[sflag:s22] =	ssyncset.done $0x0  }
0x48: {  	s23 =	rddreg [dreg:$0xa];
	[sflag:s22] =	ssyncadd.s32 $0xFFFFFC00  }
0x49: {  	[tilespmem:s24], [sflag:$0x4] =	stream.linear.gather [hbm4b:s23+s7], $0x400, $0x38;
	[tilespmem:$0x1D000] =	vst v63  }
0x4a: {  	s30 =	rddreg [dreg:$0xb]  }
0x4b: {  	[tilespmem:s25], [sflag:$0x4] =	stream.linear.gather [hbm4b:s30+s7], $0x400, $0x38;
	[tilespmem:$0x1D000] =	vst v63  }
.Ltmp1:
0x4c: {  	_ = 	snop;
	(pc) =	sbr.rel .LBB2_4-.Ltmp1, $4  }
0x4d: {  	_ = 	snop  }
0x4e: {  	[tilespmem:s21], [sflag:$0x1] =	stream.indirect.gather [hbm4b:s4+s26], $0x80, s7, s26, $0xb8;
	[tilespmem:$0x1D000] =	vst v63  }
0x4f: {  	s23 =	rddreg [dreg:$0xe]  }
0x50: {  	[tilespmem:s28], [sflag:$0x2] =	stream.indirect.gather [hbm4b:s4+s26], $0x80, s26, s26, $0xb8;
	[tilespmem:$0x1D000] =	vst v63  }
.LBB2_5:
0x51: {  	_ =	swait.ge [sflag:s16], $0x400  }
0x52: {  	[sflag:s16] =	ssyncset.done $0x0  }
0x53: {  	[sflag:s16] =	ssyncadd.s32 $0xFFFFFC00  }
0x54: {  	_ =	swait.ge [sflag:s16], $0x400  }
0x55: {  	[sflag:s16] =	ssyncset.done $0x0  }
0x56: {  	[sflag:s16] =	ssyncadd.s32 $0xFFFFFC00  }
0x57: {  	[tilespmem:s21], [sflag:$0x1] =	stream.indirect.gather [hbm4b:s4+s26], $0x80, s3, s26, $0xb8;
	[tilespmem:$0x1D000] =	vst v63  }
0x58: {  	_ =	swait.ge [sflag:s31], $0x4000  }
0x59: {  	[sflag:s31] =	ssyncset.done $0x0  }
0x5a: {  	[sflag:s31] =	ssyncadd.s32 $0xFFFFC000  }
0x5b: {  	[spmem:s2] =	stream.indirect.scatter.add.f32 [tilespmem:s28], [sflag:$0x5], $0x80, s19, s26, $0xb8;
	[tilespmem:$0x1D000] =	vst v63  }
0x5c: {  	_ =	swait.ge [sflag:s22], $0x4000  }
0x5d: {  	[sflag:s22] =	ssyncset.done $0x0  }
0x5e: {  	[sflag:s22] =	ssyncadd.s32 $0xFFFFC000  }
0x5f: {  	[tilespmem:s28], [sflag:$0x2] =	stream.indirect.gather [hbm4b:s4+s26], $0x80, s26, s26, $0xb8;
	[tilespmem:$0x1D000] =	vst v63  }
.LBB2_7:
0x60: {  	s0 =	sadd.s32 s23, s20  }
0x61: {  	[tilespmem:s24], [sflag:$0x4] =	stream.linear.gather [hbm4b:s0+s3], $0x400, $0x38;
	[tilespmem:$0x1D000] =	vst v63  }
0x62: {  	s30 =	sadd.s32 s23, s18;
	s7 =	sadd.s32 $0x1, s7;
	s23 =	sadd.s32 $0x100, s23  }
0x63: {  	[tilespmem:s25], [sflag:$0x4] =	stream.linear.gather [hbm4b:s30+s3], $0x400, $0x38;
	[tilespmem:$0x1D000] =	vst v63  }
.LBB2_4:
0x64: {  	_ =	swait.ge [sflag:s29], $0x4000  }
0x65: {  	[sflag:s29] =	ssyncset.done $0x0  }
0x66: {  	s0 =	simm.s32 $0x800;
	[sflag:s29] =	ssyncadd.s32 $0xFFFFC000  }
0x67: {  	[spmem:s2] =	stream.indirect.scatter.add.f32 [tilespmem:s21], [sflag:$0x5], $0x80, s0, s26, $0xb8;
	[tilespmem:$0x1D000] =	vst v63  }
0x68: {  	_ =	swait.ge [sflag:s22], $0x4000  }
0x69: {  	[sflag:s22] =	ssyncset.done $0x0  }
0x6a: {  	s1 =	simm.s32 $0x100;
	[sflag:s22] =	ssyncadd.s32 $0xFFFFC000  }
0x6b: {  	[tilespmem:s21], [sflag:$0x1] =	stream.indirect.gather [hbm4b:s4+s26], $0x80, s1, s26, $0xb8;
	[tilespmem:$0x1D000] =	vst v63  }
0x6c: {  	_ =	swait.ge [sflag:s31], $0x4000  }
0x6d: {  	[sflag:s31] =	ssyncset.done $0x0  }
0x6e: {  	s30 =	simm.s32 $0x880;
	[sflag:s31] =	ssyncadd.s32 $0xFFFFC000  }
0x6f: {  	[spmem:s2] =	stream.indirect.scatter.add.f32 [tilespmem:s28], [sflag:$0x5], $0x80, s30, s26, $0xb8;
	[tilespmem:$0x1D000] =	vst v63  }
0x70: {  	_ =	swait.ge [sflag:s22], $0x4000  }
0x71: {  	[sflag:s22] =	ssyncset.done $0x0  }
0x72: {  	s1 =	simm.s32 $0x180;
	[sflag:s22] =	ssyncadd.s32 $0xFFFFC000  }
0x73: {  	[tilespmem:s28], [sflag:$0x2] =	stream.indirect.gather [hbm4b:s4+s26], $0x80, s1, s26, $0xb8;
	[tilespmem:$0x1D000] =	vst v63  }
0x74: {  	_ =	swait.ge [sflag:s29], $0x4000  }
0x75: {  	[sflag:s29] =	ssyncset.done $0x0  }
0x76: {  	s30 =	simm.s32 $0x900;
	[sflag:s29] =	ssyncadd.s32 $0xFFFFC000  }
0x77: {  	[spmem:s2] =	stream.indirect.scatter.add.f32 [tilespmem:s21], [sflag:$0x5], $0x80, s30, s26, $0xb8;
	[tilespmem:$0x1D000] =	vst v63  }
0x78: {  	_ =	swait.ge [sflag:s22], $0x4000  }
0x79: {  	[sflag:s22] =	ssyncset.done $0x0  }
0x7a: {  	s1 =	simm.s32 $0x200;
	[sflag:s22] =	ssyncadd.s32 $0xFFFFC000  }
0x7b: {  	[tilespmem:s21], [sflag:$0x1] =	stream.indirect.gather [hbm4b:s4+s26], $0x80, s1, s26, $0xb8;
	[tilespmem:$0x1D000] =	vst v63  }
0x7c: {  	_ =	swait.ge [sflag:s31], $0x4000  }
0x7d: {  	[sflag:s31] =	ssyncset.done $0x0  }
0x7e: {  	s30 =	simm.s32 $0x980;
	[sflag:s31] =	ssyncadd.s32 $0xFFFFC000  }
0x7f: {  	[spmem:s2] =	stream.indirect.scatter.add.f32 [tilespmem:s28], [sflag:$0x5], $0x80, s30, s26, $0xb8;
	[tilespmem:$0x1D000] =	vst v63  }
0x80: {  	_ =	swait.ge [sflag:s22], $0x4000  }
0x81: {  	[sflag:s22] =	ssyncset.done $0x0  }
0x82: {  	s1 =	simm.s32 $0x280;
	[sflag:s22] =	ssyncadd.s32 $0xFFFFC000  }
0x83: {  	[tilespmem:s28], [sflag:$0x2] =	stream.indirect.gather [hbm4b:s4+s26], $0x80, s1, s26, $0xb8;
	[tilespmem:$0x1D000] =	vst v63  }
0x84: {  	_ =	swait.ge [sflag:s29], $0x4000  }
0x85: {  	[sflag:s29] =	ssyncset.done $0x0  }
0x86: {  	s30 =	simm.s32 $0xA00;
	[sflag:s29] =	ssyncadd.s32 $0xFFFFC000  }
0x87: {  	[spmem:s2] =	stream.indirect.scatter.add.f32 [tilespmem:s21], [sflag:$0x5], $0x80, s30, s26, $0xb8;
	[tilespmem:$0x1D000] =	vst v63  }
0x88: {  	_ =	swait.ge [sflag:s22], $0x4000  }
0x89: {  	[sflag:s22] =	ssyncset.done $0x0  }
0x8a: {  	s1 =	simm.s32 $0x300;
	[sflag:s22] =	ssyncadd.s32 $0xFFFFC000  }
0x8b: {  	[tilespmem:s21], [sflag:$0x1] =	stream.indirect.gather [hbm4b:s4+s26], $0x80, s1, s26, $0xb8;
	[tilespmem:$0x1D000] =	vst v63  }
0x8c: {  	_ =	swait.ge [sflag:s31], $0x4000  }
0x8d: {  	[sflag:s31] =	ssyncset.done $0x0  }
0x8e: {  	s30 =	simm.s32 $0xA80;
	[sflag:s31] =	ssyncadd.s32 $0xFFFFC000  }
0x8f: {  	[spmem:s2] =	stream.indirect.scatter.add.f32 [tilespmem:s28], [sflag:$0x5], $0x80, s30, s26, $0xb8;
	[tilespmem:$0x1D000] =	vst v63  }
0x90: {  	_ =	swait.ge [sflag:s22], $0x4000  }
0x91: {  	[sflag:s22] =	ssyncset.done $0x0  }
0x92: {  	s1 =	simm.s32 $0x380;
	[sflag:s22] =	ssyncadd.s32 $0xFFFFC000  }
0x93: {  	[tilespmem:s28], [sflag:$0x2] =	stream.indirect.gather [hbm4b:s4+s26], $0x80, s1, s26, $0xb8;
	[tilespmem:$0x1D000] =	vst v63  }
0x94: {  	_ =	swait.ge [sflag:s29], $0x4000  }
0x95: {  	[sflag:s29] =	ssyncset.done $0x0  }
0x96: {  	s30 =	simm.s32 $0xB00;
	[sflag:s29] =	ssyncadd.s32 $0xFFFFC000  }
0x97: {  	[spmem:s2] =	stream.indirect.scatter.add.f32 [tilespmem:s21], [sflag:$0x5], $0x80, s30, s26, $0xb8;
	[tilespmem:$0x1D000] =	vst v63  }
0x98: {  	_ =	swait.ge [sflag:s22], $0x4000  }
0x99: {  	[sflag:s22] =	ssyncset.done $0x0  }
0x9a: {  	[sflag:s22] =	ssyncadd.s32 $0xFFFFC000  }
0x9b: {  	_ =	swait.ge [sflag:s17], $0x400  }
0x9c: {  	[sflag:s17] =	ssyncset.done $0x0  }
0x9d: {  	[sflag:s17] =	ssyncadd.s32 $0xFFFFFC00  }
0x9e: {  	_ =	swait.ge [sflag:s17], $0x400  }
0x9f: {  	[sflag:s17] =	ssyncset.done $0x0  }
0xa0: {  	[sflag:s17] =	ssyncadd.s32 $0xFFFFFC00  }
0xa1: {  	[tilespmem:s21], [sflag:$0x1] =	stream.indirect.gather [hbm4b:s4+s26], $0x80, s24, s26, $0xb8;
	[tilespmem:$0x1D000] =	vst v63  }
0xa2: {  	_ =	swait.ge [sflag:s31], $0x4000  }
0xa3: {  	[sflag:s31] =	ssyncset.done $0x0  }
0xa4: {  	s1 =	simm.s32 $0xB80;
	[sflag:s31] =	ssyncadd.s32 $0xFFFFC000  }
0xa5: {  	[spmem:s2] =	stream.indirect.scatter.add.f32 [tilespmem:s28], [sflag:$0x5], $0x80, s1, s26, $0xb8;
	[tilespmem:$0x1D000] =	vst v63  }
0xa6: {  	_ =	swait.ge [sflag:s22], $0x4000  }
0xa7: {  	[sflag:s22] =	ssyncset.done $0x0  }
0xa8: {  	p0 =	seq.s32 s7, $0x4;
	s30 =	simm.s32 $0x480;
	[sflag:s22] =	ssyncadd.s32 $0xFFFFC000  }
0xa9: {  	[tilespmem:s28], [sflag:$0x2] =	stream.indirect.gather [hbm4b:s4+s26], $0x80, s30, s26, $0xb8;
	[tilespmem:$0x1D000] =	vst v63  }
0xaa: {  	s30 =	sadd.s32 @!p0 $0x100, s23  }
0xab: {  	s30 =	sand.u32 @!p0 $0x1FFFFF00, s30  }
0xac: {  	s1 =	simm.s32 @!p0 $0x0;
	s0 =	sadd.s32 @!p0 s5, s30  }
0xad: {  	[tilespmem:s1], [sflag:$0x3] =	stream.linear.gather @!p0 [hbm4b:s0+s1], $0x400, $0x38;
	[tilespmem:$0x1D000] =	vst v63  }
0xae: {  	s0 =	sadd.s32 @!p0 s6, s30;
	s30 =	simm.s32 @!p0 $0x800  }
0xaf: {  	[tilespmem:s30], [sflag:$0x3] =	stream.linear.gather @!p0 [hbm4b:s0+s1], $0x400, $0x38;
	[tilespmem:$0x1D000] =	vst v63  }
0xb0: {  	_ =	swait.ge [sflag:s29], $0x4000  }
0xb1: {  	[sflag:s29] =	ssyncset.done $0x0  }
0xb2: {  	[sflag:s29] =	ssyncadd.s32 $0xFFFFC000  }
0xb3: {  	[spmem:s2] =	stream.indirect.scatter.add.f32 [tilespmem:s21], [sflag:$0x5], $0x80, s25, s26, $0xb8;
	[tilespmem:$0x1D000] =	vst v63  }
0xb4: {  	_ =	swait.ge [sflag:s22], $0x4000  }
0xb5: {  	[sflag:s22] =	ssyncset.done $0x0  }
0xb6: {  	s1 =	simm.s32 $0x500;
	[sflag:s22] =	ssyncadd.s32 $0xFFFFC000  }
0xb7: {  	[tilespmem:s21], [sflag:$0x1] =	stream.indirect.gather [hbm4b:s4+s26], $0x80, s1, s26, $0xb8;
	[tilespmem:$0x1D000] =	vst v63  }
0xb8: {  	_ =	swait.ge [sflag:s31], $0x4000  }
0xb9: {  	[sflag:s31] =	ssyncset.done $0x0  }
0xba: {  	s30 =	simm.s32 $0xC80;
	[sflag:s31] =	ssyncadd.s32 $0xFFFFC000  }
0xbb: {  	[spmem:s2] =	stream.indirect.scatter.add.f32 [tilespmem:s28], [sflag:$0x5], $0x80, s30, s26, $0xb8;
	[tilespmem:$0x1D000] =	vst v63  }
0xbc: {  	_ =	swait.ge [sflag:s22], $0x4000  }
0xbd: {  	[sflag:s22] =	ssyncset.done $0x0  }
0xbe: {  	s1 =	simm.s32 $0x580;
	[sflag:s22] =	ssyncadd.s32 $0xFFFFC000  }
0xbf: {  	[tilespmem:s28], [sflag:$0x2] =	stream.indirect.gather [hbm4b:s4+s26], $0x80, s1, s26, $0xb8;
	[tilespmem:$0x1D000] =	vst v63  }
0xc0: {  	_ =	swait.ge [sflag:s29], $0x4000  }
0xc1: {  	[sflag:s29] =	ssyncset.done $0x0  }
0xc2: {  	s30 =	simm.s32 $0xD00;
	[sflag:s29] =	ssyncadd.s32 $0xFFFFC000  }
0xc3: {  	[spmem:s2] =	stream.indirect.scatter.add.f32 [tilespmem:s21], [sflag:$0x5], $0x80, s30, s26, $0xb8;
	[tilespmem:$0x1D000] =	vst v63  }
0xc4: {  	_ =	swait.ge [sflag:s22], $0x4000  }
0xc5: {  	[sflag:s22] =	ssyncset.done $0x0  }
0xc6: {  	[sflag:s22] =	ssyncadd.s32 $0xFFFFC000  }
0xc7: {  	[tilespmem:s21], [sflag:$0x1] =	stream.indirect.gather [hbm4b:s4+s26], $0x80, s8, s26, $0xb8;
	[tilespmem:$0x1D000] =	vst v63  }
0xc8: {  	_ =	swait.ge [sflag:s31], $0x4000  }
0xc9: {  	[sflag:s31] =	ssyncset.done $0x0  }
0xca: {  	[sflag:s31] =	ssyncadd.s32 $0xFFFFC000  }
0xcb: {  	[spmem:s2] =	stream.indirect.scatter.add.f32 [tilespmem:s28], [sflag:$0x5], $0x80, s9, s26, $0xb8;
	[tilespmem:$0x1D000] =	vst v63  }
0xcc: {  	_ =	swait.ge [sflag:s22], $0x4000  }
0xcd: {  	[sflag:s22] =	ssyncset.done $0x0  }
0xce: {  	[sflag:s22] =	ssyncadd.s32 $0xFFFFC000  }
0xcf: {  	[tilespmem:s28], [sflag:$0x2] =	stream.indirect.gather [hbm4b:s4+s26], $0x80, s10, s26, $0xb8;
	[tilespmem:$0x1D000] =	vst v63  }
0xd0: {  	_ =	swait.ge [sflag:s29], $0x4000  }
0xd1: {  	[sflag:s29] =	ssyncset.done $0x0  }
0xd2: {  	[sflag:s29] =	ssyncadd.s32 $0xFFFFC000  }
0xd3: {  	[spmem:s2] =	stream.indirect.scatter.add.f32 [tilespmem:s21], [sflag:$0x5], $0x80, s11, s26, $0xb8;
	[tilespmem:$0x1D000] =	vst v63  }
0xd4: {  	_ =	swait.ge [sflag:s22], $0x4000  }
0xd5: {  	[sflag:s22] =	ssyncset.done $0x0  }
0xd6: {  	[sflag:s22] =	ssyncadd.s32 $0xFFFFC000  }
0xd7: {  	[tilespmem:s21], [sflag:$0x1] =	stream.indirect.gather [hbm4b:s4+s26], $0x80, s12, s26, $0xb8;
	[tilespmem:$0x1D000] =	vst v63  }
0xd8: {  	_ =	swait.ge [sflag:s31], $0x4000  }
0xd9: {  	[sflag:s31] =	ssyncset.done $0x0  }
0xda: {  	[sflag:s31] =	ssyncadd.s32 $0xFFFFC000  }
0xdb: {  	[spmem:s2] =	stream.indirect.scatter.add.f32 [tilespmem:s28], [sflag:$0x5], $0x80, s13, s26, $0xb8;
	[tilespmem:$0x1D000] =	vst v63  }
0xdc: {  	_ =	swait.ge [sflag:s22], $0x4000  }
0xdd: {  	[sflag:s22] =	ssyncset.done $0x0  }
0xde: {  	[sflag:s22] =	ssyncadd.s32 $0xFFFFC000  }
0xdf: {  	[tilespmem:s28], [sflag:$0x2] =	stream.indirect.gather [hbm4b:s4+s26], $0x80, s14, s26, $0xb8;
	[tilespmem:$0x1D000] =	vst v63  }
0xe0: {  	_ =	swait.ge [sflag:s29], $0x4000  }
0xe1: {  	p1 =	sgt.u32 s7, $0x3;
	[sflag:s29] =	ssyncset.done $0x0  }
.Ltmp2:
0xe2: {  	[sflag:s29] =	ssyncadd.s32 $0xFFFFC000;
	(pc) =	sbr.rel @!p1 .LBB2_5-.Ltmp2, $4  }
0xe3: {  	[spmem:s2] =	stream.indirect.scatter.add.f32 [tilespmem:s21], [sflag:$0x5], $0x80, s15, s26, $0xb8;
	[tilespmem:$0x1D000] =	vst v63  }
0xe4: {  	_ =	swait.ge [sflag:s22], $0x4000  }
0xe5: {  	[sflag:s22] =	ssyncset.done $0x0  }
0xe6: {  	[sflag:s22] =	ssyncadd.s32 $0xFFFFC000  }
0xe7: {  	_ =	swait.ge [sflag:s31], $0x4000  }
0xe8: {  	[sflag:s31] =	ssyncset.done $0x0  }
.Ltmp3:
0xe9: {  	[sflag:s31] =	ssyncadd.s32 $0xFFFFC000;
	(pc) =	sbr.rel @!p0 .LBB2_7-.Ltmp3, $4  }
0xea: {  	[spmem:s2] =	stream.indirect.scatter.add.f32 [tilespmem:s28], [sflag:$0x5], $0x80, s19, s26, $0xb8;
	[tilespmem:$0x1D000] =	vst v63  }
0xeb: {  	_ =	swait.ge [sflag:s22], $0x4000  }
0xec: {  	[sflag:s22] =	ssyncset.done $0x0  }
0xed: {  	[sflag:s22] =	ssyncadd.s32 $0xFFFFC000  }
0xee: {  	s0 =	stileid.u32;
	[bflag:$0x0] =	sbarrier.arrive $0xFFFF  }
0xef: {  	s0 =	sshll.u32 s0, $0x6;
	s1 =	rddreg [dreg:$0x3]  }
0xf0: {  	s7 =	rddreg [dreg:$0xc];
	s0 =	sor.u32 $0x1C05, s0;
	s1 =	sshrl.u32 s1, $0x3  }
0xf1: {  	[hbm:s7], [sflag:s0] =	dma.local [spmem:s1], $0x2800  }
0xf2: {  	_ =	swait.ge [sflag:s22], $0x2800  }
0xf3: {  	s23 =	rddreg [dreg:$0xf]  }
0xf4: {  	s30 =	rddreg [dreg:$0xd];
	s1 =	sadd.s32 $0x1, s23  }
0xf5: {  	p0 =	sne.s32 s1, s30  }
.Ltmp4:
0xf6: {  	_ = 	snop;
	(pc) =	sbr.rel @p0 .LBB2_1-.Ltmp4, $3  }
0xf7: {  	_ =	sdelay $0x1  }
0xf8: {  	[sflag:s22] =	ssyncset.done $0x0  }
0xf9: {  	[sflag:s22] =	ssyncadd.s32 $0xFFFFD800  }
0xfa: {  	_ =	sfence.sel $0x180000  }
0xfb: {  	[bflag:$0x0] =	sbarrier.arrive $0xFFFF  }
0xfc: {  	_ =	strace $0x9000004A  }
0xfd: {  	s0 =	stileid.u32;
	[bflag:$0x2] =	sbarrier.arrive $0xFFFF  }
0xfe: {  	p0 =	sne.s32 s0, $0x0;
	s0 =	rddreg [dreg:$0x2]  }
0xff: {  	s0 =	sadd.s32 @!p0 $0x100000, s0  }
0x100: {  	[sflag:s0] =	ssyncadd.tile.s32 @!p0 $0x1;
	_ =	shalt  }
.Lfunc_end2:
_tile_overlayer_lowered:
.L_overlay_start_2:
0x101: {  	(tag) =	ssettag $0x2  }
0x102: {  	s0 =	rddreg [dreg:$0x0];
	s2 =	stileid.u32  }
0x103: {  	s1 =	rddreg [dreg:$0x1];
	p0 =	sne.s32 s2, $0x0  }
0x104: {  	s3 =	rddreg [dreg:$0x2];
	[bflag:$0x3] =	sbarrier.arrive $0xFFFF;
	s2 =	simm.s32 @!p0 $0x1C05  }
0x105: {  	[timem:s3], [sflag:s2] =	dma.local @!p0 [hbm:s0], s1  }
0x106: {  	s0 =	simm.s32 @!p0 $0x5  }
0x107: {  	_ =	swait.ge @!p0 [sflag:s0], s1  }
0x108: {  	s1 =	ssub.s32 @!p0 $0x0, s1;
	[sflag:s0] =	ssyncset.done @!p0 $0x0  }
0x109: {  	[sflag:s0] =	ssyncadd.s32 @!p0 s1  }
0x10a: {  	[bflag:$0x3] =	sbarrier.arrive $0xFFFF  }
0x10b: {  	_ =	shalt  }

// kernel: kernel.14.cloned.1.call-start
scs
__scs_entry_jumppad:
0x0: {  	(pc) =	sbr.rel $0x88, $3  }
0x1: {  	(tag) =	ssettag $0x0;
	lr =	simm.s32 $0x1  }
0x2: {  	[smem:$0x3F9B] =	sst lr;
	_ =	strace $0xD0000000  }
0x3: {  	_ = 	snop  }
0x4: {  	_ = 	snop  }
0x5: {  	_ = 	snop  }
0x6: {  	_ = 	snop  }
0x7: {  	_ = 	snop  }
__scs_overlays_trampoline_lowered:
0x8: {  	[smem:$0x3FAA] =	sst s0  }
0x9: {  	[smem:$0x3FAB] =	sst s1  }
0xa: {  	[smem:$0x3FAC] =	sst s2  }
0xb: {  	[smem:$0x3FAD] =	sst s3  }
0xc: {  	[smem:$0x3FAE] =	sst s4  }
0xd: {  	[smem:$0x3FAF] =	sst s5  }
0xe: {  	[smem:$0x3FB0] =	sst s6  }
0xf: {  	[smem:$0x3FB1] =	sst s7  }
0x10: {  	[smem:$0x3FB2] =	sst s8  }
0x11: {  	[smem:$0x3FB3] =	sst s9;
	s0 =	simm.s32 @!p0 $0x0  }
0x12: {  	s1 =	sld [smem:$0x3F99];
	s0 =	simm.s32 @p0 $0x1  }
0x13: {  	[smem:$0x3FB4] =	sst s0;
	s0 =	simm.s32 @!p1 $0x0  }
0x14: {  	s2 =	sld [smem:$0x3F98];
	s0 =	simm.s32 @p1 $0x1  }
0x15: {  	[smem:$0x3FB5] =	sst s0;
	s0 =	simm.s32 @!p2 $0x0  }
0x16: {  	s3 =	sld [smem:$0x3FDB];
	s0 =	simm.s32 @p2 $0x1  }
0x17: {  	s4 =	simm.s32 $0x1BF5;
	[smem:$0x3FB7] =	sst s0  }
0x18: {  	s0 =	sld [smem:$0x3F9A];
	_ =	swait.ge [sflag:s4], $0x0  }
0x19: {  	s7 =	sld [smem:$0x3F9B]  }
0x1a: {  	s8 =	sadd.s32 $0xFFFFE003, lr  }
0x1b: {  	s9 =	sadd.s32 $0xFFFFFEF7, lr;
	s5 =	simm.s32 $0xFFFFFFFF;
	p2 =	slt.u32 s8, $0xFFFFF086  }
0x1c: {  	p1 =	slt.u32 s9, $0xF7A;
	s5 =	simm.s32 @!p2 $0x0  }
0x1d: {  	s5 =	simm.s32 @p1 $0x1;
	p0 =	seq.s32 s7, s2  }
0x1e: {  	s7 =	smul.u32 @!p0 $0xF7A, s2;
	p2 =	seq.s32 @!p0 s5, $0x0  }
0x1f: {  	s9 =	smul.u32 $0xF7A, s1;
	s8 =	simm.s32 @!p0 $0x1BF5;
	p2 =	por !p2, p0  }
0x20: {  	[sflag:s8] =	ssyncset.s32 @!p0 $0xFFFFF086;
	s6 =	sadd.s32 @!p0 s3, s7;
	s7 =	simm.s32 @!p0 $0x108  }
0x21: {  	s3 =	sadd.s32 s3, s9;
	s6 =	sadd.s32 @!p0 $0x88, s6;
	s7 =	simm.s32 @p2 $0x1082  }
0x22: {  	[simem:s7], [sflag:s8] =	dma.local @!p0 [hbm:s6], $0xF7A  }
0x23: {  	s9 =	sor.u32 $0xD0000000, s2;
	s6 =	simm.s32 $0x108;
	_ =	swait.ge @!p0 [sflag:s8], $0x0  }
0x24: {  	s3 =	sadd.s32 $0x88, s3;
	s6 =	simm.s32 @!p1 $0x1082;
	[sflag:s4] =	ssyncset.s32 $0xFFFFF086  }
0x25: {  	[simem:s6], [sflag:s4] =	dma.local [hbm:s3], $0xF7A  }
0x26: {  	[smem:$0x3F9B] =	sst s1;
	(tag) =	ssettag s2;
	_ =	strace s9  }
0x27: {  	s1 =	sld [smem:$0x3FAB]  }
0x28: {  	s2 =	sld [smem:$0x3FAC]  }
0x29: {  	s4 =	sld [smem:$0x3FAE]  }
0x2a: {  	p0 =	seq.s32 s5, $0x0;
	s5 =	sld [smem:$0x3FAF]  }
0x2b: {  	s6 =	sld [smem:$0x3FB0]  }
0x2c: {  	s7 =	sld [smem:$0x3FB1]  }
0x2d: {  	s3 =	simm.s32 $0x108;
	s8 =	sld [smem:$0x3FB2]  }
0x2e: {  	s3 =	simm.s32 @!p0 $0x1082;
	s9 =	sld [smem:$0x3FB3]  }
0x2f: {  	lr =	sadd.s32 s0, s3;
	s0 =	sld [smem:$0x3FAA]  }
0x30: {  	s3 =	sld [smem:$0x3FAD]  }
0x31: {  	[smem:$0x3FB6] =	sst s10  }
0x32: {  	s10 =	sld [smem:$0x3FB4];
	_ =	sdelay $0x3  }
0x33: {  	p0 =	seq.s32 s10, $0x1;
	s10 =	sld [smem:$0x3FB6];
	_ =	sdelay $0x3  }
0x34: {  	[smem:$0x3FB6] =	sst s10  }
0x35: {  	s10 =	sld [smem:$0x3FB5];
	_ =	sdelay $0x3  }
0x36: {  	p1 =	seq.s32 s10, $0x1;
	s10 =	sld [smem:$0x3FB6];
	_ =	sdelay $0x3  }
0x37: {  	[smem:$0x3FB6] =	sst s10  }
0x38: {  	s10 =	sld [smem:$0x3FB7]  }
0x39: {  	_ = 	snop;
	(pc) =	sbr.ind lr, $3  }
0x3a: {  	_ = 	snop  }
0x3b: {  	_ = 	snop  }
0x3c: {  	p2 =	seq.s32 s10, $0x1;
	s10 =	sld [smem:$0x3FB6]  }
0x3d: {  	_ =	shalt  }
0x3e: {  	_ =	shalt  }
0x3f: {  	_ =	shalt  }
0x40: {  	_ =	shalt  }
0x41: {  	_ =	shalt  }
0x42: {  	_ =	shalt  }
0x43: {  	_ =	shalt  }
0x44: {  	_ =	shalt  }
0x45: {  	_ =	shalt  }
0x46: {  	_ =	shalt  }
0x47: {  	_ =	shalt  }
0x48: {  	_ =	shalt  }
0x49: {  	_ =	shalt  }
0x4a: {  	_ =	shalt  }
0x4b: {  	_ =	shalt  }
0x4c: {  	_ =	shalt  }
0x4d: {  	_ =	shalt  }
0x4e: {  	_ =	shalt  }
0x4f: {  	_ =	shalt  }
0x50: {  	_ =	shalt  }
0x51: {  	_ =	shalt  }
0x52: {  	_ =	shalt  }
0x53: {  	_ =	shalt  }
0x54: {  	_ =	shalt  }
0x55: {  	_ =	shalt  }
0x56: {  	_ =	shalt  }
0x57: {  	_ =	shalt  }
0x58: {  	_ =	shalt  }
0x59: {  	_ =	shalt  }
0x5a: {  	_ =	shalt  }
0x5b: {  	_ =	shalt  }
0x5c: {  	_ =	shalt  }
0x5d: {  	_ =	shalt  }
0x5e: {  	_ =	shalt  }
0x5f: {  	_ =	shalt  }
0x60: {  	_ =	shalt  }
0x61: {  	_ =	shalt  }
0x62: {  	_ =	shalt  }
0x63: {  	_ =	shalt  }
0x64: {  	_ =	shalt  }
0x65: {  	_ =	shalt  }
0x66: {  	_ =	shalt  }
0x67: {  	_ =	shalt  }
0x68: {  	_ =	shalt  }
0x69: {  	_ =	shalt  }
0x6a: {  	_ =	shalt  }
0x6b: {  	_ =	shalt  }
0x6c: {  	_ =	shalt  }
0x6d: {  	_ =	shalt  }
0x6e: {  	_ =	shalt  }
0x6f: {  	_ =	shalt  }
0x70: {  	_ =	shalt  }
0x71: {  	_ =	shalt  }
0x72: {  	_ =	shalt  }
0x73: {  	_ =	shalt  }
0x74: {  	_ =	shalt  }
0x75: {  	_ =	shalt  }
0x76: {  	_ =	shalt  }
0x77: {  	_ =	shalt  }
0x78: {  	_ =	shalt  }
0x79: {  	_ =	shalt  }
0x7a: {  	_ =	shalt  }
0x7b: {  	_ =	shalt  }
0x7c: {  	_ =	shalt  }
0x7d: {  	_ =	shalt  }
0x7e: {  	_ =	shalt  }
0x7f: {  	_ =	shalt  }
0x80: {  	_ =	shalt  }
0x81: {  	_ =	shalt  }
0x82: {  	_ =	shalt  }
0x83: {  	_ =	shalt  }
0x84: {  	_ =	shalt  }
0x85: {  	_ =	shalt  }
0x86: {  	_ =	shalt  }
0x87: {  	_ =	shalt  }
.Lfunc_end0:
.L_simem_size_0:
called_computation.2_lowered:
.L_overlay_start_0:
0x88: {  	s2 =	sld [smem:$0x3FD9]  }
0x89: {  	s3 =	sld [smem:$0x3FFE];
	_ =	sdelay $0x1  }
0x8a: {  	s1 =	srdreg.scid  }
0x8b: {  	s0 =	sand.u32 $0x1, s1  }
0x8c: {  	s16 =	sshll.u32 s0, $0xA;
	s2 =	sadd.s32 s3, s2  }
0x8d: {  	s2 =	sadd.s32 s2, s16  }
0x8e: {  	[smem:$0x3FC2] =	sst s2  }
0x8f: {  	_ = 	snop  }
0x90: {  	(tm) =	ssettm $0x1  }
0x91: {  	s17 =	sld [smem:$0x3FFB];
	_ =	sdelay $0x3  }
0x92: {  	_ =	strace s17  }
0x93: {  	s2 =	sld [smem:$0x3FFC];
	_ =	sdelay $0x3  }
0x94: {  	_ =	strace s2  }
0x95: {  	s2 =	sld [smem:$0x3FFD];
	_ =	sdelay $0x3  }
0x96: {  	_ =	strace s2  }
0x97: {  	_ =	strace $0x8FFFFFFF  }
0x98: {  	s18 =	sld [smem:$0x3FDB];
	_ =	sdelay $0x1  }
0x99: {  	s19 =	simm.s32 $_scs_section_size  }
0x9a: {  	s4 =	simm.s32 $_size__tile_overlayer_lowered;
	s5 =	simm.s32 $_tile_overlayer_lowered  }
0x9b: {  	s22 =	simm.s32 $0x1BFF;
	s21 =	sshll.u32 s5, $0x1;
	s2 =	sadd.s32 s19, s18  }
0x9c: {  	s6 =	simm.s32 $0x0;
	s20 =	sshll.u32 s4, $0x1;
	s4 =	sadd.s32 s21, s2  }
0x9d: {  	[timem:s6], [sflag:s22] =	dma.local [hbm:s4], s20  }
0x9e: {  	_ =	swait.ge [sflag:s22], s20  }
0x9f: {  	s3 =	ssub.s32 $0x0, s20;
	[sflag:s22] =	ssyncset.done $0x0  }
0xa0: {  	[sflag:s22] =	ssyncadd.s32 s3;
	_ =	sdelay $0x1  }
0xa1: {  	s23 =	simm.s32 $0x1B8B  }
0xa2: {  	_ =	swait.ge [sflag:s23], $0x1  }
0xa3: {  	[sflag:s23] =	ssyncset.done $0x0  }
0xa4: {  	s25 =	simm.s32 $0x1B8E;
	s24 =	sld [smem:$0x3FFE];
	[sflag:s23] =	ssyncadd.s32 $0xFFFFFFFF  }
0xa5: {  	s26 =	simm.s32 $execute0_lowered;
	[smem:$0x3FD2] =	sst s25  }
0xa6: {  	s4 =	sshll.u32 s26, $0x1;
	_ =	strace $0x8000004C;
	[dreg:$0x1] =	wrdreg $0xFFFFFFFF  }
0xa7: {  	s28 =	simm.s32 $_size_execute0_lowered;
	s2 =	sadd.s32 s2, s4;
	[dreg:$0x0] =	wrdreg $0x0  }
0xa8: {  	s4 =	sshll.u32 s28, $0x1;
	[dreg:$0x2] =	wrdreg s2  }
0xa9: {  	[dreg:$0x3] =	wrdreg s4  }
0xaa: {  	[dreg:$0x4] =	wrdreg $0xC0  }
0xab: {  	_ =	task [dreg:s6], $0x5FFFF  }
0xac: {  	[dreg:$0x1] =	wrdreg $0xFFFFFFFF  }
0xad: {  	[dreg:$0x0] =	wrdreg $0x60  }
0xae: {  	[dreg:$0x2] =	wrdreg s24  }
0xaf: {  	[dreg:$0x3] =	wrdreg $0x54780  }
0xb0: {  	[dreg:$0x4] =	wrdreg $0x52000  }
0xb1: {  	[dreg:$0x5] =	wrdreg $0x9  }
0xb2: {  	_ =	task.clear_ibuf [dreg:s6], $0x6FFFF;
	_ =	strace $0x9000004C  }
0xb3: {  	s29 =	simm.s32 $0x9;
	_ =	strace $0x8000004E  }
0xb4: {  	_ =	swait.ge [sflag:s29], $0x1  }
0xb5: {  	[sflag:s29] =	ssyncadd.s32 $0xFFFFFFFF  }
0xb6: {  	_ =	strace $0x9000004E  }
0xb7: {  	_ =	sfence  }
0xb8: {  	s30 =	sld [smem:$0x0];
	_ =	sdelay $0x2  }
0xb9: {  	s31 =	sshll.u32 s1, $0xD;
	s1 =	sshrl.u32 s1, $0x2  }
0xba: {  	s3 =	sand.u32 $0x4000, s31;
	s1 =	sadd.s32 s1, s30  }
0xbb: {  	s0 =	sor.u32 s3, s0;
	s1 =	sshll.u32 s1, $0x11  }
0xbc: {  	s0 =	sor.u32 s1, s0  }
0xbd: {  	s0 =	sadd.s32 $0x8F2B, s0  }
0xbe: {  	[sflag:s0] =	ssyncadd.remote.s32 $0x1  }
0xbf: {  	_ =	sfence.sel $0xFFFF  }
0xc0: {  	[dreg:$0x0] =	wrdreg $0xFFFFFFFF;
	(pc) =	sbr.abs _section_cstart, $3  }
0xc1: {  	[dreg:$0x1] =	wrdreg $0xFFFFFFFF  }
0xc2: {  	_ =	task.clear_ibuf [dreg:s6], $0x2FFFF;
	_ =	strace $0x9FFFFFFF  }
0xc3: {  	(tm) =	ssettm $0x7FFFFFFF  }
tec
execute0_lowered:
.L_overlay_start_1:
0x0: {  	(tag) =	ssettag $0x1  }
0x1: {  	s0 =	rddreg [dreg:$0x0];
	s2 =	srdreg.scid  }
0x2: {  	s1 =	rddreg [dreg:$0x1];
	s15 =	stileid.u32  }
0x3: {  	s4 =	simm.s32 $0x0;
	s16 =	simm.s32 $0x5;
	s19 =	simm.s32 $0x80  }
0x4: {  	s20 =	simm.s32 $0x5080;
	s22 =	simm.s32 $0x5100;
	s24 =	simm.s32 $0x5180  }
0x5: {  	s25 =	simm.s32 $0x1;
	s28 =	simm.s32 $0x3;
	s29 =	simm.s32 $0x4  }
0x6: {  	s18 =	simm.s32 $0x20;
	s21 =	simm.s32 $0x10;
	s23 =	simm.s32 $0x0  }
0x7: {  	s3 =	sand.u32 $0x1, s2;
	s2 =	rddreg [dreg:$0x2];
	s7 =	smul.u32 $0x500, s15  }
0x8: {  	[smem:$0x7FF] =	sst s4;
	s9 =	smul.u32 $0xA00, s15;
	p0 =	sne.s32 s15, $0x0  }
0x9: {  	s5 =	sshll.u32 s3, $0x4;
	_ =	strace $0x8000004D;
	s8 =	sshll.u32 s3, $0x7  }
0xa: {  	s3 =	ssub.s32 $0x2, s3;
	s17 =	sshrl.u32 @!p0 s2, $0x3;
	s5 =	sor.u32 s15, s5  }
0xb: {  	s26 =	sor.u32 s8, s7;
	s30 =	sshrl.u32 s3, $0x1;
	s31 =	sshrl.u32 s9, $0x2  }
0xc: {  	s15 =	simm.s32 $0x5000;
	s6 =	smul.u32 $0x500, s5;
	s3 =	ssub.s32 s3, s30  }
0xd: {  	s5 =	sadd.s32 $0x16400, s0;
	s14 =	smax.u32 s3, $0x1;
	s3 =	simm.s32 $0x4F80  }
0xe: {  	s12 =	sadd.s32 s6, s0;
	s6 =	sshrl.u32 s26, $0x3;
	s26 =	simm.s32 $0x2  }
0xf: {  	s0 =	sadd.s32 s6, s0;
	s6 =	sadd.s32 s31, s1;
	s11 =	sadd.s32 $0xC400, s12  }
0x10: {  	s12 =	sadd.s32 $0x2400, s12;
	s7 =	sadd.s32 $0x80, s6;
	s8 =	sadd.s32 $0x100, s6  }
0x11: {  	v0 =	vimm.f32 $0.0e+00;
	s9 =	sadd.s32 $0x180, s6;
	s10 =	sadd.s32 $0x200, s6;
	s13 =	sadd.s32 $0x16A00, s0  }
.LBB2_1:
0x12: {  	[tilespmem:$0x5000] =	vst v0  }
0x13: {  	[tilespmem:$0x5010] =	vst v0  }
0x14: {  	[tilespmem:$0x5020] =	vst v0  }
0x15: {  	[tilespmem:$0x5030] =	vst v0  }
0x16: {  	[tilespmem:$0x5040] =	vst v0  }
0x17: {  	[tilespmem:$0x5050] =	vst v0  }
0x18: {  	[tilespmem:$0x5060] =	vst v0  }
0x19: {  	[tilespmem:$0x5070] =	vst v0  }
0x1a: {  	[spmem:s6] =	stream.linear.scatter [tilespmem:s15], [sflag:$0x5], $0x80, $0x38;
	[tilespmem:$0x56F8] =	vst v63  }
0x1b: {  	_ =	swait.ge [sflag:s16], $0x80  }
0x1c: {  	[sflag:s16] =	ssyncset.done $0x0  }
0x1d: {  	[sflag:s16] =	ssyncadd.s32 $0xFFFFFF80  }
0x1e: {  	[spmem:s7] =	stream.linear.scatter [tilespmem:s15], [sflag:$0x5], $0x80, $0x38;
	[tilespmem:$0x56F8] =	vst v63  }
0x1f: {  	_ =	swait.ge [sflag:s16], $0x80  }
0x20: {  	[sflag:s16] =	ssyncset.done $0x0  }
0x21: {  	[sflag:s16] =	ssyncadd.s32 $0xFFFFFF80  }
0x22: {  	[spmem:s8] =	stream.linear.scatter [tilespmem:s15], [sflag:$0x5], $0x80, $0x38;
	[tilespmem:$0x56F8] =	vst v63  }
0x23: {  	_ =	swait.ge [sflag:s16], $0x80  }
0x24: {  	[sflag:s16] =	ssyncset.done $0x0  }
0x25: {  	[sflag:s16] =	ssyncadd.s32 $0xFFFFFF80  }
0x26: {  	[spmem:s9] =	stream.linear.scatter [tilespmem:s15], [sflag:$0x5], $0x80, $0x38;
	[tilespmem:$0x56F8] =	vst v63  }
0x27: {  	_ =	swait.ge [sflag:s16], $0x80  }
0x28: {  	[sflag:s16] =	ssyncset.done $0x0  }
0x29: {  	[sflag:s16] =	ssyncadd.s32 $0xFFFFFF80  }
0x2a: {  	[spmem:s10] =	stream.linear.scatter [tilespmem:s15], [sflag:$0x5], $0x80, $0x38;
	[tilespmem:$0x56F8] =	vst v63  }
0x2b: {  	_ =	swait.ge [sflag:s16], $0x80  }
0x2c: {  	[sflag:s16] =	ssyncset.done $0x0  }
0x2d: {  	s30 =	simm.s32 @!p0 $0x1C05;
	[sflag:s16] =	ssyncadd.s32 $0xFFFFFF80  }
0x2e: {  	[spmem:s17], [sflag:s30] =	dma.local @!p0 [hbm:s5], $0x4F0  }
0x2f: {  	s30 =	simm.s32 @!p0 $0x5  }
0x30: {  	_ =	swait.ge @!p0 [sflag:s30], $0x4F0  }
0x31: {  	[sflag:s30] =	ssyncset.done @!p0 $0x0  }
0x32: {  	[sflag:s30] =	ssyncadd.s32 @!p0 $0xFFFFFB10  }
0x33: {  	[tilespmem:s4], [sflag:$0x5] =	stream.linear.gather [hbm4b:s11+s4], $0x2800, $0x38;
	[tilespmem:$0x56F8] =	vst v63  }
0x34: {  	_ =	swait.ge [sflag:s16], $0x2800  }
0x35: {  	[sflag:s16] =	ssyncset.done $0x0  }
0x36: {  	s0 =	simm.s32 $0x2800;
	[sflag:s16] =	ssyncadd.s32 $0xFFFFD800  }
0x37: {  	[tilespmem:s0], [sflag:$0x5] =	stream.linear.gather [hbm4b:s12+s4], $0x2800, $0x38;
	[tilespmem:$0x56F8] =	vst v63  }
0x38: {  	_ =	swait.ge [sflag:s16], $0x2800  }
0x39: {  	[sflag:s16] =	ssyncset.done $0x0  }
0x3a: {  	[sflag:s16] =	ssyncadd.s32 $0xFFFFD800  }
0x3b: {  	[bflag:$0x0] =	sbarrier.arrive $0xFFFF  }
0x3c: {  	[tilespmem:s15], [sflag:$0x1] =	stream.indirect.gather [spmem:s2], $0x1, s4, s19, $0xb8;
	[tilespmem:$0x56F8] =	vst v63  }
0x3d: {  	_ = 	snop  }
0x3e: {  	[tilespmem:s20], [sflag:$0x2] =	stream.indirect.gather [spmem:s2], $0x1, s19, s19, $0xb8;
	[tilespmem:$0x56F8] =	vst v63  }
0x3f: {  	s0 =	simm.s32 $0x100  }
0x40: {  	[tilespmem:s22], [sflag:$0x3] =	stream.indirect.gather [spmem:s2], $0x1, s0, s19, $0xb8;
	[tilespmem:$0x56F8] =	vst v63  }
0x41: {  	s0 =	simm.s32 $0x180  }
0x42: {  	[tilespmem:s24], [sflag:$0x4] =	stream.indirect.gather [spmem:s2], $0x1, s0, s19, $0xb8;
	[tilespmem:$0x56F8] =	vst v63  }
0x43: {  	_ =	swait.ge [sflag:s25], $0x80  }
0x44: {  	[sflag:s25] =	ssyncset.done $0x0  }
0x45: {  	s30 =	simm.s32 $0x2800;
	[sflag:s25] =	ssyncadd.s32 $0xFFFFFF80  }
0x46: {  	[spmem:s1] =	stream.indirect.scatter.add.f32 [tilespmem:s15], [sflag:$0x5], $0x1, s30, s19, $0xb8;
	[tilespmem:$0x56F8] =	vst v63  }
0x47: {  	_ =	swait.ge [sflag:s16], $0x80  }
0x48: {  	[sflag:s16] =	ssyncset.done $0x0  }
0x49: {  	s30 =	simm.s32 $0x200;
	[sflag:s16] =	ssyncadd.s32 $0xFFFFFF80  }
0x4a: {  	[tilespmem:s15], [sflag:$0x1] =	stream.indirect.gather [spmem:s2], $0x1, s30, s19, $0xb8;
	[tilespmem:$0x56F8] =	vst v63  }
0x4b: {  	_ =	swait.ge [sflag:s26], $0x80  }
0x4c: {  	[sflag:s26] =	ssyncset.done $0x0  }
0x4d: {  	s30 =	simm.s32 $0x2880;
	[sflag:s26] =	ssyncadd.s32 $0xFFFFFF80  }
0x4e: {  	[spmem:s1] =	stream.indirect.scatter.add.f32 [tilespmem:s20], [sflag:$0x5], $0x1, s30, s19, $0xb8;
	[tilespmem:$0x56F8] =	vst v63  }
0x4f: {  	_ =	swait.ge [sflag:s16], $0x80  }
0x50: {  	[sflag:s16] =	ssyncset.done $0x0  }
0x51: {  	s30 =	simm.s32 $0x280;
	[sflag:s16] =	ssyncadd.s32 $0xFFFFFF80  }
0x52: {  	[tilespmem:s20], [sflag:$0x2] =	stream.indirect.gather [spmem:s2], $0x1, s30, s19, $0xb8;
	[tilespmem:$0x56F8] =	vst v63  }
0x53: {  	_ =	swait.ge [sflag:s28], $0x80  }
0x54: {  	[sflag:s28] =	ssyncset.done $0x0  }
0x55: {  	s30 =	simm.s32 $0x2900;
	[sflag:s28] =	ssyncadd.s32 $0xFFFFFF80  }
0x56: {  	[spmem:s1] =	stream.indirect.scatter.add.f32 [tilespmem:s22], [sflag:$0x5], $0x1, s30, s19, $0xb8;
	[tilespmem:$0x56F8] =	vst v63  }
0x57: {  	_ =	swait.ge [sflag:s16], $0x80  }
0x58: {  	[sflag:s16] =	ssyncset.done $0x0  }
0x59: {  	s30 =	simm.s32 $0x300;
	[sflag:s16] =	ssyncadd.s32 $0xFFFFFF80  }
0x5a: {  	[tilespmem:s22], [sflag:$0x3] =	stream.indirect.gather [spmem:s2], $0x1, s30, s19, $0xb8;
	[tilespmem:$0x56F8] =	vst v63  }
0x5b: {  	_ =	swait.ge [sflag:s29], $0x80  }
0x5c: {  	[sflag:s29] =	ssyncset.done $0x0  }
0x5d: {  	s30 =	simm.s32 $0x2980;
	[sflag:s29] =	ssyncadd.s32 $0xFFFFFF80  }
0x5e: {  	[spmem:s1] =	stream.indirect.scatter.add.f32 [tilespmem:s24], [sflag:$0x5], $0x1, s30, s19, $0xb8;
	[tilespmem:$0x56F8] =	vst v63  }
0x5f: {  	_ =	swait.ge [sflag:s16], $0x80  }
0x60: {  	[sflag:s16] =	ssyncset.done $0x0  }
0x61: {  	s31 =	simm.s32 $0x380;
	s30 =	simm.s32 $0x800;
	[sflag:s16] =	ssyncadd.s32 $0xFFFFFF80  }
.LBB2_2:
0x62: {  	[tilespmem:s24], [sflag:$0x4] =	stream.indirect.gather [spmem:s2], $0x1, s31, s19, $0xb8;
	[tilespmem:$0x56F8] =	vst v63  }
0x63: {  	s31 =	smov.u32 s30  }
0x64: {  	p1 =	sne.s32 s30, $0x9000;
	s30 =	sadd.s32 $0x800, s30;
	_ =	swait.ge [sflag:s25], $0x80  }
0x65: {  	s31 =	sshra.s32 s31, $0x2;
	[sflag:s25] =	ssyncset.done $0x0  }
0x66: {  	s0 =	sadd.s32 $0x2800, s31;
	[sflag:s25] =	ssyncadd.s32 $0xFFFFFF80  }
0x67: {  	[spmem:s1] =	stream.indirect.scatter.add.f32 [tilespmem:s15], [sflag:$0x5], $0x1, s0, s19, $0xb8;
	[tilespmem:$0x56F8] =	vst v63  }
0x68: {  	_ =	swait.ge [sflag:s16], $0x80  }
0x69: {  	[sflag:s16] =	ssyncset.done $0x0  }
0x6a: {  	s0 =	sadd.s32 $0x200, s31;
	[sflag:s16] =	ssyncadd.s32 $0xFFFFFF80  }
0x6b: {  	[tilespmem:s15], [sflag:$0x1] =	stream.indirect.gather [spmem:s2], $0x1, s0, s19, $0xb8;
	[tilespmem:$0x56F8] =	vst v63  }
0x6c: {  	_ =	swait.ge [sflag:s26], $0x80  }
0x6d: {  	[sflag:s26] =	ssyncset.done $0x0  }
0x6e: {  	s0 =	sadd.s32 $0x2880, s31;
	[sflag:s26] =	ssyncadd.s32 $0xFFFFFF80  }
0x6f: {  	[spmem:s1] =	stream.indirect.scatter.add.f32 [tilespmem:s20], [sflag:$0x5], $0x1, s0, s19, $0xb8;
	[tilespmem:$0x56F8] =	vst v63  }
0x70: {  	_ =	swait.ge [sflag:s16], $0x80  }
0x71: {  	[sflag:s16] =	ssyncset.done $0x0  }
0x72: {  	s0 =	sadd.s32 $0x280, s31;
	[sflag:s16] =	ssyncadd.s32 $0xFFFFFF80  }
0x73: {  	[tilespmem:s20], [sflag:$0x2] =	stream.indirect.gather [spmem:s2], $0x1, s0, s19, $0xb8;
	[tilespmem:$0x56F8] =	vst v63  }
0x74: {  	_ =	swait.ge [sflag:s28], $0x80  }
0x75: {  	[sflag:s28] =	ssyncset.done $0x0  }
0x76: {  	s0 =	sadd.s32 $0x2900, s31;
	[sflag:s28] =	ssyncadd.s32 $0xFFFFFF80  }
0x77: {  	[spmem:s1] =	stream.indirect.scatter.add.f32 [tilespmem:s22], [sflag:$0x5], $0x1, s0, s19, $0xb8;
	[tilespmem:$0x56F8] =	vst v63  }
0x78: {  	_ =	swait.ge [sflag:s16], $0x80  }
0x79: {  	[sflag:s16] =	ssyncset.done $0x0  }
0x7a: {  	s0 =	sadd.s32 $0x300, s31;
	[sflag:s16] =	ssyncadd.s32 $0xFFFFFF80  }
0x7b: {  	[tilespmem:s22], [sflag:$0x3] =	stream.indirect.gather [spmem:s2], $0x1, s0, s19, $0xb8;
	[tilespmem:$0x56F8] =	vst v63  }
0x7c: {  	_ =	swait.ge [sflag:s29], $0x80  }
0x7d: {  	[sflag:s29] =	ssyncset.done $0x0  }
.Ltmp0:
0x7e: {  	s0 =	sadd.s32 $0x2980, s31;
	[sflag:s29] =	ssyncadd.s32 $0xFFFFFF80;
	(pc) =	sbr.rel @p1 .LBB2_2-.Ltmp0, $4  }
0x7f: {  	[spmem:s1] =	stream.indirect.scatter.add.f32 [tilespmem:s24], [sflag:$0x5], $0x1, s0, s19, $0xb8;
	[tilespmem:$0x56F8] =	vst v63  }
0x80: {  	_ =	swait.ge [sflag:s16], $0x80  }
0x81: {  	[sflag:s16] =	ssyncset.done $0x0  }
0x82: {  	s31 =	sadd.s32 $0x380, s31;
	[sflag:s16] =	ssyncadd.s32 $0xFFFFFF80  }
0x83: {  	[tilespmem:s24], [sflag:$0x4] =	stream.indirect.gather [spmem:s2], $0x1, s31, s19, $0xb8;
	[tilespmem:$0x56F8] =	vst v63  }
0x84: {  	_ =	swait.ge [sflag:s25], $0x80  }
0x85: {  	[sflag:s25] =	ssyncset.done $0x0  }
0x86: {  	s0 =	simm.s32 $0x4E00;
	[sflag:s25] =	ssyncadd.s32 $0xFFFFFF80  }
0x87: {  	[spmem:s1] =	stream.indirect.scatter.add.f32 [tilespmem:s15], [sflag:$0x5], $0x1, s0, s19, $0xb8;
	[tilespmem:$0x56F8] =	vst v63  }
0x88: {  	_ =	swait.ge [sflag:s16], $0x80  }
0x89: {  	[sflag:s16] =	ssyncset.done $0x0  }
0x8a: {  	[sflag:s16] =	ssyncadd.s32 $0xFFFFFF80  }
0x8b: {  	_ =	swait.ge [sflag:s26], $0x80  }
0x8c: {  	[sflag:s26] =	ssyncset.done $0x0  }
0x8d: {  	s31 =	simm.s32 $0x4E80;
	[sflag:s26] =	ssyncadd.s32 $0xFFFFFF80  }
0x8e: {  	[spmem:s1] =	stream.indirect.scatter.add.f32 [tilespmem:s20], [sflag:$0x5], $0x1, s31, s19, $0xb8;
	[tilespmem:$0x56F8] =	vst v63  }
0x8f: {  	_ =	swait.ge [sflag:s16], $0x80  }
0x90: {  	[sflag:s16] =	ssyncset.done $0x0  }
0x91: {  	[sflag:s16] =	ssyncadd.s32 $0xFFFFFF80  }
0x92: {  	_ =	swait.ge [sflag:s28], $0x80  }
0x93: {  	[sflag:s28] =	ssyncset.done $0x0  }
0x94: {  	s30 =	simm.s32 $0x4F00;
	[sflag:s28] =	ssyncadd.s32 $0xFFFFFF80  }
0x95: {  	[spmem:s1] =	stream.indirect.scatter.add.f32 [tilespmem:s22], [sflag:$0x5], $0x1, s30, s19, $0xb8;
	[tilespmem:$0x56F8] =	vst v63  }
0x96: {  	_ =	swait.ge [sflag:s16], $0x80  }
0x97: {  	[sflag:s16] =	ssyncset.done $0x0  }
0x98: {  	[sflag:s16] =	ssyncadd.s32 $0xFFFFFF80  }
0x99: {  	_ =	swait.ge [sflag:s29], $0x80  }
0x9a: {  	[sflag:s29] =	ssyncset.done $0x0  }
0x9b: {  	[sflag:s29] =	ssyncadd.s32 $0xFFFFFF80  }
0x9c: {  	[spmem:s1] =	stream.indirect.scatter.add.f32 [tilespmem:s24], [sflag:$0x5], $0x1, s3, s19, $0xb8;
	[tilespmem:$0x56F8] =	vst v63  }
0x9d: {  	s31 =	stileid.u32;
	_ =	swait.ge [sflag:s16], $0x80  }
0x9e: {  	s23 =	sadd.s32 $0x1, s23;
	s0 =	sshll.u32 s31, $0x6;
	[sflag:s16] =	ssyncset.done $0x0  }
0x9f: {  	p1 =	sne.s32 s23, s14;
	s0 =	sor.u32 $0x1C05, s0;
	[sflag:s16] =	ssyncadd.s32 $0xFFFFFF80  }
.Ltmp1:
0xa0: {  	s30 =	sshrl.u32 s6, $0x3;
	[bflag:$0x0] =	sbarrier.arrive $0xFFFF;
	(pc) =	sbr.rel @p1 .LBB2_1-.Ltmp1, $4  }
0xa1: {  	[hbm:s13@s18], [sflag:s0] =	dma.strided [spmem:s30@s21], $0x50, s25, $0x10   }
0xa2: {  	_ =	swait.ge [sflag:s16], $0x50  }
0xa3: {  	[sflag:s16] =	ssyncset.done $0x0  }
0xa4: {  	[sflag:s16] =	ssyncadd.s32 $0xFFFFFFB0  }
0xa5: {  	_ =	sfence.sel $0x180000  }
0xa6: {  	[bflag:$0x0] =	sbarrier.arrive $0xFFFF  }
0xa7: {  	_ =	strace $0x9000004D  }
0xa8: {  	[bflag:$0x2] =	sbarrier.arrive $0xFFFF  }
0xa9: {  	s0 =	rddreg [dreg:$0x3]  }
0xaa: {  	s0 =	sadd.s32 @!p0 $0x100000, s0  }
0xab: {  	[sflag:s0] =	ssyncadd.tile.s32 @!p0 $0x1;
	_ =	shalt  }
.Lfunc_end2:
_tile_overlayer_lowered:
.L_overlay_start_2:
0xac: {  	(tag) =	ssettag $0x2  }
0xad: {  	s0 =	rddreg [dreg:$0x0];
	s2 =	stileid.u32  }
0xae: {  	s1 =	rddreg [dreg:$0x1];
	p0 =	sne.s32 s2, $0x0  }
0xaf: {  	s3 =	rddreg [dreg:$0x2];
	[bflag:$0x3] =	sbarrier.arrive $0xFFFF;
	s2 =	simm.s32 @!p0 $0x1C05  }
0xb0: {  	[timem:s3], [sflag:s2] =	dma.local @!p0 [hbm:s0], s1  }
0xb1: {  	s0 =	simm.s32 @!p0 $0x5  }
0xb2: {  	_ =	swait.ge @!p0 [sflag:s0], s1  }
0xb3: {  	s1 =	ssub.s32 @!p0 $0x0, s1;
	[sflag:s0] =	ssyncset.done @!p0 $0x0  }
0xb4: {  	[sflag:s0] =	ssyncadd.s32 @!p0 s1  }
0xb5: {  	[bflag:$0x3] =	sbarrier.arrive $0xFFFF  }
0xb6: {  	_ =	shalt  }

// kernel: kernel.8.cloned.1.call-start
scs
__scs_entry_jumppad:
0x0: {  	(pc) =	sbr.rel $0x88, $3  }
0x1: {  	(tag) =	ssettag $0x0;
	lr =	simm.s32 $0x1  }
0x2: {  	[smem:$0x3F9B] =	sst lr;
	_ =	strace $0xD0000000  }
0x3: {  	_ = 	snop  }
0x4: {  	_ = 	snop  }
0x5: {  	_ = 	snop  }
0x6: {  	_ = 	snop  }
0x7: {  	_ = 	snop  }
__scs_overlays_trampoline_lowered:
0x8: {  	[smem:$0x3FAA] =	sst s0  }
0x9: {  	[smem:$0x3FAB] =	sst s1  }
0xa: {  	[smem:$0x3FAC] =	sst s2  }
0xb: {  	[smem:$0x3FAD] =	sst s3  }
0xc: {  	[smem:$0x3FAE] =	sst s4  }
0xd: {  	[smem:$0x3FAF] =	sst s5  }
0xe: {  	[smem:$0x3FB0] =	sst s6  }
0xf: {  	[smem:$0x3FB1] =	sst s7  }
0x10: {  	[smem:$0x3FB2] =	sst s8  }
0x11: {  	[smem:$0x3FB3] =	sst s9;
	s0 =	simm.s32 @!p0 $0x0  }
0x12: {  	s1 =	sld [smem:$0x3F99];
	s0 =	simm.s32 @p0 $0x1  }
0x13: {  	[smem:$0x3FB4] =	sst s0;
	s0 =	simm.s32 @!p1 $0x0  }
0x14: {  	s2 =	sld [smem:$0x3F98];
	s0 =	simm.s32 @p1 $0x1  }
0x15: {  	[smem:$0x3FB5] =	sst s0;
	s0 =	simm.s32 @!p2 $0x0  }
0x16: {  	s3 =	sld [smem:$0x3FDB];
	s0 =	simm.s32 @p2 $0x1  }
0x17: {  	s4 =	simm.s32 $0x1BF5;
	[smem:$0x3FB7] =	sst s0  }
0x18: {  	s0 =	sld [smem:$0x3F9A];
	_ =	swait.ge [sflag:s4], $0x0  }
0x19: {  	s7 =	sld [smem:$0x3F9B]  }
0x1a: {  	s8 =	sadd.s32 $0xFFFFE003, lr  }
0x1b: {  	s9 =	sadd.s32 $0xFFFFFEF7, lr;
	s5 =	simm.s32 $0xFFFFFFFF;
	p2 =	slt.u32 s8, $0xFFFFF086  }
0x1c: {  	p1 =	slt.u32 s9, $0xF7A;
	s5 =	simm.s32 @!p2 $0x0  }
0x1d: {  	s5 =	simm.s32 @p1 $0x1;
	p0 =	seq.s32 s7, s2  }
0x1e: {  	s7 =	smul.u32 @!p0 $0xF7A, s2;
	p2 =	seq.s32 @!p0 s5, $0x0  }
0x1f: {  	s9 =	smul.u32 $0xF7A, s1;
	s8 =	simm.s32 @!p0 $0x1BF5;
	p2 =	por !p2, p0  }
0x20: {  	[sflag:s8] =	ssyncset.s32 @!p0 $0xFFFFF086;
	s6 =	sadd.s32 @!p0 s3, s7;
	s7 =	simm.s32 @!p0 $0x108  }
0x21: {  	s3 =	sadd.s32 s3, s9;
	s6 =	sadd.s32 @!p0 $0x88, s6;
	s7 =	simm.s32 @p2 $0x1082  }
0x22: {  	[simem:s7], [sflag:s8] =	dma.local @!p0 [hbm:s6], $0xF7A  }
0x23: {  	s9 =	sor.u32 $0xD0000000, s2;
	s6 =	simm.s32 $0x108;
	_ =	swait.ge @!p0 [sflag:s8], $0x0  }
0x24: {  	s3 =	sadd.s32 $0x88, s3;
	s6 =	simm.s32 @!p1 $0x1082;
	[sflag:s4] =	ssyncset.s32 $0xFFFFF086  }
0x25: {  	[simem:s6], [sflag:s4] =	dma.local [hbm:s3], $0xF7A  }
0x26: {  	[smem:$0x3F9B] =	sst s1;
	(tag) =	ssettag s2;
	_ =	strace s9  }
0x27: {  	s1 =	sld [smem:$0x3FAB]  }
0x28: {  	s2 =	sld [smem:$0x3FAC]  }
0x29: {  	s4 =	sld [smem:$0x3FAE]  }
0x2a: {  	p0 =	seq.s32 s5, $0x0;
	s5 =	sld [smem:$0x3FAF]  }
0x2b: {  	s6 =	sld [smem:$0x3FB0]  }
0x2c: {  	s7 =	sld [smem:$0x3FB1]  }
0x2d: {  	s3 =	simm.s32 $0x108;
	s8 =	sld [smem:$0x3FB2]  }
0x2e: {  	s3 =	simm.s32 @!p0 $0x1082;
	s9 =	sld [smem:$0x3FB3]  }
0x2f: {  	lr =	sadd.s32 s0, s3;
	s0 =	sld [smem:$0x3FAA]  }
0x30: {  	s3 =	sld [smem:$0x3FAD]  }
0x31: {  	[smem:$0x3FB6] =	sst s10  }
0x32: {  	s10 =	sld [smem:$0x3FB4];
	_ =	sdelay $0x3  }
0x33: {  	p0 =	seq.s32 s10, $0x1;
	s10 =	sld [smem:$0x3FB6];
	_ =	sdelay $0x3  }
0x34: {  	[smem:$0x3FB6] =	sst s10  }
0x35: {  	s10 =	sld [smem:$0x3FB5];
	_ =	sdelay $0x3  }
0x36: {  	p1 =	seq.s32 s10, $0x1;
	s10 =	sld [smem:$0x3FB6];
	_ =	sdelay $0x3  }
0x37: {  	[smem:$0x3FB6] =	sst s10  }
0x38: {  	s10 =	sld [smem:$0x3FB7]  }
0x39: {  	_ = 	snop;
	(pc) =	sbr.ind lr, $3  }
0x3a: {  	_ = 	snop  }
0x3b: {  	_ = 	snop  }
0x3c: {  	p2 =	seq.s32 s10, $0x1;
	s10 =	sld [smem:$0x3FB6]  }
0x3d: {  	_ =	shalt  }
0x3e: {  	_ =	shalt  }
0x3f: {  	_ =	shalt  }
0x40: {  	_ =	shalt  }
0x41: {  	_ =	shalt  }
0x42: {  	_ =	shalt  }
0x43: {  	_ =	shalt  }
0x44: {  	_ =	shalt  }
0x45: {  	_ =	shalt  }
0x46: {  	_ =	shalt  }
0x47: {  	_ =	shalt  }
0x48: {  	_ =	shalt  }
0x49: {  	_ =	shalt  }
0x4a: {  	_ =	shalt  }
0x4b: {  	_ =	shalt  }
0x4c: {  	_ =	shalt  }
0x4d: {  	_ =	shalt  }
0x4e: {  	_ =	shalt  }
0x4f: {  	_ =	shalt  }
0x50: {  	_ =	shalt  }
0x51: {  	_ =	shalt  }
0x52: {  	_ =	shalt  }
0x53: {  	_ =	shalt  }
0x54: {  	_ =	shalt  }
0x55: {  	_ =	shalt  }
0x56: {  	_ =	shalt  }
0x57: {  	_ =	shalt  }
0x58: {  	_ =	shalt  }
0x59: {  	_ =	shalt  }
0x5a: {  	_ =	shalt  }
0x5b: {  	_ =	shalt  }
0x5c: {  	_ =	shalt  }
0x5d: {  	_ =	shalt  }
0x5e: {  	_ =	shalt  }
0x5f: {  	_ =	shalt  }
0x60: {  	_ =	shalt  }
0x61: {  	_ =	shalt  }
0x62: {  	_ =	shalt  }
0x63: {  	_ =	shalt  }
0x64: {  	_ =	shalt  }
0x65: {  	_ =	shalt  }
0x66: {  	_ =	shalt  }
0x67: {  	_ =	shalt  }
0x68: {  	_ =	shalt  }
0x69: {  	_ =	shalt  }
0x6a: {  	_ =	shalt  }
0x6b: {  	_ =	shalt  }
0x6c: {  	_ =	shalt  }
0x6d: {  	_ =	shalt  }
0x6e: {  	_ =	shalt  }
0x6f: {  	_ =	shalt  }
0x70: {  	_ =	shalt  }
0x71: {  	_ =	shalt  }
0x72: {  	_ =	shalt  }
0x73: {  	_ =	shalt  }
0x74: {  	_ =	shalt  }
0x75: {  	_ =	shalt  }
0x76: {  	_ =	shalt  }
0x77: {  	_ =	shalt  }
0x78: {  	_ =	shalt  }
0x79: {  	_ =	shalt  }
0x7a: {  	_ =	shalt  }
0x7b: {  	_ =	shalt  }
0x7c: {  	_ =	shalt  }
0x7d: {  	_ =	shalt  }
0x7e: {  	_ =	shalt  }
0x7f: {  	_ =	shalt  }
0x80: {  	_ =	shalt  }
0x81: {  	_ =	shalt  }
0x82: {  	_ =	shalt  }
0x83: {  	_ =	shalt  }
0x84: {  	_ =	shalt  }
0x85: {  	_ =	shalt  }
0x86: {  	_ =	shalt  }
0x87: {  	_ =	shalt  }
.Lfunc_end0:
.L_simem_size_0:
called_computation_lowered:
.L_overlay_start_0:
0x88: {  	s2 =	sld [smem:$0x3FD9]  }
0x89: {  	s3 =	sld [smem:$0x3FFE];
	_ =	sdelay $0x1  }
0x8a: {  	s1 =	srdreg.scid  }
0x8b: {  	s0 =	sand.u32 $0x1, s1  }
0x8c: {  	s16 =	sshll.u32 s0, $0xA;
	s2 =	sadd.s32 s3, s2  }
0x8d: {  	s2 =	sadd.s32 s2, s16  }
0x8e: {  	[smem:$0x3FC2] =	sst s2  }
0x8f: {  	_ = 	snop  }
0x90: {  	(tm) =	ssettm $0x1  }
0x91: {  	s17 =	sld [smem:$0x3FFB];
	_ =	sdelay $0x3  }
0x92: {  	_ =	strace s17  }
0x93: {  	s2 =	sld [smem:$0x3FFC];
	_ =	sdelay $0x3  }
0x94: {  	_ =	strace s2  }
0x95: {  	s2 =	sld [smem:$0x3FFD];
	_ =	sdelay $0x3  }
0x96: {  	_ =	strace s2  }
0x97: {  	_ =	strace $0x8FFFFFFF  }
0x98: {  	s18 =	sld [smem:$0x3FDB];
	_ =	sdelay $0x1  }
0x99: {  	s19 =	simm.s32 $_scs_section_size  }
0x9a: {  	s4 =	simm.s32 $_size__tile_overlayer_lowered;
	s5 =	simm.s32 $_tile_overlayer_lowered  }
0x9b: {  	s22 =	simm.s32 $0x1BFF;
	s21 =	sshll.u32 s5, $0x1;
	s2 =	sadd.s32 s19, s18  }
0x9c: {  	s6 =	simm.s32 $0x0;
	s20 =	sshll.u32 s4, $0x1;
	s4 =	sadd.s32 s21, s2  }
0x9d: {  	[timem:s6], [sflag:s22] =	dma.local [hbm:s4], s20  }
0x9e: {  	_ =	swait.ge [sflag:s22], s20  }
0x9f: {  	s3 =	ssub.s32 $0x0, s20;
	[sflag:s22] =	ssyncset.done $0x0  }
0xa0: {  	[sflag:s22] =	ssyncadd.s32 s3;
	_ =	sdelay $0x1  }
0xa1: {  	s23 =	simm.s32 $0x1B8B  }
0xa2: {  	_ =	swait.ge [sflag:s23], $0x1  }
0xa3: {  	[sflag:s23] =	ssyncset.done $0x0  }
0xa4: {  	s25 =	simm.s32 $0x1B8E;
	s24 =	sld [smem:$0x3FFE];
	[sflag:s23] =	ssyncadd.s32 $0xFFFFFFFF  }
0xa5: {  	s26 =	simm.s32 $execute0_lowered;
	[smem:$0x3FD2] =	sst s25  }
0xa6: {  	s4 =	sshll.u32 s26, $0x1;
	_ =	strace $0x80000046;
	[dreg:$0x1] =	wrdreg $0xFFFFFFFF  }
0xa7: {  	s28 =	simm.s32 $_size_execute0_lowered;
	s2 =	sadd.s32 s2, s4;
	[dreg:$0x0] =	wrdreg $0x0  }
0xa8: {  	s4 =	sshll.u32 s28, $0x1;
	[dreg:$0x2] =	wrdreg s2  }
0xa9: {  	[dreg:$0x3] =	wrdreg s4  }
0xaa: {  	[dreg:$0x4] =	wrdreg $0xC0  }
0xab: {  	_ =	task [dreg:s6], $0x5FFFF  }
0xac: {  	[dreg:$0x1] =	wrdreg $0xFFFFFFFF  }
0xad: {  	[dreg:$0x0] =	wrdreg $0x60  }
0xae: {  	[dreg:$0x2] =	wrdreg s24  }
0xaf: {  	[dreg:$0x3] =	wrdreg $0x29000  }
0xb0: {  	[dreg:$0x4] =	wrdreg $0x9  }
0xb1: {  	_ =	task.clear_ibuf [dreg:s6], $0x5FFFF;
	_ =	strace $0x90000046  }
0xb2: {  	s29 =	simm.s32 $0x9;
	_ =	strace $0x80000048  }
0xb3: {  	_ =	swait.ge [sflag:s29], $0x1  }
0xb4: {  	[sflag:s29] =	ssyncadd.s32 $0xFFFFFFFF  }
0xb5: {  	_ =	strace $0x90000048  }
0xb6: {  	_ =	sfence  }
0xb7: {  	s30 =	sld [smem:$0x0];
	_ =	sdelay $0x2  }
0xb8: {  	s31 =	sshll.u32 s1, $0xD;
	s1 =	sshrl.u32 s1, $0x2  }
0xb9: {  	s3 =	sand.u32 $0x4000, s31;
	s1 =	sadd.s32 s1, s30  }
0xba: {  	s0 =	sor.u32 s3, s0;
	s1 =	sshll.u32 s1, $0x11  }
0xbb: {  	s0 =	sor.u32 s1, s0  }
0xbc: {  	s0 =	sadd.s32 $0x8F2B, s0  }
0xbd: {  	[sflag:s0] =	ssyncadd.remote.s32 $0x1  }
0xbe: {  	_ =	sfence.sel $0xFFFF  }
0xbf: {  	[dreg:$0x0] =	wrdreg $0xFFFFFFFF;
	(pc) =	sbr.abs _section_cstart, $3  }
0xc0: {  	[dreg:$0x1] =	wrdreg $0xFFFFFFFF  }
0xc1: {  	_ =	task.clear_ibuf [dreg:s6], $0x2FFFF;
	_ =	strace $0x9FFFFFFF  }
0xc2: {  	(tm) =	ssettm $0x7FFFFFFF  }
0xc3: {  	_ =	shalt  }
tec
execute0_lowered:
.L_overlay_start_1:
0x0: {  	(tag) =	ssettag $0x1  }
0x1: {  	s0 =	srdreg.scid;
	s5 =	rddreg [dreg:$0x0]  }
0x2: {  	s2 =	rddreg [dreg:$0x1];
	s3 =	simm.s32 $0x0;
	s13 =	simm.s32 $0x1  }
0x3: {  	s14 =	simm.s32 $0x80;
	s15 =	simm.s32 $0x2800;
	s18 =	simm.s32 $0x20  }
0x4: {  	s19 =	simm.s32 $0x10;
	s4 =	sand.u32 $0x1, s0;
	s0 =	stileid.u32  }
0x5: {  	s20 =	simm.s32 $0x0;
	[smem:$0x7FF] =	sst s3;
	s7 =	smul.u32 $0x500, s0  }
0x6: {  	s1 =	sshll.u32 s4, $0x4;
	s8 =	sshll.u32 s4, $0x7;
	s9 =	smul.u32 $0xA00, s0  }
0x7: {  	s29 =	ssub.s32 $0x2, s4;
	s16 =	sshll.u32 s0, $0x6;
	s1 =	sor.u32 s0, s1  }
0x8: {  	s31 =	sshrl.u32 s29, $0x1;
	s16 =	sor.u32 $0x1C01, s16;
	s6 =	smul.u32 $0x500, s1  }
0x9: {  	s1 =	rddreg [dreg:$0x2];
	_ =	strace $0x80000047;
	s30 =	sshrl.u32 s9, $0x2  }
0xa: {  	s28 =	sor.u32 s8, s7;
	s12 =	ssub.s32 s29, s31;
	s4 =	sadd.s32 s30, s2  }
0xb: {  	s10 =	sadd.s32 s6, s5;
	s6 =	sshrl.u32 s28, $0x3;
	s7 =	sadd.s32 $0x180, s4  }
0xc: {  	s8 =	sadd.s32 $0x200, s4;
	s17 =	sshrl.u32 s4, $0x3;
	s11 =	sadd.s32 s6, s5  }
0xd: {  	s5 =	sadd.s32 $0x80, s4;
	s6 =	sadd.s32 $0x100, s4;
	s9 =	sadd.s32 $0x2400, s10  }
0xe: {  	v0 =	vimm.f32 $1.000000000e+00;
	v1 =	vimm.f32 $0.0e+00;
	s10 =	sadd.s32 $0x16400, s11;
	s11 =	smax.u32 s12, $0x1;
	s12 =	simm.s32 $0x2880  }
.LBB2_1:
0xf: {  	[tilespmem:$0x2800] =	vst v0  }
0x10: {  	[tilespmem:$0x2880] =	vst v1  }
0x11: {  	[tilespmem:$0x2810] =	vst v0  }
0x12: {  	[tilespmem:$0x2890] =	vst v1  }
0x13: {  	[tilespmem:$0x2820] =	vst v0  }
0x14: {  	[tilespmem:$0x28A0] =	vst v1  }
0x15: {  	[tilespmem:$0x2830] =	vst v0  }
0x16: {  	[tilespmem:$0x28B0] =	vst v1  }
0x17: {  	[tilespmem:$0x2840] =	vst v0  }
0x18: {  	[tilespmem:$0x28C0] =	vst v1  }
0x19: {  	[tilespmem:$0x2850] =	vst v0  }
0x1a: {  	[tilespmem:$0x28D0] =	vst v1  }
0x1b: {  	[tilespmem:$0x2860] =	vst v0  }
0x1c: {  	[tilespmem:$0x28E0] =	vst v1  }
0x1d: {  	[tilespmem:$0x2870] =	vst v0  }
0x1e: {  	[tilespmem:$0x28F0] =	vst v1  }
0x1f: {  	[spmem:s4] =	stream.linear.scatter [tilespmem:s12], [sflag:$0x1], $0x80, $0x38;
	[tilespmem:$0x2B80] =	vst v63  }
0x20: {  	_ =	swait.ge [sflag:s13], $0x80  }
0x21: {  	[sflag:s13] =	ssyncset.done $0x0  }
0x22: {  	[sflag:s13] =	ssyncadd.s32 $0xFFFFFF80  }
0x23: {  	[spmem:s5] =	stream.linear.scatter [tilespmem:s12], [sflag:$0x1], $0x80, $0x38;
	[tilespmem:$0x2B80] =	vst v63  }
0x24: {  	_ =	swait.ge [sflag:s13], $0x80  }
0x25: {  	[sflag:s13] =	ssyncset.done $0x0  }
0x26: {  	[sflag:s13] =	ssyncadd.s32 $0xFFFFFF80  }
0x27: {  	[spmem:s6] =	stream.linear.scatter [tilespmem:s12], [sflag:$0x1], $0x80, $0x38;
	[tilespmem:$0x2B80] =	vst v63  }
0x28: {  	_ =	swait.ge [sflag:s13], $0x80  }
0x29: {  	[sflag:s13] =	ssyncset.done $0x0  }
0x2a: {  	[sflag:s13] =	ssyncadd.s32 $0xFFFFFF80  }
0x2b: {  	[spmem:s7] =	stream.linear.scatter [tilespmem:s12], [sflag:$0x1], $0x80, $0x38;
	[tilespmem:$0x2B80] =	vst v63  }
0x2c: {  	_ =	swait.ge [sflag:s13], $0x80  }
0x2d: {  	[sflag:s13] =	ssyncset.done $0x0  }
0x2e: {  	[sflag:s13] =	ssyncadd.s32 $0xFFFFFF80  }
0x2f: {  	[spmem:s8] =	stream.linear.scatter [tilespmem:s12], [sflag:$0x1], $0x80, $0x38;
	[tilespmem:$0x2B80] =	vst v63  }
0x30: {  	_ =	swait.ge [sflag:s13], $0x80  }
0x31: {  	[sflag:s13] =	ssyncset.done $0x0  }
0x32: {  	[sflag:s13] =	ssyncadd.s32 $0xFFFFFF80  }
0x33: {  	[tilespmem:s3], [sflag:$0x1] =	stream.linear.gather [hbm4b:s9+s3], $0x2800, $0x38;
	[tilespmem:$0x2B80] =	vst v63  }
0x34: {  	_ =	swait.ge [sflag:s13], $0x2800  }
0x35: {  	[sflag:s13] =	ssyncset.done $0x0  }
0x36: {  	[sflag:s13] =	ssyncadd.s32 $0xFFFFD800  }
0x37: {  	s21 =	simm.s32 $0x0;
	[bflag:$0x0] =	sbarrier.arrive $0xFFFF  }
0x38: {  	[spmem:s2] =	stream.indirect.scatter.add.f32 [tilespmem:s15], [sflag:$0x1], $0x1, s21, s14, $0xb8;
	[tilespmem:$0x2B80] =	vst v63  }
0x39: {  	_ =	swait.ge [sflag:s13], $0x80  }
0x3a: {  	s21 =	simm.s32 $0x200;
	[sflag:s13] =	ssyncset.done $0x0  }
.LBB2_2:
0x3b: {  	s22 =	sshra.s32 s21, $0x2;
	[sflag:s13] =	ssyncadd.s32 $0xFFFFFF80;
	p0 =	sne.s32 s21, $0x9E00  }
0x3c: {  	[spmem:s2] =	stream.indirect.scatter.add.f32 [tilespmem:s15], [sflag:$0x1], $0x1, s22, s14, $0xb8;
	[tilespmem:$0x2B80] =	vst v63  }
.Ltmp0:
0x3d: {  	_ = 	snop;
	(pc) =	sbr.rel @p0 .LBB2_2-.Ltmp0, $4  }
0x3e: {  	_ = 	snop  }
0x3f: {  	s21 =	sadd.s32 $0x200, s21  }
0x40: {  	_ =	swait.ge [sflag:s13], $0x80  }
0x41: {  	[sflag:s13] =	ssyncset.done $0x0  }
0x42: {  	s20 =	sadd.s32 $0x1, s20  }
0x43: {  	[sflag:s13] =	ssyncadd.s32 $0xFFFFFF80;
	p0 =	sne.s32 s20, s11  }
.Ltmp1:
0x44: {  	[bflag:$0x0] =	sbarrier.arrive $0xFFFF;
	(pc) =	sbr.rel @p0 .LBB2_1-.Ltmp1, $4  }
0x45: {  	[hbm:s10@s18], [sflag:s16] =	dma.strided [spmem:s17@s19], $0x50, s13, $0x10   }
0x46: {  	_ =	swait.ge [sflag:s13], $0x50  }
0x47: {  	[sflag:s13] =	ssyncset.done $0x0  }
0x48: {  	[sflag:s13] =	ssyncadd.s32 $0xFFFFFFB0  }
0x49: {  	_ =	sfence.sel $0x180000  }
0x4a: {  	[bflag:$0x0] =	sbarrier.arrive $0xFFFF  }
0x4b: {  	p0 =	sne.s32 s0, $0x0;
	_ =	strace $0x90000047  }
0x4c: {  	s0 =	sadd.s32 @!p0 $0x100000, s1;
	[bflag:$0x2] =	sbarrier.arrive $0xFFFF  }
0x4d: {  	[sflag:s0] =	ssyncadd.tile.s32 @!p0 $0x1;
	_ =	shalt  }
.Lfunc_end2:
_tile_overlayer_lowered:
.L_overlay_start_2:
0x4e: {  	(tag) =	ssettag $0x2  }
0x4f: {  	s0 =	rddreg [dreg:$0x0];
	s2 =	stileid.u32  }
0x50: {  	s1 =	rddreg [dreg:$0x1];
	p0 =	sne.s32 s2, $0x0  }
0x51: {  	s3 =	rddreg [dreg:$0x2];
	[bflag:$0x3] =	sbarrier.arrive $0xFFFF;
	s2 =	simm.s32 @!p0 $0x1C01  }
0x52: {  	[timem:s3], [sflag:s2] =	dma.local @!p0 [hbm:s0], s1  }
0x53: {  	s0 =	simm.s32 @!p0 $0x1  }
0x54: {  	_ =	swait.ge @!p0 [sflag:s0], s1  }
0x55: {  	s1 =	ssub.s32 @!p0 $0x0, s1;
	[sflag:s0] =	ssyncset.done @!p0 $0x0  }
0x56: {  	[sflag:s0] =	ssyncadd.s32 @!p0 s1  }
0x57: {  	[bflag:$0x3] =	sbarrier.arrive $0xFFFF  }
0x58: {  	_ =	shalt  }

</sc_bundles>
